<compile_context>
chip_gen: v7x
topology: tpu7x:2x2x1
jax: 0.10.2.dev20260603
libtpu: 0.0.44.dev20260713+nightly
codegen_flags: <defaults>
</compile_context>

<pallas_src>
import functools

import jax
import jax.numpy as jnp
from jax import lax
from jax.experimental import pallas as pl
from jax.experimental.pallas import tpu as pltpu
from jax.experimental.pallas import tpu_sc as plsc

_N = 10000
_P = 1024
_G = 14
_NPAD = 10304
_R = _NPAD // _G
_QB = 16
_GRID = _P // _QB
_H1 = 18 * _G
_H2 = 9 * _G
_H3 = 6 * _G


def _sc_gather_centers(table, idx):
    nw = 32
    bpw = _P // nw
    mesh = plsc.VectorSubcoreMesh(core_axis_name="c", subcore_axis_name="s")

    @functools.partial(
        pl.kernel,
        mesh=mesh,
        out_type=jax.ShapeDtypeStruct((_P, 128), jnp.float32),
        scratch_types=[
            pltpu.VMEM((bpw,), jnp.int32),
            pltpu.VMEM((bpw, 128), jnp.float32),
            pltpu.SemaphoreType.DMA,
        ],
    )
    def k(table_hbm, idx_hbm, out_hbm, idx_v, rows_v, sem):
        wid = lax.axis_index("s") * 2 + lax.axis_index("c")
        base = wid * bpw
        pltpu.sync_copy(idx_hbm.at[pl.ds(base, bpw)], idx_v)
        pltpu.async_copy(table_hbm.at[idx_v], rows_v, sem).wait()
        pltpu.sync_copy(rows_v, out_hbm.at[pl.ds(base, bpw)])

    return k(table, idx)


def _tc_body(mask_ref, cent_ref, d6_ref, dp_ref,
             w0c_ref, w2c_ref, b2c_ref, w3c_ref, b3c_ref,
             wcf_ref, wcs_ref, e28_ref, wfin_ref,
             out_ref, ac_scr):
    f32 = jnp.float32
    bf16 = jnp.bfloat16

    @pl.when(pl.program_id(0) == 0)
    def _():
        ac_scr[...] = jnp.dot(dp_ref[...], w0c_ref[...],
                              preferred_element_type=f32)

    d6 = d6_ref[...]
    findT = (d6 > 0.0).astype(bf16)
    sindT = (d6 < 1.0).astype(bf16)
    ac = ac_scr[...]
    w2c = w2c_ref[...]; b2c = b2c_ref[...]
    w3c = w3c_ref[...]; b3c = b3c_ref[...]
    e28 = e28_ref[...]
    wfin = wfin_ref[...]
    cent = cent_ref[0]
    bf_all = jnp.dot(cent, wcf_ref[...], preferred_element_type=f32)
    bs_all = jnp.dot(cent, wcs_ref[...], preferred_element_type=f32)

    btc_all = jnp.concatenate([bf_all] * _G + [bs_all] * _G, axis=1)

    for i in range(0, _QB, 4):
        aa = [jnp.tanh(ac + btc_all[i + j:i + j + 1, :]).astype(bf16)
              for j in range(4)]
        dd = [jnp.dot(a, w2c, preferred_element_type=f32) for a in aa]
        qq = [jnp.tanh(d + b2c).astype(bf16) for d in dd]
        pp = [jnp.dot(q, w3c, preferred_element_type=f32) for q in qq]
        hh = [jnp.tanh(p + b3c).astype(bf16) for p in pp]

        for k, h3b in ((i, hh[0]), (i + 1, hh[1]), (i + 2, hh[2]),
                       (i + 3, hh[3])):
            mT = mask_ref[k]
            wfT = mT * findT
            wsT = mT * sindT
            lhs = jnp.concatenate([wfT, wsT], axis=0)
            t = jnp.dot(lhs, h3b, preferred_element_type=f32)
            ts = jnp.sum(t * e28, axis=0, keepdims=True)
            s6f = ts[:, 0:6]
            s6s = ts[:, _H3:_H3 + 6]
            for gg in range(1, _G):
                s6f = s6f + ts[:, 6 * gg:6 * gg + 6]
                s6s = s6s + ts[:, _H3 + 6 * gg:_H3 + 6 * gg + 6]
            cf = jnp.sum(wfT.astype(f32), axis=(0, 1), keepdims=True)
            cs = jnp.sum(wsT.astype(f32), axis=(0, 1), keepdims=True)
            v = jnp.concatenate([s6f, s6s, cf, cs], axis=1)
            out_ref[0, k, :] = jnp.dot(v, wfin, preferred_element_type=f32)[0]


def kernel(mask, index, current_data, fw0, fb0, fw1, fb1, fw2, fb2, fw3, fb3,
           sw0, sb0, sw1, sb1, sw2, sb2, sw3, sb3):
    f32 = jnp.float32
    data = current_data.astype(f32)

    data128 = jnp.zeros((_NPAD, 128), f32)
    data128 = data128.at[:_N, :7].set(data)
    data128 = data128.at[:, 7].set(1.0)

    data_packed = (data128[:, :8].reshape(_G, _R, 8)
                   .transpose(1, 0, 2).reshape(_R, _G * 8))
    d6_t = data128[:, 6].reshape(_G, _R)
    mask3 = (jnp.pad(mask, ((0, 0), (0, _NPAD - _N)))
             .astype(jnp.bfloat16).reshape(_P, _G, _R))

    index_i = index.astype(jnp.int32)
    centers = _sc_gather_centers(data128, index_i)
    cent3 = centers[:, :16].reshape(_GRID, _QB, 16)

    bf16 = jnp.bfloat16
    eye = jnp.eye(_G, dtype=f32)
    w0f_a = jnp.zeros((8, 18), f32).at[:7].set(fw0[:7])
    w0s_a = jnp.zeros((8, 18), f32).at[:3].set(sw0[:3])
    w0c = jnp.concatenate([jnp.kron(eye, w0f_a), jnp.kron(eye, w0s_a)],
                          axis=1)
    z = jnp.zeros
    w2c = jnp.block([[jnp.kron(eye, fw1), z((_H1, _H2), f32)],
                     [z((_H1, _H2), f32), jnp.kron(eye, sw1)]]).astype(bf16)
    w3c = jnp.block([[jnp.kron(eye, fw2), z((_H2, _H3), f32)],
                     [z((_H2, _H3), f32), jnp.kron(eye, sw2)]]).astype(bf16)
    b2c = jnp.concatenate([jnp.tile(fb1, _G), jnp.tile(sb1, _G)])[None, :]
    b3c = jnp.concatenate([jnp.tile(fb2, _G), jnp.tile(sb2, _G)])[None, :]
    wcf = (jnp.zeros((16, 18), f32)
           .at[0:3].set(-fw0[0:3]).at[3:7].set(fw0[7:11]).at[7].set(fb0))
    wcs = (jnp.zeros((16, 18), f32)
           .at[0:3].set(-sw0[0:3]).at[3:7].set(sw0[3:7]).at[7].set(sb0))
    eg = jnp.kron(eye, jnp.ones((1, 6), f32))
    e28 = jnp.block([[eg, z((_G, _H3), f32)], [z((_G, _H3), f32), eg]])
    wfin = (jnp.zeros((14, 3), f32)
            .at[0:6].set(fw3).at[6:12].set(sw3).at[12].set(fb3).at[13].set(sb3))

    full = lambda shape: pl.BlockSpec(shape, lambda i: tuple(0 for _ in shape))
    out = pl.pallas_call(
        _tc_body,
        grid=(_GRID,),
        in_specs=[
            pl.BlockSpec((_QB, _G, _R), lambda i: (i, 0, 0)),
            pl.BlockSpec((1, _QB, 16), lambda i: (i, 0, 0)),
            full((_G, _R)),
            full((_R, _G * 8)),
            full((_G * 8, 2 * _H1)),
            full((2 * _H1, 2 * _H2)), full((1, 2 * _H2)),
            full((2 * _H2, 2 * _H3)), full((1, 2 * _H3)),
            full((16, 18)), full((16, 18)),
            full((2 * _G, 2 * _H3)), full((14, 3)),
        ],
        out_specs=pl.BlockSpec((1, _QB, 3), lambda i: (i, 0, 0)),
        out_shape=jax.ShapeDtypeStruct((_GRID, _QB, 3), f32),
        scratch_shapes=[pltpu.VMEM((_R, 2 * _H1), f32)],
    )(mask3, cent3, d6_t, data_packed,
      w0c, w2c, b2c, w3c, b3c, wcf, wcs, e28, wfin)
    return out.reshape(_P, 3)

# --- scband reference (transcript-rebuilt; emitter-appended) ---
"""Pipeline reference for scband-slow-fluid-net-74483322847243 (READ-ONLY COPY).

The authoritative reference and input builder live on the scoring server;
editing this copy changes nothing except your own understanding.
"""

import jax, jax.numpy as jnp
import numpy as np

N = 10000
P = 1024

def _dense_init(k, fan_in, fan_out):
    lim = float(1.0 / np.sqrt(fan_in))
    w = jax.random.uniform(k, (fan_in, fan_out), jnp.float32, -lim, lim)
    b = jnp.zeros((fan_out,), jnp.float32)
    return w, b

def setup_inputs(seed: int = 0):
    key = jax.random.key(seed)
    ks = jax.random.split(key, 11)
    mask = jax.random.randint(ks[0], (P, N), 0, 2).astype(jnp.bool_)
    index = jax.random.randint(ks[1], (P,), 0, N)
    current_data = jax.random.normal(ks[2], (N, 7), dtype=jnp.float32)
    fw0, fb0 = _dense_init(ks[3], 11, 18)
    fw1, fb1 = _dense_init(ks[4], 18, 9)
    fw2, fb2 = _dense_init(ks[5], 9, 6)
    fw3, fb3 = _dense_init(ks[6], 6, 3)
    sw0, sb0 = _dense_init(ks[7], 7, 18)
    sw1, sb1 = _dense_init(ks[8], 18, 9)
    sw2, sb2 = _dense_init(ks[9], 9, 6)
    sw3, sb3 = _dense_init(ks[10], 6, 3)
    return dict(mask=mask, index=index, current_data=current_data,
                fw0=fw0, fb0=fb0, fw1=fw1, fb1=fb1, fw2=fw2, fb2=fb2, fw3=fw3, fb3=fb3,
                sw0=sw0, sb0=sb0, sw1=sw1, sb1=sb1, sw2=sw2, sb2=sb2, sw3=sw3, sb3=sb3)

def _mlp(x, w0, b0, w1, b1, w2, b2, w3, b3):
    h = jnp.tanh(x @ w0 + b0)
    h = jnp.tanh(h @ w1 + b1)
    h = jnp.tanh(h @ w2 + b2)
    return h @ w3 + b3

def reference(mask, index, current_data, fw0, fb0, fw1, fb1, fw2, fb2, fw3, fb3,
              sw0, sb0, sw1, sb1, sw2, sb2, sw3, sb3):
    data = current_data

    def per_particle(inp):
        m, idx = inp
        center = data[idx]  # [7] gather of center particle
        t = data[:, :3] - center[:3]  # relative positions for all candidates
        nb = jnp.concatenate([t, data[:, 3:]], axis=1)  # [N, 7]
        # boolean-select rewritten as mask-weighted sum (dynamic shapes not jittable)
        fluid_sel = jnp.logical_and(m, nb[:, 6] > 0)
        solid_sel = jnp.logical_and(m, nb[:, 6] < 1)
        cfeat = jnp.broadcast_to(center[3:], (nb.shape[0], 4))  # tile center feats
        neigh_fluid = jnp.concatenate([nb, cfeat], axis=1)       # [N, 11]
        neigh_solid = jnp.concatenate([nb[:, :3], cfeat], axis=1)  # [N, 7]
        x = _mlp(neigh_fluid, fw0, fb0, fw1, fb1, fw2, fb2, fw3, fb3)  # [N, 3]
        y = _mlp(neigh_solid, sw0, sb0, sw1, sb1, sw2, sb2, sw3, sb3)  # [N, 3]
        pred = (jnp.sum(x * fluid_sel[:, None].astype(x.dtype), axis=0)
                + jnp.sum(y * solid_sel[:, None].astype(y.dtype), axis=0))
        return pred

    # tf.map_fn over particles -> sequential lax.map
    return jax.lax.map(per_particle, (mask, index))

if __name__ == "__main__":
    import jax
    _d = setup_inputs()
    print(jax.jit(kernel)(*tuple(_d.values())))

</pallas_src>

<mosaic_0001>
#map = affine_map<(d0, d1) -> (0, 0)>
#map1 = affine_map<(d0, d1) -> (0)>
module attributes {stable_mosaic.version = 14 : i64} {
  func.func @k(%arg0: i32, %arg1: i32, %arg2: memref<10304x128xf32, #tpu.memory_space<hbm>>, %arg3: memref<1024xi32, #tpu.memory_space<hbm>>, %arg4: memref<1024x128xf32, #tpu.memory_space<hbm>>, %arg5: memref<32xi32, #tpu.memory_space<vmem>>, %arg6: memref<32x128xf32, #tpu.memory_space<vmem>>, %arg7: memref<!tpu.dma_semaphore, #tpu.memory_space<semaphore_mem>>) attributes {dimension_semantics = [#tpu.dimension_semantics<core_parallel>, #tpu.dimension_semantics<subcore_parallel>], iteration_bounds = array<i64: 2, 16>, scalar_prefetch = 0 : i64, scratch_operands = 3 : i64, tpu.core_type = #tpu.core_type<sc_vector_subcore>, window_params = [{transform_indices = #map}, {transform_indices = #map1}, {transform_indices = #map}]} {
    %mul3A = arith.constant 2 : i32
    %mul3A_0 = arith.muli %arg1, %mul3A : i32
    %add3A = arith.addi %mul3A_0, %arg0 : i32
    %mul3A_1 = arith.constant 32 : i32
    %mul3A_2 = arith.muli %add3A, %mul3A_1 : i32
    "tpu.region"() ({
      %run_scoped3A = tpu.sem_alloc : memref<!tpu.dma_semaphore, #tpu.memory_space<semaphore_mem>>
      %dma_start3A_7 = tpu.memref_slice %arg3[%mul3A_2] : memref<1024xi32, #tpu.memory_space<hbm>> -> memref<32xi32, #tpu.memory_space<hbm>>
      %dma_start3A_8 = tpu.memref_slice %arg3[%mul3A_2] : memref<1024xi32, #tpu.memory_space<hbm>> -> memref<32xi32, #tpu.memory_space<hbm>>
      tpu.enqueue_dma source(%dma_start3A_8 : memref<32xi32, #tpu.memory_space<hbm>>) target(%arg5 : memref<32xi32, #tpu.memory_space<vmem>>) target_semaphore(%run_scoped3A : memref<!tpu.dma_semaphore, #tpu.memory_space<semaphore_mem>>)
      %dma_wait3A_9 = tpu.memref_slice %arg3[%mul3A_2] : memref<1024xi32, #tpu.memory_space<hbm>> -> memref<32xi32, #tpu.memory_space<hbm>>
      %dma_wait3A_10 = tpu.memref_slice %arg3[%mul3A_2] : memref<1024xi32, #tpu.memory_space<hbm>> -> memref<32xi32, #tpu.memory_space<hbm>>
      tpu.wait_dma2 semaphore(%run_scoped3A : memref<!tpu.dma_semaphore, #tpu.memory_space<semaphore_mem>>) src(%dma_wait3A_10 : memref<32xi32, #tpu.memory_space<hbm>>) dst(%arg5 : memref<32xi32, #tpu.memory_space<vmem>>)
      tpu.yield
    }) : () -> ()
    %dma_start3A = arith.constant 0 : i32
    %dma_start3A_3 = arith.constant 0 : i32
    %dma_start3A_4 = tpu.memref_slice %arg2[%dma_start3A, %dma_start3A_3] : memref<10304x128xf32, #tpu.memory_space<hbm>> -> memref<10304x128xf32, #tpu.memory_space<hbm>>
    tpu.enqueue_indirect_dma source(%dma_start3A_4 : memref<10304x128xf32, #tpu.memory_space<hbm>>) target(%arg6 : memref<32x128xf32, #tpu.memory_space<vmem>>) offsets(%arg5 : memref<32xi32, #tpu.memory_space<vmem>>) semaphore(%arg7 : memref<!tpu.dma_semaphore, #tpu.memory_space<semaphore_mem>>)
    %dma_wait3A = arith.constant 0 : i32
    %dma_wait3A_5 = arith.constant 0 : i32
    %dma_wait3A_6 = tpu.memref_slice %arg2[%dma_wait3A, %dma_wait3A_5] : memref<10304x128xf32, #tpu.memory_space<hbm>> -> memref<10304x128xf32, #tpu.memory_space<hbm>>
    tpu.wait_indirect_dma semaphore(%arg7 : memref<!tpu.dma_semaphore, #tpu.memory_space<semaphore_mem>>) src(%dma_wait3A_6 : memref<10304x128xf32, #tpu.memory_space<hbm>>) dst(%arg6 : memref<32x128xf32, #tpu.memory_space<vmem>>)
    "tpu.region"() ({
      %run_scoped3A = tpu.sem_alloc : memref<!tpu.dma_semaphore, #tpu.memory_space<semaphore_mem>>
      %dma_start3A_7 = arith.constant 0 : i32
      %dma_start3A_8 = tpu.memref_slice %arg4[%mul3A_2, %dma_start3A_7] : memref<1024x128xf32, #tpu.memory_space<hbm>> -> memref<32x128xf32, #tpu.memory_space<hbm>>
      %dma_start3A_9 = arith.constant 0 : i32
      %dma_start3A_10 = tpu.memref_slice %arg4[%mul3A_2, %dma_start3A_9] : memref<1024x128xf32, #tpu.memory_space<hbm>> -> memref<32x128xf32, #tpu.memory_space<hbm>>
      tpu.enqueue_dma source(%arg6 : memref<32x128xf32, #tpu.memory_space<vmem>>) target(%dma_start3A_10 : memref<32x128xf32, #tpu.memory_space<hbm>>) target_semaphore(%run_scoped3A : memref<!tpu.dma_semaphore, #tpu.memory_space<semaphore_mem>>)
      %dma_wait3A_11 = arith.constant 0 : i32
      %dma_wait3A_12 = tpu.memref_slice %arg4[%mul3A_2, %dma_wait3A_11] : memref<1024x128xf32, #tpu.memory_space<hbm>> -> memref<32x128xf32, #tpu.memory_space<hbm>>
      %dma_wait3A_13 = arith.constant 0 : i32
      %dma_wait3A_14 = tpu.memref_slice %arg4[%mul3A_2, %dma_wait3A_13] : memref<1024x128xf32, #tpu.memory_space<hbm>> -> memref<32x128xf32, #tpu.memory_space<hbm>>
      tpu.wait_dma2 semaphore(%run_scoped3A : memref<!tpu.dma_semaphore, #tpu.memory_space<semaphore_mem>>) src(%arg6 : memref<32x128xf32, #tpu.memory_space<vmem>>) dst(%dma_wait3A_14 : memref<32x128xf32, #tpu.memory_space<hbm>>)
      tpu.yield
    }) : () -> ()
    return
  }
}

module attributes {stable_mosaic.version = 14 : i64} {
  func.func @_tc_body(%arg0: i32, %arg1: memref<16x14x736xbf16, #tpu.memory_space<vmem>>, %arg2: memref<1x16x16xf32, #tpu.memory_space<vmem>>, %arg3: memref<14x736xf32, #tpu.memory_space<vmem>>, %arg4: memref<736x112xf32, #tpu.memory_space<vmem>>, %arg5: memref<112x504xf32, #tpu.memory_space<vmem>>, %arg6: memref<504x252xbf16, #tpu.memory_space<vmem>>, %arg7: memref<1x252xf32, #tpu.memory_space<vmem>>, %arg8: memref<252x168xbf16, #tpu.memory_space<vmem>>, %arg9: memref<1x168xf32, #tpu.memory_space<vmem>>, %arg10: memref<16x18xf32, #tpu.memory_space<vmem>>, %arg11: memref<16x18xf32, #tpu.memory_space<vmem>>, %arg12: memref<28x168xf32, #tpu.memory_space<vmem>>, %arg13: memref<14x3xf32, #tpu.memory_space<vmem>>, %arg14: memref<1x16x3xf32, #tpu.memory_space<vmem>>, %arg15: memref<736x504xf32, #tpu.memory_space<vmem>>) attributes {dimension_semantics = [#tpu.dimension_semantics<arbitrary>], iteration_bounds = array<i64: 64>, scalar_prefetch = 0 : i64, scratch_operands = 1 : i64, tpu.core_type = #tpu.core_type<tc>, window_params = [{transform_indices = @transform_0, window_bounds = array<i64: 16, 14, 736>}, {transform_indices = @transform_1, window_bounds = array<i64: 1, 16, 16>}, {pipeline_mode = #tpu.pipeline_mode<synchronous>, transform_indices = @transform_2, window_bounds = array<i64: 14, 736>}, {pipeline_mode = #tpu.pipeline_mode<synchronous>, transform_indices = @transform_3, window_bounds = array<i64: 736, 112>}, {pipeline_mode = #tpu.pipeline_mode<synchronous>, transform_indices = @transform_4, window_bounds = array<i64: 112, 504>}, {pipeline_mode = #tpu.pipeline_mode<synchronous>, transform_indices = @transform_5, window_bounds = array<i64: 504, 252>}, {pipeline_mode = #tpu.pipeline_mode<synchronous>, transform_indices = @transform_6, window_bounds = array<i64: 1, 252>}, {pipeline_mode = #tpu.pipeline_mode<synchronous>, transform_indices = @transform_7, window_bounds = array<i64: 252, 168>}, {pipeline_mode = #tpu.pipeline_mode<synchronous>, transform_indices = @transform_8, window_bounds = array<i64: 1, 168>}, {pipeline_mode = #tpu.pipeline_mode<synchronous>, transform_indices = @transform_9, window_bounds = array<i64: 16, 18>}, {pipeline_mode = #tpu.pipeline_mode<synchronous>, transform_indices = @transform_10, window_bounds = array<i64: 16, 18>}, {pipeline_mode = #tpu.pipeline_mode<synchronous>, transform_indices = @transform_11, window_bounds = array<i64: 28, 168>}, {pipeline_mode = #tpu.pipeline_mode<synchronous>, transform_indices = @transform_12, window_bounds = array<i64: 14, 3>}, {transform_indices = @transform_13, window_bounds = array<i64: 1, 16, 3>}]} {
    %eq3A = arith.constant 0 : i32
    %eq3A_0 = arith.cmpi eq, %arg0, %eq3A : i32
    %convert_element_type3A = arith.extui %eq3A_0 : i1 to i32
    %cond3A = arith.constant 0 : i32
    %cond3A_1 = arith.cmpi ne, %convert_element_type3A, %cond3A : i32
    scf.if %cond3A_1 {
      %get3A_1785 = arith.constant 0 : index
      %get3A_1786 = arith.constant 0 : index
      %get3A_1787 = vector.load %arg4[%get3A_1785, %get3A_1786] : memref<736x112xf32, #tpu.memory_space<vmem>>, vector<736x112xf32>
      %get3A_1788 = arith.constant 0 : index
      %get3A_1789 = arith.constant 0 : index
      %get3A_1790 = vector.load %arg5[%get3A_1788, %get3A_1789] : memref<112x504xf32, #tpu.memory_space<vmem>>, vector<112x504xf32>
      %dot_general3A_1791 = arith.constant dense<0.000000e+00> : vector<736x504xf32>
      %dot_general3A_1792 = tpu.matmul %get3A_1787, %get3A_1790, %dot_general3A_1791 {dimension_numbers = #tpu.dot_dimension_numbers<[1], [0], [0], [1], [0, 0, 1, 1], [], []>, transpose_lhs_hint = false} : vector<736x112xf32>, vector<112x504xf32>, vector<736x504xf32> -> vector<736x504xf32>
      %swap3A_1793 = arith.constant 0 : index
      %swap3A_1794 = arith.constant 0 : index
      %swap3A_1795 = vector.load %arg15[%swap3A_1793, %swap3A_1794] : memref<736x504xf32, #tpu.memory_space<vmem>>, vector<736x504xf32>
      tpu.vector_store %arg15[%swap3A_1793, %swap3A_1794], %dot_general3A_1792 {strides = array<i32>} : memref<736x504xf32, #tpu.memory_space<vmem>>, vector<736x504xf32>,
    } else {
    }
    %get3A = arith.constant 0 : index
    %get3A_2 = arith.constant 0 : index
    %get3A_3 = vector.load %arg3[%get3A, %get3A_2] : memref<14x736xf32, #tpu.memory_space<vmem>>, vector<14x736xf32>
    %gt3A = arith.constant 0.000000e+00 : f32
    %gt3A_4 = vector.broadcast %gt3A : f32 to vector<14x736xf32>
    %gt3A_5 = arith.cmpf ogt, %get3A_3, %gt3A_4 : vector<14x736xf32>
    %convert_element_type3A_6 = arith.extui %gt3A_5 : vector<14x736xi1> to vector<14x736xi32>
    %convert_element_type3A_7 = arith.sitofp %convert_element_type3A_6 : vector<14x736xi32> to vector<14x736xf32>
    %convert_element_type3A_8 = arith.truncf %convert_element_type3A_7 : vector<14x736xf32> to vector<14x736xbf16>
    %lt3A = arith.constant 1.000000e+00 : f32
    %lt3A_9 = vector.broadcast %lt3A : f32 to vector<14x736xf32>
    %lt3A_10 = arith.cmpf olt, %get3A_3, %lt3A_9 : vector<14x736xf32>
    %convert_element_type3A_11 = arith.extui %lt3A_10 : vector<14x736xi1> to vector<14x736xi32>
    %convert_element_type3A_12 = arith.sitofp %convert_element_type3A_11 : vector<14x736xi32> to vector<14x736xf32>
    %convert_element_type3A_13 = arith.truncf %convert_element_type3A_12 : vector<14x736xf32> to vector<14x736xbf16>
    %get3A_14 = arith.constant 0 : index
    %get3A_15 = arith.constant 0 : index
    %get3A_16 = vector.load %arg15[%get3A_14, %get3A_15] : memref<736x504xf32, #tpu.memory_space<vmem>>, vector<736x504xf32>
    %get3A_17 = arith.constant 0 : index
    %get3A_18 = arith.constant 0 : index
    %get3A_19 = vector.load %arg6[%get3A_17, %get3A_18] : memref<504x252xbf16, #tpu.memory_space<vmem>>, vector<504x252xbf16>
    %get3A_20 = arith.constant 0 : index
    %get3A_21 = arith.constant 0 : index
    %get3A_22 = vector.load %arg7[%get3A_20, %get3A_21] : memref<1x252xf32, #tpu.memory_space<vmem>>, vector<1x252xf32>
    %get3A_23 = arith.constant 0 : index
    %get3A_24 = arith.constant 0 : index
    %get3A_25 = vector.load %arg8[%get3A_23, %get3A_24] : memref<252x168xbf16, #tpu.memory_space<vmem>>, vector<252x168xbf16>
    %get3A_26 = arith.constant 0 : index
    %get3A_27 = arith.constant 0 : index
    %get3A_28 = vector.load %arg9[%get3A_26, %get3A_27] : memref<1x168xf32, #tpu.memory_space<vmem>>, vector<1x168xf32>
    %get3A_29 = arith.constant 0 : index
    %get3A_30 = arith.constant 0 : index
    %get3A_31 = vector.load %arg12[%get3A_29, %get3A_30] : memref<28x168xf32, #tpu.memory_space<vmem>>, vector<28x168xf32>
    %get3A_32 = arith.constant 0 : index
    %get3A_33 = arith.constant 0 : index
    %get3A_34 = vector.load %arg13[%get3A_32, %get3A_33] : memref<14x3xf32, #tpu.memory_space<vmem>>, vector<14x3xf32>
    %get3A_35 = arith.constant 0 : index
    %get3A_36 = arith.constant 0 : index
    %get3A_37 = arith.constant 0 : index
    %get3A_38 = vector.load %arg2[%get3A_35, %get3A_36, %get3A_37] : memref<1x16x16xf32, #tpu.memory_space<vmem>>, vector<1x16x16xf32>
    %get3A_39 = vector.shape_cast %get3A_38 : vector<1x16x16xf32> to vector<16x16xf32>
    %get3A_40 = arith.constant 0 : index
    %get3A_41 = arith.constant 0 : index
    %get3A_42 = vector.load %arg10[%get3A_40, %get3A_41] : memref<16x18xf32, #tpu.memory_space<vmem>>, vector<16x18xf32>
    %dot_general3A = arith.constant dense<0.000000e+00> : vector<16x18xf32>
    %dot_general3A_43 = tpu.matmul %get3A_39, %get3A_42, %dot_general3A {dimension_numbers = #tpu.dot_dimension_numbers<[1], [0], [0], [1], [0, 0, 1, 1], [], []>, transpose_lhs_hint = false} : vector<16x16xf32>, vector<16x18xf32>, vector<16x18xf32> -> vector<16x18xf32>
    %get3A_44 = arith.constant 0 : index
    %get3A_45 = arith.constant 0 : index
    %get3A_46 = vector.load %arg11[%get3A_44, %get3A_45] : memref<16x18xf32, #tpu.memory_space<vmem>>, vector<16x18xf32>
    %dot_general3A_47 = arith.constant dense<0.000000e+00> : vector<16x18xf32>
    %dot_general3A_48 = tpu.matmul %get3A_39, %get3A_46, %dot_general3A_47 {dimension_numbers = #tpu.dot_dimension_numbers<[1], [0], [0], [1], [0, 0, 1, 1], [], []>, transpose_lhs_hint = false} : vector<16x16xf32>, vector<16x18xf32>, vector<16x18xf32> -> vector<16x18xf32>
    %concatenate3A = tpu.concatenate %dot_general3A_43, %dot_general3A_43, %dot_general3A_43, %dot_general3A_43, %dot_general3A_43, %dot_general3A_43, %dot_general3A_43, %dot_general3A_43, %dot_general3A_43, %dot_general3A_43, %dot_general3A_43, %dot_general3A_43, %dot_general3A_43, %dot_general3A_43, %dot_general3A_48, %dot_general3A_48, %dot_general3A_48, %dot_general3A_48, %dot_general3A_48, %dot_general3A_48, %dot_general3A_48, %dot_general3A_48, %dot_general3A_48, %dot_general3A_48, %dot_general3A_48, %dot_general3A_48, %dot_general3A_48, %dot_general3A_48 in 1 : vector<16x18xf32>, vector<16x18xf32>, vector<16x18xf32>, vector<16x18xf32>, vector<16x18xf32>, vector<16x18xf32>, vector<16x18xf32>, vector<16x18xf32>, vector<16x18xf32>, vector<16x18xf32>, vector<16x18xf32>, vector<16x18xf32>, vector<16x18xf32>, vector<16x18xf32>, vector<16x18xf32>, vector<16x18xf32>, vector<16x18xf32>, vector<16x18xf32>, vector<16x18xf32>, vector<16x18xf32>, vector<16x18xf32>, vector<16x18xf32>, vector<16x18xf32>, vector<16x18xf32>, vector<16x18xf32>, vector<16x18xf32>, vector<16x18xf32>, vector<16x18xf32> -> vector<16x504xf32>
    %slice3A = vector.extract_strided_slice %concatenate3A {offsets = [0, 0], sizes = [1, 504], strides = [1, 1]} : vector<16x504xf32> to vector<1x504xf32>
    %add3A = vector.broadcast %slice3A : vector<1x504xf32> to vector<736x504xf32>
    %add3A_49 = arith.addf %get3A_16, %add3A : vector<736x504xf32>
    %tanh3A = math.tanh %add3A_49 : vector<736x504xf32>
    %convert_element_type3A_50 = arith.truncf %tanh3A : vector<736x504xf32> to vector<736x504xbf16>
    %slice3A_51 = vector.extract_strided_slice %concatenate3A {offsets = [1, 0], sizes = [1, 504], strides = [1, 1]} : vector<16x504xf32> to vector<1x504xf32>
    %add3A_52 = vector.broadcast %slice3A_51 : vector<1x504xf32> to vector<736x504xf32>
    %add3A_53 = arith.addf %get3A_16, %add3A_52 : vector<736x504xf32>
    %tanh3A_54 = math.tanh %add3A_53 : vector<736x504xf32>
    %convert_element_type3A_55 = arith.truncf %tanh3A_54 : vector<736x504xf32> to vector<736x504xbf16>
    %slice3A_56 = vector.extract_strided_slice %concatenate3A {offsets = [2, 0], sizes = [1, 504], strides = [1, 1]} : vector<16x504xf32> to vector<1x504xf32>
    %add3A_57 = vector.broadcast %slice3A_56 : vector<1x504xf32> to vector<736x504xf32>
    %add3A_58 = arith.addf %get3A_16, %add3A_57 : vector<736x504xf32>
    %tanh3A_59 = math.tanh %add3A_58 : vector<736x504xf32>
    %convert_element_type3A_60 = arith.truncf %tanh3A_59 : vector<736x504xf32> to vector<736x504xbf16>
    %slice3A_61 = vector.extract_strided_slice %concatenate3A {offsets = [3, 0], sizes = [1, 504], strides = [1, 1]} : vector<16x504xf32> to vector<1x504xf32>
    %add3A_62 = vector.broadcast %slice3A_61 : vector<1x504xf32> to vector<736x504xf32>
    %add3A_63 = arith.addf %get3A_16, %add3A_62 : vector<736x504xf32>
    %tanh3A_64 = math.tanh %add3A_63 : vector<736x504xf32>
    %convert_element_type3A_65 = arith.truncf %tanh3A_64 : vector<736x504xf32> to vector<736x504xbf16>
    %dot_general3A_66 = arith.constant dense<0.000000e+00> : vector<736x252xf32>
    %dot_general3A_67 = tpu.matmul %convert_element_type3A_50, %get3A_19, %dot_general3A_66 {dimension_numbers = #tpu.dot_dimension_numbers<[1], [0], [0], [1], [0, 0, 1, 1], [], []>, transpose_lhs_hint = false} : vector<736x504xbf16>, vector<504x252xbf16>, vector<736x252xf32> -> vector<736x252xf32>
    %dot_general3A_68 = arith.constant dense<0.000000e+00> : vector<736x252xf32>
    %dot_general3A_69 = tpu.matmul %convert_element_type3A_55, %get3A_19, %dot_general3A_68 {dimension_numbers = #tpu.dot_dimension_numbers<[1], [0], [0], [1], [0, 0, 1, 1], [], []>, transpose_lhs_hint = false} : vector<736x504xbf16>, vector<504x252xbf16>, vector<736x252xf32> -> vector<736x252xf32>
    %dot_general3A_70 = arith.constant dense<0.000000e+00> : vector<736x252xf32>
    %dot_general3A_71 = tpu.matmul %convert_element_type3A_60, %get3A_19, %dot_general3A_70 {dimension_numbers = #tpu.dot_dimension_numbers<[1], [0], [0], [1], [0, 0, 1, 1], [], []>, transpose_lhs_hint = false} : vector<736x504xbf16>, vector<504x252xbf16>, vector<736x252xf32> -> vector<736x252xf32>
    %dot_general3A_72 = arith.constant dense<0.000000e+00> : vector<736x252xf32>
    %dot_general3A_73 = tpu.matmul %convert_element_type3A_65, %get3A_19, %dot_general3A_72 {dimension_numbers = #tpu.dot_dimension_numbers<[1], [0], [0], [1], [0, 0, 1, 1], [], []>, transpose_lhs_hint = false} : vector<736x504xbf16>, vector<504x252xbf16>, vector<736x252xf32> -> vector<736x252xf32>
    %add3A_74 = vector.broadcast %get3A_22 : vector<1x252xf32> to vector<736x252xf32>
    %add3A_75 = arith.addf %dot_general3A_67, %add3A_74 : vector<736x252xf32>
    %tanh3A_76 = math.tanh %add3A_75 : vector<736x252xf32>
    %convert_element_type3A_77 = arith.truncf %tanh3A_76 : vector<736x252xf32> to vector<736x252xbf16>
    %add3A_78 = vector.broadcast %get3A_22 : vector<1x252xf32> to vector<736x252xf32>
    %add3A_79 = arith.addf %dot_general3A_69, %add3A_78 : vector<736x252xf32>
    %tanh3A_80 = math.tanh %add3A_79 : vector<736x252xf32>
    %convert_element_type3A_81 = arith.truncf %tanh3A_80 : vector<736x252xf32> to vector<736x252xbf16>
    %add3A_82 = vector.broadcast %get3A_22 : vector<1x252xf32> to vector<736x252xf32>
    %add3A_83 = arith.addf %dot_general3A_71, %add3A_82 : vector<736x252xf32>
    %tanh3A_84 = math.tanh %add3A_83 : vector<736x252xf32>
    %convert_element_type3A_85 = arith.truncf %tanh3A_84 : vector<736x252xf32> to vector<736x252xbf16>
    %add3A_86 = vector.broadcast %get3A_22 : vector<1x252xf32> to vector<736x252xf32>
    %add3A_87 = arith.addf %dot_general3A_73, %add3A_86 : vector<736x252xf32>
    %tanh3A_88 = math.tanh %add3A_87 : vector<736x252xf32>
    %convert_element_type3A_89 = arith.truncf %tanh3A_88 : vector<736x252xf32> to vector<736x252xbf16>
    %dot_general3A_90 = arith.constant dense<0.000000e+00> : vector<736x168xf32>
    %dot_general3A_91 = tpu.matmul %convert_element_type3A_77, %get3A_25, %dot_general3A_90 {dimension_numbers = #tpu.dot_dimension_numbers<[1], [0], [0], [1], [0, 0, 1, 1], [], []>, transpose_lhs_hint = false} : vector<736x252xbf16>, vector<252x168xbf16>, vector<736x168xf32> -> vector<736x168xf32>
    %dot_general3A_92 = arith.constant dense<0.000000e+00> : vector<736x168xf32>
    %dot_general3A_93 = tpu.matmul %convert_element_type3A_81, %get3A_25, %dot_general3A_92 {dimension_numbers = #tpu.dot_dimension_numbers<[1], [0], [0], [1], [0, 0, 1, 1], [], []>, transpose_lhs_hint = false} : vector<736x252xbf16>, vector<252x168xbf16>, vector<736x168xf32> -> vector<736x168xf32>
    %dot_general3A_94 = arith.constant dense<0.000000e+00> : vector<736x168xf32>
    %dot_general3A_95 = tpu.matmul %convert_element_type3A_85, %get3A_25, %dot_general3A_94 {dimension_numbers = #tpu.dot_dimension_numbers<[1], [0], [0], [1], [0, 0, 1, 1], [], []>, transpose_lhs_hint = false} : vector<736x252xbf16>, vector<252x168xbf16>, vector<736x168xf32> -> vector<736x168xf32>
    %dot_general3A_96 = arith.constant dense<0.000000e+00> : vector<736x168xf32>
    %dot_general3A_97 = tpu.matmul %convert_element_type3A_89, %get3A_25, %dot_general3A_96 {dimension_numbers = #tpu.dot_dimension_numbers<[1], [0], [0], [1], [0, 0, 1, 1], [], []>, transpose_lhs_hint = false} : vector<736x252xbf16>, vector<252x168xbf16>, vector<736x168xf32> -> vector<736x168xf32>
    %add3A_98 = vector.broadcast %get3A_28 : vector<1x168xf32> to vector<736x168xf32>
    %add3A_99 = arith.addf %dot_general3A_91, %add3A_98 : vector<736x168xf32>
    %tanh3A_100 = math.tanh %add3A_99 : vector<736x168xf32>
    %convert_element_type3A_101 = arith.truncf %tanh3A_100 : vector<736x168xf32> to vector<736x168xbf16>
    %add3A_102 = vector.broadcast %get3A_28 : vector<1x168xf32> to vector<736x168xf32>
    %add3A_103 = arith.addf %dot_general3A_93, %add3A_102 : vector<736x168xf32>
    %tanh3A_104 = math.tanh %add3A_103 : vector<736x168xf32>
    %convert_element_type3A_105 = arith.truncf %tanh3A_104 : vector<736x168xf32> to vector<736x168xbf16>
    %add3A_106 = vector.broadcast %get3A_28 : vector<1x168xf32> to vector<736x168xf32>
    %add3A_107 = arith.addf %dot_general3A_95, %add3A_106 : vector<736x168xf32>
    %tanh3A_108 = math.tanh %add3A_107 : vector<736x168xf32>
    %convert_element_type3A_109 = arith.truncf %tanh3A_108 : vector<736x168xf32> to vector<736x168xbf16>
    %add3A_110 = vector.broadcast %get3A_28 : vector<1x168xf32> to vector<736x168xf32>
    %add3A_111 = arith.addf %dot_general3A_97, %add3A_110 : vector<736x168xf32>
    %tanh3A_112 = math.tanh %add3A_111 : vector<736x168xf32>
    %convert_element_type3A_113 = arith.truncf %tanh3A_112 : vector<736x168xf32> to vector<736x168xbf16>
    %get3A_114 = arith.constant 0 : index
    %get3A_115 = arith.constant 0 : index
    %get3A_116 = arith.constant 0 : index
    %get3A_117 = vector.load %arg1[%get3A_114, %get3A_115, %get3A_116] : memref<16x14x736xbf16, #tpu.memory_space<vmem>>, vector<1x14x736xbf16>
    %get3A_118 = vector.shape_cast %get3A_117 : vector<1x14x736xbf16> to vector<14x736xbf16>
    %mul3A = arith.mulf %get3A_118, %convert_element_type3A_8 : vector<14x736xbf16>
    %mul3A_119 = arith.mulf %get3A_118, %convert_element_type3A_13 : vector<14x736xbf16>
    %concatenate3A_120 = tpu.concatenate %mul3A, %mul3A_119 in 0 : vector<14x736xbf16>, vector<14x736xbf16> -> vector<28x736xbf16>
    %dot_general3A_121 = arith.constant dense<0.000000e+00> : vector<28x168xf32>
    %dot_general3A_122 = tpu.matmul %concatenate3A_120, %convert_element_type3A_101, %dot_general3A_121 {dimension_numbers = #tpu.dot_dimension_numbers<[1], [0], [0], [1], [0, 0, 1, 1], [], []>, transpose_lhs_hint = false} : vector<28x736xbf16>, vector<736x168xbf16>, vector<28x168xf32> -> vector<28x168xf32>
    %mul3A_123 = arith.mulf %dot_general3A_122, %get3A_31 : vector<28x168xf32>
    %reduce_sum3A = arith.constant dense<0.000000e+00> : vector<168xf32>
    %reduce_sum3A_124 = vector.multi_reduction <add>, %mul3A_123, %reduce_sum3A [0] : vector<28x168xf32> to vector<168xf32>
    %broadcast_in_dim3A = vector.shape_cast %reduce_sum3A_124 : vector<168xf32> to vector<1x168xf32>
    %slice3A_125 = vector.extract_strided_slice %broadcast_in_dim3A {offsets = [0, 0], sizes = [1, 6], strides = [1, 1]} : vector<1x168xf32> to vector<1x6xf32>
    %slice3A_126 = vector.extract_strided_slice %broadcast_in_dim3A {offsets = [0, 84], sizes = [1, 6], strides = [1, 1]} : vector<1x168xf32> to vector<1x6xf32>
    %slice3A_127 = vector.extract_strided_slice %broadcast_in_dim3A {offsets = [0, 6], sizes = [1, 6], strides = [1, 1]} : vector<1x168xf32> to vector<1x6xf32>
    %add3A_128 = arith.addf %slice3A_125, %slice3A_127 : vector<1x6xf32>
    %slice3A_129 = vector.extract_strided_slice %broadcast_in_dim3A {offsets = [0, 90], sizes = [1, 6], strides = [1, 1]} : vector<1x168xf32> to vector<1x6xf32>
    %add3A_130 = arith.addf %slice3A_126, %slice3A_129 : vector<1x6xf32>
    %slice3A_131 = vector.extract_strided_slice %broadcast_in_dim3A {offsets = [0, 12], sizes = [1, 6], strides = [1, 1]} : vector<1x168xf32> to vector<1x6xf32>
    %add3A_132 = arith.addf %add3A_128, %slice3A_131 : vector<1x6xf32>
    %slice3A_133 = vector.extract_strided_slice %broadcast_in_dim3A {offsets = [0, 96], sizes = [1, 6], strides = [1, 1]} : vector<1x168xf32> to vector<1x6xf32>
    %add3A_134 = arith.addf %add3A_130, %slice3A_133 : vector<1x6xf32>
    %slice3A_135 = vector.extract_strided_slice %broadcast_in_dim3A {offsets = [0, 18], sizes = [1, 6], strides = [1, 1]} : vector<1x168xf32> to vector<1x6xf32>
    %add3A_136 = arith.addf %add3A_132, %slice3A_135 : vector<1x6xf32>
    %slice3A_137 = vector.extract_strided_slice %broadcast_in_dim3A {offsets = [0, 102], sizes = [1, 6], strides = [1, 1]} : vector<1x168xf32> to vector<1x6xf32>
    %add3A_138 = arith.addf %add3A_134, %slice3A_137 : vector<1x6xf32>
    %slice3A_139 = vector.extract_strided_slice %broadcast_in_dim3A {offsets = [0, 24], sizes = [1, 6], strides = [1, 1]} : vector<1x168xf32> to vector<1x6xf32>
    %add3A_140 = arith.addf %add3A_136, %slice3A_139 : vector<1x6xf32>
    %slice3A_141 = vector.extract_strided_slice %broadcast_in_dim3A {offsets = [0, 108], sizes = [1, 6], strides = [1, 1]} : vector<1x168xf32> to vector<1x6xf32>
    %add3A_142 = arith.addf %add3A_138, %slice3A_141 : vector<1x6xf32>
    %slice3A_143 = vector.extract_strided_slice %broadcast_in_dim3A {offsets = [0, 30], sizes = [1, 6], strides = [1, 1]} : vector<1x168xf32> to vector<1x6xf32>
    %add3A_144 = arith.addf %add3A_140, %slice3A_143 : vector<1x6xf32>
    %slice3A_145 = vector.extract_strided_slice %broadcast_in_dim3A {offsets = [0, 114], sizes = [1, 6], strides = [1, 1]} : vector<1x168xf32> to vector<1x6xf32>
    %add3A_146 = arith.addf %add3A_142, %slice3A_145 : vector<1x6xf32>
    %slice3A_147 = vector.extract_strided_slice %broadcast_in_dim3A {offsets = [0, 36], sizes = [1, 6], strides = [1, 1]} : vector<1x168xf32> to vector<1x6xf32>
    %add3A_148 = arith.addf %add3A_144, %slice3A_147 : vector<1x6xf32>
    %slice3A_149 = vector.extract_strided_slice %broadcast_in_dim3A {offsets = [0, 120], sizes = [1, 6], strides = [1, 1]} : vector<1x168xf32> to vector<1x6xf32>
    %add3A_150 = arith.addf %add3A_146, %slice3A_149 : vector<1x6xf32>
    %slice3A_151 = vector.extract_strided_slice %broadcast_in_dim3A {offsets = [0, 42], sizes = [1, 6], strides = [1, 1]} : vector<1x168xf32> to vector<1x6xf32>
    %add3A_152 = arith.addf %add3A_148, %slice3A_151 : vector<1x6xf32>
    %slice3A_153 = vector.extract_strided_slice %broadcast_in_dim3A {offsets = [0, 126], sizes = [1, 6], strides = [1, 1]} : vector<1x168xf32> to vector<1x6xf32>
    %add3A_154 = arith.addf %add3A_150, %slice3A_153 : vector<1x6xf32>
    %slice3A_155 = vector.extract_strided_slice %broadcast_in_dim3A {offsets = [0, 48], sizes = [1, 6], strides = [1, 1]} : vector<1x168xf32> to vector<1x6xf32>
    %add3A_156 = arith.addf %add3A_152, %slice3A_155 : vector<1x6xf32>
    %slice3A_157 = vector.extract_strided_slice %broadcast_in_dim3A {offsets = [0, 132], sizes = [1, 6], strides = [1, 1]} : vector<1x168xf32> to vector<1x6xf32>
    %add3A_158 = arith.addf %add3A_154, %slice3A_157 : vector<1x6xf32>
    %slice3A_159 = vector.extract_strided_slice %broadcast_in_dim3A {offsets = [0, 54], sizes = [1, 6], strides = [1, 1]} : vector<1x168xf32> to vector<1x6xf32>
    %add3A_160 = arith.addf %add3A_156, %slice3A_159 : vector<1x6xf32>
    %slice3A_161 = vector.extract_strided_slice %broadcast_in_dim3A {offsets = [0, 138], sizes = [1, 6], strides = [1, 1]} : vector<1x168xf32> to vector<1x6xf32>
    %add3A_162 = arith.addf %add3A_158, %slice3A_161 : vector<1x6xf32>
    %slice3A_163 = vector.extract_strided_slice %broadcast_in_dim3A {offsets = [0, 60], sizes = [1, 6], strides = [1, 1]} : vector<1x168xf32> to vector<1x6xf32>
    %add3A_164 = arith.addf %add3A_160, %slice3A_163 : vector<1x6xf32>
    %slice3A_165 = vector.extract_strided_slice %broadcast_in_dim3A {offsets = [0, 144], sizes = [1, 6], strides = [1, 1]} : vector<1x168xf32> to vector<1x6xf32>
    %add3A_166 = arith.addf %add3A_162, %slice3A_165 : vector<1x6xf32>
    %slice3A_167 = vector.extract_strided_slice %broadcast_in_dim3A {offsets = [0, 66], sizes = [1, 6], strides = [1, 1]} : vector<1x168xf32> to vector<1x6xf32>
    %add3A_168 = arith.addf %add3A_164, %slice3A_167 : vector<1x6xf32>
    %slice3A_169 = vector.extract_strided_slice %broadcast_in_dim3A {offsets = [0, 150], sizes = [1, 6], strides = [1, 1]} : vector<1x168xf32> to vector<1x6xf32>
    %add3A_170 = arith.addf %add3A_166, %slice3A_169 : vector<1x6xf32>
    %slice3A_171 = vector.extract_strided_slice %broadcast_in_dim3A {offsets = [0, 72], sizes = [1, 6], strides = [1, 1]} : vector<1x168xf32> to vector<1x6xf32>
    %add3A_172 = arith.addf %add3A_168, %slice3A_171 : vector<1x6xf32>
    %slice3A_173 = vector.extract_strided_slice %broadcast_in_dim3A {offsets = [0, 156], sizes = [1, 6], strides = [1, 1]} : vector<1x168xf32> to vector<1x6xf32>
    %add3A_174 = arith.addf %add3A_170, %slice3A_173 : vector<1x6xf32>
    %slice3A_175 = vector.extract_strided_slice %broadcast_in_dim3A {offsets = [0, 78], sizes = [1, 6], strides = [1, 1]} : vector<1x168xf32> to vector<1x6xf32>
    %add3A_176 = arith.addf %add3A_172, %slice3A_175 : vector<1x6xf32>
    %slice3A_177 = vector.extract_strided_slice %broadcast_in_dim3A {offsets = [0, 162], sizes = [1, 6], strides = [1, 1]} : vector<1x168xf32> to vector<1x6xf32>
    %add3A_178 = arith.addf %add3A_174, %slice3A_177 : vector<1x6xf32>
    %convert_element_type3A_179 = arith.extf %mul3A : vector<14x736xbf16> to vector<14x736xf32>
    %reduce_sum3A_180 = vector.shape_cast %convert_element_type3A_179 : vector<14x736xf32> to vector<1x14x736xf32>
    %reduce_sum3A_181 = arith.constant dense<0.000000e+00> : vector<1xf32>
    %reduce_sum3A_182 = vector.multi_reduction <add>, %reduce_sum3A_180, %reduce_sum3A_181 [1, 2] : vector<1x14x736xf32> to vector<1xf32>
    %reduce_sum3A_183 = vector.shape_cast %reduce_sum3A_182 : vector<1xf32> to vector<1x1x1xf32>
    %reduce_sum3A_184 = vector.extract %reduce_sum3A_183[0, 0, 0] : f32 from vector<1x1x1xf32>
    %broadcast_in_dim3A_185 = vector.broadcast %reduce_sum3A_184 : f32 to vector<1x1xf32>
    %convert_element_type3A_186 = arith.extf %mul3A_119 : vector<14x736xbf16> to vector<14x736xf32>
    %reduce_sum3A_187 = vector.shape_cast %convert_element_type3A_186 : vector<14x736xf32> to vector<1x14x736xf32>
    %reduce_sum3A_188 = arith.constant dense<0.000000e+00> : vector<1xf32>
    %reduce_sum3A_189 = vector.multi_reduction <add>, %reduce_sum3A_187, %reduce_sum3A_188 [1, 2] : vector<1x14x736xf32> to vector<1xf32>
    %reduce_sum3A_190 = vector.shape_cast %reduce_sum3A_189 : vector<1xf32> to vector<1x1x1xf32>
    %reduce_sum3A_191 = vector.extract %reduce_sum3A_190[0, 0, 0] : f32 from vector<1x1x1xf32>
    %broadcast_in_dim3A_192 = vector.broadcast %reduce_sum3A_191 : f32 to vector<1x1xf32>
    %concatenate3A_193 = tpu.concatenate %add3A_176, %add3A_178, %broadcast_in_dim3A_185, %broadcast_in_dim3A_192 in 1 : vector<1x6xf32>, vector<1x6xf32>, vector<1x1xf32>, vector<1x1xf32> -> vector<1x14xf32>
    %dot_general3A_194 = arith.constant dense<0.000000e+00> : vector<1x3xf32>
    %dot_general3A_195 = tpu.matmul %concatenate3A_193, %get3A_34, %dot_general3A_194 {dimension_numbers = #tpu.dot_dimension_numbers<[1], [0], [0], [1], [0, 0, 1, 1], [], []>, transpose_lhs_hint = false} : vector<1x14xf32>, vector<14x3xf32>, vector<1x3xf32> -> vector<1x3xf32>
    %squeeze3A = vector.shape_cast %dot_general3A_195 : vector<1x3xf32> to vector<3xf32>
    %swap3A = arith.constant 0 : index
    %swap3A_196 = arith.constant 0 : index
    %swap3A_197 = arith.constant 0 : index
    %swap3A_198 = vector.load %arg14[%swap3A, %swap3A_196, %swap3A_197] : memref<1x16x3xf32, #tpu.memory_space<vmem>>, vector<1x1x3xf32>
    %swap3A_199 = vector.shape_cast %swap3A_198 : vector<1x1x3xf32> to vector<3xf32>
    %swap3A_200 = vector.shape_cast %squeeze3A : vector<3xf32> to vector<1x1x3xf32>
    tpu.vector_store %arg14[%swap3A, %swap3A_196, %swap3A_197], %swap3A_200 {strides = array<i32>} : memref<1x16x3xf32, #tpu.memory_space<vmem>>, vector<1x1x3xf32>,
    %get3A_201 = arith.constant 1 : index
    %get3A_202 = arith.constant 0 : index
    %get3A_203 = arith.constant 0 : index
    %get3A_204 = vector.load %arg1[%get3A_201, %get3A_202, %get3A_203] : memref<16x14x736xbf16, #tpu.memory_space<vmem>>, vector<1x14x736xbf16>
    %get3A_205 = vector.shape_cast %get3A_204 : vector<1x14x736xbf16> to vector<14x736xbf16>
    %mul3A_206 = arith.mulf %get3A_205, %convert_element_type3A_8 : vector<14x736xbf16>
    %mul3A_207 = arith.mulf %get3A_205, %convert_element_type3A_13 : vector<14x736xbf16>
    %concatenate3A_208 = tpu.concatenate %mul3A_206, %mul3A_207 in 0 : vector<14x736xbf16>, vector<14x736xbf16> -> vector<28x736xbf16>
    %dot_general3A_209 = arith.constant dense<0.000000e+00> : vector<28x168xf32>
    %dot_general3A_210 = tpu.matmul %concatenate3A_208, %convert_element_type3A_105, %dot_general3A_209 {dimension_numbers = #tpu.dot_dimension_numbers<[1], [0], [0], [1], [0, 0, 1, 1], [], []>, transpose_lhs_hint = false} : vector<28x736xbf16>, vector<736x168xbf16>, vector<28x168xf32> -> vector<28x168xf32>
    %mul3A_211 = arith.mulf %dot_general3A_210, %get3A_31 : vector<28x168xf32>
    %reduce_sum3A_212 = arith.constant dense<0.000000e+00> : vector<168xf32>
    %reduce_sum3A_213 = vector.multi_reduction <add>, %mul3A_211, %reduce_sum3A_212 [0] : vector<28x168xf32> to vector<168xf32>
    %broadcast_in_dim3A_214 = vector.shape_cast %reduce_sum3A_213 : vector<168xf32> to vector<1x168xf32>
    %slice3A_215 = vector.extract_strided_slice %broadcast_in_dim3A_214 {offsets = [0, 0], sizes = [1, 6], strides = [1, 1]} : vector<1x168xf32> to vector<1x6xf32>
    %slice3A_216 = vector.extract_strided_slice %broadcast_in_dim3A_214 {offsets = [0, 84], sizes = [1, 6], strides = [1, 1]} : vector<1x168xf32> to vector<1x6xf32>
    %slice3A_217 = vector.extract_strided_slice %broadcast_in_dim3A_214 {offsets = [0, 6], sizes = [1, 6], strides = [1, 1]} : vector<1x168xf32> to vector<1x6xf32>
    %add3A_218 = arith.addf %slice3A_215, %slice3A_217 : vector<1x6xf32>
    %slice3A_219 = vector.extract_strided_slice %broadcast_in_dim3A_214 {offsets = [0, 90], sizes = [1, 6], strides = [1, 1]} : vector<1x168xf32> to vector<1x6xf32>
    %add3A_220 = arith.addf %slice3A_216, %slice3A_219 : vector<1x6xf32>
    %slice3A_221 = vector.extract_strided_slice %broadcast_in_dim3A_214 {offsets = [0, 12], sizes = [1, 6], strides = [1, 1]} : vector<1x168xf32> to vector<1x6xf32>
    %add3A_222 = arith.addf %add3A_218, %slice3A_221 : vector<1x6xf32>
    %slice3A_223 = vector.extract_strided_slice %broadcast_in_dim3A_214 {offsets = [0, 96], sizes = [1, 6], strides = [1, 1]} : vector<1x168xf32> to vector<1x6xf32>
    %add3A_224 = arith.addf %add3A_220, %slice3A_223 : vector<1x6xf32>
    %slice3A_225 = vector.extract_strided_slice %broadcast_in_dim3A_214 {offsets = [0, 18], sizes = [1, 6], strides = [1, 1]} : vector<1x168xf32> to vector<1x6xf32>
    %add3A_226 = arith.addf %add3A_222, %slice3A_225 : vector<1x6xf32>
    %slice3A_227 = vector.extract_strided_slice %broadcast_in_dim3A_214 {offsets = [0, 102], sizes = [1, 6], strides = [1, 1]} : vector<1x168xf32> to vector<1x6xf32>
    %add3A_228 = arith.addf %add3A_224, %slice3A_227 : vector<1x6xf32>
    %slice3A_229 = vector.extract_strided_slice %broadcast_in_dim3A_214 {offsets = [0, 24], sizes = [1, 6], strides = [1, 1]} : vector<1x168xf32> to vector<1x6xf32>
    %add3A_230 = arith.addf %add3A_226, %slice3A_229 : vector<1x6xf32>
    %slice3A_231 = vector.extract_strided_slice %broadcast_in_dim3A_214 {offsets = [0, 108], sizes = [1, 6], strides = [1, 1]} : vector<1x168xf32> to vector<1x6xf32>
    %add3A_232 = arith.addf %add3A_228, %slice3A_231 : vector<1x6xf32>
    %slice3A_233 = vector.extract_strided_slice %broadcast_in_dim3A_214 {offsets = [0, 30], sizes = [1, 6], strides = [1, 1]} : vector<1x168xf32> to vector<1x6xf32>
    %add3A_234 = arith.addf %add3A_230, %slice3A_233 : vector<1x6xf32>
    %slice3A_235 = vector.extract_strided_slice %broadcast_in_dim3A_214 {offsets = [0, 114], sizes = [1, 6], strides = [1, 1]} : vector<1x168xf32> to vector<1x6xf32>
    %add3A_236 = arith.addf %add3A_232, %slice3A_235 : vector<1x6xf32>
    %slice3A_237 = vector.extract_strided_slice %broadcast_in_dim3A_214 {offsets = [0, 36], sizes = [1, 6], strides = [1, 1]} : vector<1x168xf32> to vector<1x6xf32>
    %add3A_238 = arith.addf %add3A_234, %slice3A_237 : vector<1x6xf32>
    %slice3A_239 = vector.extract_strided_slice %broadcast_in_dim3A_214 {offsets = [0, 120], sizes = [1, 6], strides = [1, 1]} : vector<1x168xf32> to vector<1x6xf32>
    %add3A_240 = arith.addf %add3A_236, %slice3A_239 : vector<1x6xf32>
    %slice3A_241 = vector.extract_strided_slice %broadcast_in_dim3A_214 {offsets = [0, 42], sizes = [1, 6], strides = [1, 1]} : vector<1x168xf32> to vector<1x6xf32>
    %add3A_242 = arith.addf %add3A_238, %slice3A_241 : vector<1x6xf32>
    %slice3A_243 = vector.extract_strided_slice %broadcast_in_dim3A_214 {offsets = [0, 126], sizes = [1, 6], strides = [1, 1]} : vector<1x168xf32> to vector<1x6xf32>
    %add3A_244 = arith.addf %add3A_240, %slice3A_243 : vector<1x6xf32>
    %slice3A_245 = vector.extract_strided_slice %broadcast_in_dim3A_214 {offsets = [0, 48], sizes = [1, 6], strides = [1, 1]} : vector<1x168xf32> to vector<1x6xf32>
    %add3A_246 = arith.addf %add3A_242, %slice3A_245 : vector<1x6xf32>
    %slice3A_247 = vector.extract_strided_slice %broadcast_in_dim3A_214 {offsets = [0, 132], sizes = [1, 6], strides = [1, 1]} : vector<1x168xf32> to vector<1x6xf32>
    %add3A_248 = arith.addf %add3A_244, %slice3A_247 : vector<1x6xf32>
    %slice3A_249 = vector.extract_strided_slice %broadcast_in_dim3A_214 {offsets = [0, 54], sizes = [1, 6], strides = [1, 1]} : vector<1x168xf32> to vector<1x6xf32>
    %add3A_250 = arith.addf %add3A_246, %slice3A_249 : vector<1x6xf32>
    %slice3A_251 = vector.extract_strided_slice %broadcast_in_dim3A_214 {offsets = [0, 138], sizes = [1, 6], strides = [1, 1]} : vector<1x168xf32> to vector<1x6xf32>
    %add3A_252 = arith.addf %add3A_248, %slice3A_251 : vector<1x6xf32>
    %slice3A_253 = vector.extract_strided_slice %broadcast_in_dim3A_214 {offsets = [0, 60], sizes = [1, 6], strides = [1, 1]} : vector<1x168xf32> to vector<1x6xf32>
    %add3A_254 = arith.addf %add3A_250, %slice3A_253 : vector<1x6xf32>
    %slice3A_255 = vector.extract_strided_slice %broadcast_in_dim3A_214 {offsets = [0, 144], sizes = [1, 6], strides = [1, 1]} : vector<1x168xf32> to vector<1x6xf32>
    %add3A_256 = arith.addf %add3A_252, %slice3A_255 : vector<1x6xf32>
    %slice3A_257 = vector.extract_strided_slice %broadcast_in_dim3A_214 {offsets = [0, 66], sizes = [1, 6], strides = [1, 1]} : vector<1x168xf32> to vector<1x6xf32>
    %add3A_258 = arith.addf %add3A_254, %slice3A_257 : vector<1x6xf32>
    %slice3A_259 = vector.extract_strided_slice %broadcast_in_dim3A_214 {offsets = [0, 150], sizes = [1, 6], strides = [1, 1]} : vector<1x168xf32> to vector<1x6xf32>
    %add3A_260 = arith.addf %add3A_256, %slice3A_259 : vector<1x6xf32>
    %slice3A_261 = vector.extract_strided_slice %broadcast_in_dim3A_214 {offsets = [0, 72], sizes = [1, 6], strides = [1, 1]} : vector<1x168xf32> to vector<1x6xf32>
    %add3A_262 = arith.addf %add3A_258, %slice3A_261 : vector<1x6xf32>
    %slice3A_263 = vector.extract_strided_slice %broadcast_in_dim3A_214 {offsets = [0, 156], sizes = [1, 6], strides = [1, 1]} : vector<1x168xf32> to vector<1x6xf32>
    %add3A_264 = arith.addf %add3A_260, %slice3A_263 : vector<1x6xf32>
    %slice3A_265 = vector.extract_strided_slice %broadcast_in_dim3A_214 {offsets = [0, 78], sizes = [1, 6], strides = [1, 1]} : vector<1x168xf32> to vector<1x6xf32>
    %add3A_266 = arith.addf %add3A_262, %slice3A_265 : vector<1x6xf32>
    %slice3A_267 = vector.extract_strided_slice %broadcast_in_dim3A_214 {offsets = [0, 162], sizes = [1, 6], strides = [1, 1]} : vector<1x168xf32> to vector<1x6xf32>
    %add3A_268 = arith.addf %add3A_264, %slice3A_267 : vector<1x6xf32>
    %convert_element_type3A_269 = arith.extf %mul3A_206 : vector<14x736xbf16> to vector<14x736xf32>
    %reduce_sum3A_270 = vector.shape_cast %convert_element_type3A_269 : vector<14x736xf32> to vector<1x14x736xf32>
    %reduce_sum3A_271 = arith.constant dense<0.000000e+00> : vector<1xf32>
    %reduce_sum3A_272 = vector.multi_reduction <add>, %reduce_sum3A_270, %reduce_sum3A_271 [1, 2] : vector<1x14x736xf32> to vector<1xf32>
    %reduce_sum3A_273 = vector.shape_cast %reduce_sum3A_272 : vector<1xf32> to vector<1x1x1xf32>
    %reduce_sum3A_274 = vector.extract %reduce_sum3A_273[0, 0, 0] : f32 from vector<1x1x1xf32>
    %broadcast_in_dim3A_275 = vector.broadcast %reduce_sum3A_274 : f32 to vector<1x1xf32>
    %convert_element_type3A_276 = arith.extf %mul3A_207 : vector<14x736xbf16> to vector<14x736xf32>
    %reduce_sum3A_277 = vector.shape_cast %convert_element_type3A_276 : vector<14x736xf32> to vector<1x14x736xf32>
    %reduce_sum3A_278 = arith.constant dense<0.000000e+00> : vector<1xf32>
    %reduce_sum3A_279 = vector.multi_reduction <add>, %reduce_sum3A_277, %reduce_sum3A_278 [1, 2] : vector<1x14x736xf32> to vector<1xf32>
    %reduce_sum3A_280 = vector.shape_cast %reduce_sum3A_279 : vector<1xf32> to vector<1x1x1xf32>
    %reduce_sum3A_281 = vector.extract %reduce_sum3A_280[0, 0, 0] : f32 from vector<1x1x1xf32>
    %broadcast_in_dim3A_282 = vector.broadcast %reduce_sum3A_281 : f32 to vector<1x1xf32>
    %concatenate3A_283 = tpu.concatenate %add3A_266, %add3A_268, %broadcast_in_dim3A_275, %broadcast_in_dim3A_282 in 1 : vector<1x6xf32>, vector<1x6xf32>, vector<1x1xf32>, vector<1x1xf32> -> vector<1x14xf32>
    %dot_general3A_284 = arith.constant dense<0.000000e+00> : vector<1x3xf32>
    %dot_general3A_285 = tpu.matmul %concatenate3A_283, %get3A_34, %dot_general3A_284 {dimension_numbers = #tpu.dot_dimension_numbers<[1], [0], [0], [1], [0, 0, 1, 1], [], []>, transpose_lhs_hint = false} : vector<1x14xf32>, vector<14x3xf32>, vector<1x3xf32> -> vector<1x3xf32>
    %squeeze3A_286 = vector.shape_cast %dot_general3A_285 : vector<1x3xf32> to vector<3xf32>
    %swap3A_287 = arith.constant 0 : index
    %swap3A_288 = arith.constant 1 : index
    %swap3A_289 = arith.constant 0 : index
    %swap3A_290 = vector.load %arg14[%swap3A_287, %swap3A_288, %swap3A_289] : memref<1x16x3xf32, #tpu.memory_space<vmem>>, vector<1x1x3xf32>
    %swap3A_291 = vector.shape_cast %swap3A_290 : vector<1x1x3xf32> to vector<3xf32>
    %swap3A_292 = vector.shape_cast %squeeze3A_286 : vector<3xf32> to vector<1x1x3xf32>
    tpu.vector_store %arg14[%swap3A_287, %swap3A_288, %swap3A_289], %swap3A_292 {strides = array<i32>} : memref<1x16x3xf32, #tpu.memory_space<vmem>>, vector<1x1x3xf32>,
    %get3A_293 = arith.constant 2 : index
    %get3A_294 = arith.constant 0 : index
    %get3A_295 = arith.constant 0 : index
    %get3A_296 = vector.load %arg1[%get3A_293, %get3A_294, %get3A_295] : memref<16x14x736xbf16, #tpu.memory_space<vmem>>, vector<1x14x736xbf16>
    %get3A_297 = vector.shape_cast %get3A_296 : vector<1x14x736xbf16> to vector<14x736xbf16>
    %mul3A_298 = arith.mulf %get3A_297, %convert_element_type3A_8 : vector<14x736xbf16>
    %mul3A_299 = arith.mulf %get3A_297, %convert_element_type3A_13 : vector<14x736xbf16>
    %concatenate3A_300 = tpu.concatenate %mul3A_298, %mul3A_299 in 0 : vector<14x736xbf16>, vector<14x736xbf16> -> vector<28x736xbf16>
    %dot_general3A_301 = arith.constant dense<0.000000e+00> : vector<28x168xf32>
    %dot_general3A_302 = tpu.matmul %concatenate3A_300, %convert_element_type3A_109, %dot_general3A_301 {dimension_numbers = #tpu.dot_dimension_numbers<[1], [0], [0], [1], [0, 0, 1, 1], [], []>, transpose_lhs_hint = false} : vector<28x736xbf16>, vector<736x168xbf16>, vector<28x168xf32> -> vector<28x168xf32>
    %mul3A_303 = arith.mulf %dot_general3A_302, %get3A_31 : vector<28x168xf32>
    %reduce_sum3A_304 = arith.constant dense<0.000000e+00> : vector<168xf32>
    %reduce_sum3A_305 = vector.multi_reduction <add>, %mul3A_303, %reduce_sum3A_304 [0] : vector<28x168xf32> to vector<168xf32>
    %broadcast_in_dim3A_306 = vector.shape_cast %reduce_sum3A_305 : vector<168xf32> to vector<1x168xf32>
    %slice3A_307 = vector.extract_strided_slice %broadcast_in_dim3A_306 {offsets = [0, 0], sizes = [1, 6], strides = [1, 1]} : vector<1x168xf32> to vector<1x6xf32>
    %slice3A_308 = vector.extract_strided_slice %broadcast_in_dim3A_306 {offsets = [0, 84], sizes = [1, 6], strides = [1, 1]} : vector<1x168xf32> to vector<1x6xf32>
    %slice3A_309 = vector.extract_strided_slice %broadcast_in_dim3A_306 {offsets = [0, 6], sizes = [1, 6], strides = [1, 1]} : vector<1x168xf32> to vector<1x6xf32>
    %add3A_310 = arith.addf %slice3A_307, %slice3A_309 : vector<1x6xf32>
    %slice3A_311 = vector.extract_strided_slice %broadcast_in_dim3A_306 {offsets = [0, 90], sizes = [1, 6], strides = [1, 1]} : vector<1x168xf32> to vector<1x6xf32>
    %add3A_312 = arith.addf %slice3A_308, %slice3A_311 : vector<1x6xf32>
    %slice3A_313 = vector.extract_strided_slice %broadcast_in_dim3A_306 {offsets = [0, 12], sizes = [1, 6], strides = [1, 1]} : vector<1x168xf32> to vector<1x6xf32>
    %add3A_314 = arith.addf %add3A_310, %slice3A_313 : vector<1x6xf32>
    %slice3A_315 = vector.extract_strided_slice %broadcast_in_dim3A_306 {offsets = [0, 96], sizes = [1, 6], strides = [1, 1]} : vector<1x168xf32> to vector<1x6xf32>
    %add3A_316 = arith.addf %add3A_312, %slice3A_315 : vector<1x6xf32>
    %slice3A_317 = vector.extract_strided_slice %broadcast_in_dim3A_306 {offsets = [0, 18], sizes = [1, 6], strides = [1, 1]} : vector<1x168xf32> to vector<1x6xf32>
    %add3A_318 = arith.addf %add3A_314, %slice3A_317 : vector<1x6xf32>
    %slice3A_319 = vector.extract_strided_slice %broadcast_in_dim3A_306 {offsets = [0, 102], sizes = [1, 6], strides = [1, 1]} : vector<1x168xf32> to vector<1x6xf32>
    %add3A_320 = arith.addf %add3A_316, %slice3A_319 : vector<1x6xf32>
    %slice3A_321 = vector.extract_strided_slice %broadcast_in_dim3A_306 {offsets = [0, 24], sizes = [1, 6], strides = [1, 1]} : vector<1x168xf32> to vector<1x6xf32>
    %add3A_322 = arith.addf %add3A_318, %slice3A_321 : vector<1x6xf32>
    %slice3A_323 = vector.extract_strided_slice %broadcast_in_dim3A_306 {offsets = [0, 108], sizes = [1, 6], strides = [1, 1]} : vector<1x168xf32> to vector<1x6xf32>
    %add3A_324 = arith.addf %add3A_320, %slice3A_323 : vector<1x6xf32>
    %slice3A_325 = vector.extract_strided_slice %broadcast_in_dim3A_306 {offsets = [0, 30], sizes = [1, 6], strides = [1, 1]} : vector<1x168xf32> to vector<1x6xf32>
    %add3A_326 = arith.addf %add3A_322, %slice3A_325 : vector<1x6xf32>
    %slice3A_327 = vector.extract_strided_slice %broadcast_in_dim3A_306 {offsets = [0, 114], sizes = [1, 6], strides = [1, 1]} : vector<1x168xf32> to vector<1x6xf32>
    %add3A_328 = arith.addf %add3A_324, %slice3A_327 : vector<1x6xf32>
    %slice3A_329 = vector.extract_strided_slice %broadcast_in_dim3A_306 {offsets = [0, 36], sizes = [1, 6], strides = [1, 1]} : vector<1x168xf32> to vector<1x6xf32>
    %add3A_330 = arith.addf %add3A_326, %slice3A_329 : vector<1x6xf32>
    %slice3A_331 = vector.extract_strided_slice %broadcast_in_dim3A_306 {offsets = [0, 120], sizes = [1, 6], strides = [1, 1]} : vector<1x168xf32> to vector<1x6xf32>
    %add3A_332 = arith.addf %add3A_328, %slice3A_331 : vector<1x6xf32>
    %slice3A_333 = vector.extract_strided_slice %broadcast_in_dim3A_306 {offsets = [0, 42], sizes = [1, 6], strides = [1, 1]} : vector<1x168xf32> to vector<1x6xf32>
    %add3A_334 = arith.addf %add3A_330, %slice3A_333 : vector<1x6xf32>
    %slice3A_335 = vector.extract_strided_slice %broadcast_in_dim3A_306 {offsets = [0, 126], sizes = [1, 6], strides = [1, 1]} : vector<1x168xf32> to vector<1x6xf32>
    %add3A_336 = arith.addf %add3A_332, %slice3A_335 : vector<1x6xf32>
    %slice3A_337 = vector.extract_strided_slice %broadcast_in_dim3A_306 {offsets = [0, 48], sizes = [1, 6], strides = [1, 1]} : vector<1x168xf32> to vector<1x6xf32>
    %add3A_338 = arith.addf %add3A_334, %slice3A_337 : vector<1x6xf32>
    %slice3A_339 = vector.extract_strided_slice %broadcast_in_dim3A_306 {offsets = [0, 132], sizes = [1, 6], strides = [1, 1]} : vector<1x168xf32> to vector<1x6xf32>
    %add3A_340 = arith.addf %add3A_336, %slice3A_339 : vector<1x6xf32>
    %slice3A_341 = vector.extract_strided_slice %broadcast_in_dim3A_306 {offsets = [0, 54], sizes = [1, 6], strides = [1, 1]} : vector<1x168xf32> to vector<1x6xf32>
    %add3A_342 = arith.addf %add3A_338, %slice3A_341 : vector<1x6xf32>
    %slice3A_343 = vector.extract_strided_slice %broadcast_in_dim3A_306 {offsets = [0, 138], sizes = [1, 6], strides = [1, 1]} : vector<1x168xf32> to vector<1x6xf32>
    %add3A_344 = arith.addf %add3A_340, %slice3A_343 : vector<1x6xf32>
    %slice3A_345 = vector.extract_strided_slice %broadcast_in_dim3A_306 {offsets = [0, 60], sizes = [1, 6], strides = [1, 1]} : vector<1x168xf32> to vector<1x6xf32>
    %add3A_346 = arith.addf %add3A_342, %slice3A_345 : vector<1x6xf32>
    %slice3A_347 = vector.extract_strided_slice %broadcast_in_dim3A_306 {offsets = [0, 144], sizes = [1, 6], strides = [1, 1]} : vector<1x168xf32> to vector<1x6xf32>
    %add3A_348 = arith.addf %add3A_344, %slice3A_347 : vector<1x6xf32>
    %slice3A_349 = vector.extract_strided_slice %broadcast_in_dim3A_306 {offsets = [0, 66], sizes = [1, 6], strides = [1, 1]} : vector<1x168xf32> to vector<1x6xf32>
    %add3A_350 = arith.addf %add3A_346, %slice3A_349 : vector<1x6xf32>
    %slice3A_351 = vector.extract_strided_slice %broadcast_in_dim3A_306 {offsets = [0, 150], sizes = [1, 6], strides = [1, 1]} : vector<1x168xf32> to vector<1x6xf32>
    %add3A_352 = arith.addf %add3A_348, %slice3A_351 : vector<1x6xf32>
    %slice3A_353 = vector.extract_strided_slice %broadcast_in_dim3A_306 {offsets = [0, 72], sizes = [1, 6], strides = [1, 1]} : vector<1x168xf32> to vector<1x6xf32>
    %add3A_354 = arith.addf %add3A_350, %slice3A_353 : vector<1x6xf32>
    %slice3A_355 = vector.extract_strided_slice %broadcast_in_dim3A_306 {offsets = [0, 156], sizes = [1, 6], strides = [1, 1]} : vector<1x168xf32> to vector<1x6xf32>
    %add3A_356 = arith.addf %add3A_352, %slice3A_355 : vector<1x6xf32>
    %slice3A_357 = vector.extract_strided_slice %broadcast_in_dim3A_306 {offsets = [0, 78], sizes = [1, 6], strides = [1, 1]} : vector<1x168xf32> to vector<1x6xf32>
    %add3A_358 = arith.addf %add3A_354, %slice3A_357 : vector<1x6xf32>
    %slice3A_359 = vector.extract_strided_slice %broadcast_in_dim3A_306 {offsets = [0, 162], sizes = [1, 6], strides = [1, 1]} : vector<1x168xf32> to vector<1x6xf32>
    %add3A_360 = arith.addf %add3A_356, %slice3A_359 : vector<1x6xf32>
    %convert_element_type3A_361 = arith.extf %mul3A_298 : vector<14x736xbf16> to vector<14x736xf32>
    %reduce_sum3A_362 = vector.shape_cast %convert_element_type3A_361 : vector<14x736xf32> to vector<1x14x736xf32>
    %reduce_sum3A_363 = arith.constant dense<0.000000e+00> : vector<1xf32>
    %reduce_sum3A_364 = vector.multi_reduction <add>, %reduce_sum3A_362, %reduce_sum3A_363 [1, 2] : vector<1x14x736xf32> to vector<1xf32>
    %reduce_sum3A_365 = vector.shape_cast %reduce_sum3A_364 : vector<1xf32> to vector<1x1x1xf32>
    %reduce_sum3A_366 = vector.extract %reduce_sum3A_365[0, 0, 0] : f32 from vector<1x1x1xf32>
    %broadcast_in_dim3A_367 = vector.broadcast %reduce_sum3A_366 : f32 to vector<1x1xf32>
    %convert_element_type3A_368 = arith.extf %mul3A_299 : vector<14x736xbf16> to vector<14x736xf32>
    %reduce_sum3A_369 = vector.shape_cast %convert_element_type3A_368 : vector<14x736xf32> to vector<1x14x736xf32>
    %reduce_sum3A_370 = arith.constant dense<0.000000e+00> : vector<1xf32>
    %reduce_sum3A_371 = vector.multi_reduction <add>, %reduce_sum3A_369, %reduce_sum3A_370 [1, 2] : vector<1x14x736xf32> to vector<1xf32>
    %reduce_sum3A_372 = vector.shape_cast %reduce_sum3A_371 : vector<1xf32> to vector<1x1x1xf32>
    %reduce_sum3A_373 = vector.extract %reduce_sum3A_372[0, 0, 0] : f32 from vector<1x1x1xf32>
    %broadcast_in_dim3A_374 = vector.broadcast %reduce_sum3A_373 : f32 to vector<1x1xf32>
    %concatenate3A_375 = tpu.concatenate %add3A_358, %add3A_360, %broadcast_in_dim3A_367, %broadcast_in_dim3A_374 in 1 : vector<1x6xf32>, vector<1x6xf32>, vector<1x1xf32>, vector<1x1xf32> -> vector<1x14xf32>
    %dot_general3A_376 = arith.constant dense<0.000000e+00> : vector<1x3xf32>
    %dot_general3A_377 = tpu.matmul %concatenate3A_375, %get3A_34, %dot_general3A_376 {dimension_numbers = #tpu.dot_dimension_numbers<[1], [0], [0], [1], [0, 0, 1, 1], [], []>, transpose_lhs_hint = false} : vector<1x14xf32>, vector<14x3xf32>, vector<1x3xf32> -> vector<1x3xf32>
    %squeeze3A_378 = vector.shape_cast %dot_general3A_377 : vector<1x3xf32> to vector<3xf32>
    %swap3A_379 = arith.constant 0 : index
    %swap3A_380 = arith.constant 2 : index
    %swap3A_381 = arith.constant 0 : index
    %swap3A_382 = vector.load %arg14[%swap3A_379, %swap3A_380, %swap3A_381] : memref<1x16x3xf32, #tpu.memory_space<vmem>>, vector<1x1x3xf32>
    %swap3A_383 = vector.shape_cast %swap3A_382 : vector<1x1x3xf32> to vector<3xf32>
    %swap3A_384 = vector.shape_cast %squeeze3A_378 : vector<3xf32> to vector<1x1x3xf32>
    tpu.vector_store %arg14[%swap3A_379, %swap3A_380, %swap3A_381], %swap3A_384 {strides = array<i32>} : memref<1x16x3xf32, #tpu.memory_space<vmem>>, vector<1x1x3xf32>,
    %get3A_385 = arith.constant 3 : index
    %get3A_386 = arith.constant 0 : index
    %get3A_387 = arith.constant 0 : index
    %get3A_388 = vector.load %arg1[%get3A_385, %get3A_386, %get3A_387] : memref<16x14x736xbf16, #tpu.memory_space<vmem>>, vector<1x14x736xbf16>
    %get3A_389 = vector.shape_cast %get3A_388 : vector<1x14x736xbf16> to vector<14x736xbf16>
    %mul3A_390 = arith.mulf %get3A_389, %convert_element_type3A_8 : vector<14x736xbf16>
    %mul3A_391 = arith.mulf %get3A_389, %convert_element_type3A_13 : vector<14x736xbf16>
    %concatenate3A_392 = tpu.concatenate %mul3A_390, %mul3A_391 in 0 : vector<14x736xbf16>, vector<14x736xbf16> -> vector<28x736xbf16>
    %dot_general3A_393 = arith.constant dense<0.000000e+00> : vector<28x168xf32>
    %dot_general3A_394 = tpu.matmul %concatenate3A_392, %convert_element_type3A_113, %dot_general3A_393 {dimension_numbers = #tpu.dot_dimension_numbers<[1], [0], [0], [1], [0, 0, 1, 1], [], []>, transpose_lhs_hint = false} : vector<28x736xbf16>, vector<736x168xbf16>, vector<28x168xf32> -> vector<28x168xf32>
    %mul3A_395 = arith.mulf %dot_general3A_394, %get3A_31 : vector<28x168xf32>
    %reduce_sum3A_396 = arith.constant dense<0.000000e+00> : vector<168xf32>
    %reduce_sum3A_397 = vector.multi_reduction <add>, %mul3A_395, %reduce_sum3A_396 [0] : vector<28x168xf32> to vector<168xf32>
    %broadcast_in_dim3A_398 = vector.shape_cast %reduce_sum3A_397 : vector<168xf32> to vector<1x168xf32>
    %slice3A_399 = vector.extract_strided_slice %broadcast_in_dim3A_398 {offsets = [0, 0], sizes = [1, 6], strides = [1, 1]} : vector<1x168xf32> to vector<1x6xf32>
    %slice3A_400 = vector.extract_strided_slice %broadcast_in_dim3A_398 {offsets = [0, 84], sizes = [1, 6], strides = [1, 1]} : vector<1x168xf32> to vector<1x6xf32>
    %slice3A_401 = vector.extract_strided_slice %broadcast_in_dim3A_398 {offsets = [0, 6], sizes = [1, 6], strides = [1, 1]} : vector<1x168xf32> to vector<1x6xf32>
    %add3A_402 = arith.addf %slice3A_399, %slice3A_401 : vector<1x6xf32>
    %slice3A_403 = vector.extract_strided_slice %broadcast_in_dim3A_398 {offsets = [0, 90], sizes = [1, 6], strides = [1, 1]} : vector<1x168xf32> to vector<1x6xf32>
    %add3A_404 = arith.addf %slice3A_400, %slice3A_403 : vector<1x6xf32>
    %slice3A_405 = vector.extract_strided_slice %broadcast_in_dim3A_398 {offsets = [0, 12], sizes = [1, 6], strides = [1, 1]} : vector<1x168xf32> to vector<1x6xf32>
    %add3A_406 = arith.addf %add3A_402, %slice3A_405 : vector<1x6xf32>
    %slice3A_407 = vector.extract_strided_slice %broadcast_in_dim3A_398 {offsets = [0, 96], sizes = [1, 6], strides = [1, 1]} : vector<1x168xf32> to vector<1x6xf32>
    %add3A_408 = arith.addf %add3A_404, %slice3A_407 : vector<1x6xf32>
    %slice3A_409 = vector.extract_strided_slice %broadcast_in_dim3A_398 {offsets = [0, 18], sizes = [1, 6], strides = [1, 1]} : vector<1x168xf32> to vector<1x6xf32>
    %add3A_410 = arith.addf %add3A_406, %slice3A_409 : vector<1x6xf32>
    %slice3A_411 = vector.extract_strided_slice %broadcast_in_dim3A_398 {offsets = [0, 102], sizes = [1, 6], strides = [1, 1]} : vector<1x168xf32> to vector<1x6xf32>
    %add3A_412 = arith.addf %add3A_408, %slice3A_411 : vector<1x6xf32>
    %slice3A_413 = vector.extract_strided_slice %broadcast_in_dim3A_398 {offsets = [0, 24], sizes = [1, 6], strides = [1, 1]} : vector<1x168xf32> to vector<1x6xf32>
    %add3A_414 = arith.addf %add3A_410, %slice3A_413 : vector<1x6xf32>
    %slice3A_415 = vector.extract_strided_slice %broadcast_in_dim3A_398 {offsets = [0, 108], sizes = [1, 6], strides = [1, 1]} : vector<1x168xf32> to vector<1x6xf32>
    %add3A_416 = arith.addf %add3A_412, %slice3A_415 : vector<1x6xf32>
    %slice3A_417 = vector.extract_strided_slice %broadcast_in_dim3A_398 {offsets = [0, 30], sizes = [1, 6], strides = [1, 1]} : vector<1x168xf32> to vector<1x6xf32>
    %add3A_418 = arith.addf %add3A_414, %slice3A_417 : vector<1x6xf32>
    %slice3A_419 = vector.extract_strided_slice %broadcast_in_dim3A_398 {offsets = [0, 114], sizes = [1, 6], strides = [1, 1]} : vector<1x168xf32> to vector<1x6xf32>
    %add3A_420 = arith.addf %add3A_416, %slice3A_419 : vector<1x6xf32>
    %slice3A_421 = vector.extract_strided_slice %broadcast_in_dim3A_398 {offsets = [0, 36], sizes = [1, 6], strides = [1, 1]} : vector<1x168xf32> to vector<1x6xf32>
    %add3A_422 = arith.addf %add3A_418, %slice3A_421 : vector<1x6xf32>
    %slice3A_423 = vector.extract_strided_slice %broadcast_in_dim3A_398 {offsets = [0, 120], sizes = [1, 6], strides = [1, 1]} : vector<1x168xf32> to vector<1x6xf32>
    %add3A_424 = arith.addf %add3A_420, %slice3A_423 : vector<1x6xf32>
    %slice3A_425 = vector.extract_strided_slice %broadcast_in_dim3A_398 {offsets = [0, 42], sizes = [1, 6], strides = [1, 1]} : vector<1x168xf32> to vector<1x6xf32>
    %add3A_426 = arith.addf %add3A_422, %slice3A_425 : vector<1x6xf32>
    %slice3A_427 = vector.extract_strided_slice %broadcast_in_dim3A_398 {offsets = [0, 126], sizes = [1, 6], strides = [1, 1]} : vector<1x168xf32> to vector<1x6xf32>
    %add3A_428 = arith.addf %add3A_424, %slice3A_427 : vector<1x6xf32>
    %slice3A_429 = vector.extract_strided_slice %broadcast_in_dim3A_398 {offsets = [0, 48], sizes = [1, 6], strides = [1, 1]} : vector<1x168xf32> to vector<1x6xf32>
    %add3A_430 = arith.addf %add3A_426, %slice3A_429 : vector<1x6xf32>
    %slice3A_431 = vector.extract_strided_slice %broadcast_in_dim3A_398 {offsets = [0, 132], sizes = [1, 6], strides = [1, 1]} : vector<1x168xf32> to vector<1x6xf32>
    %add3A_432 = arith.addf %add3A_428, %slice3A_431 : vector<1x6xf32>
    %slice3A_433 = vector.extract_strided_slice %broadcast_in_dim3A_398 {offsets = [0, 54], sizes = [1, 6], strides = [1, 1]} : vector<1x168xf32> to vector<1x6xf32>
    %add3A_434 = arith.addf %add3A_430, %slice3A_433 : vector<1x6xf32>
    %slice3A_435 = vector.extract_strided_slice %broadcast_in_dim3A_398 {offsets = [0, 138], sizes = [1, 6], strides = [1, 1]} : vector<1x168xf32> to vector<1x6xf32>
    %add3A_436 = arith.addf %add3A_432, %slice3A_435 : vector<1x6xf32>
    %slice3A_437 = vector.extract_strided_slice %broadcast_in_dim3A_398 {offsets = [0, 60], sizes = [1, 6], strides = [1, 1]} : vector<1x168xf32> to vector<1x6xf32>
    %add3A_438 = arith.addf %add3A_434, %slice3A_437 : vector<1x6xf32>
    %slice3A_439 = vector.extract_strided_slice %broadcast_in_dim3A_398 {offsets = [0, 144], sizes = [1, 6], strides = [1, 1]} : vector<1x168xf32> to vector<1x6xf32>
    %add3A_440 = arith.addf %add3A_436, %slice3A_439 : vector<1x6xf32>
    %slice3A_441 = vector.extract_strided_slice %broadcast_in_dim3A_398 {offsets = [0, 66], sizes = [1, 6], strides = [1, 1]} : vector<1x168xf32> to vector<1x6xf32>
    %add3A_442 = arith.addf %add3A_438, %slice3A_441 : vector<1x6xf32>
    %slice3A_443 = vector.extract_strided_slice %broadcast_in_dim3A_398 {offsets = [0, 150], sizes = [1, 6], strides = [1, 1]} : vector<1x168xf32> to vector<1x6xf32>
    %add3A_444 = arith.addf %add3A_440, %slice3A_443 : vector<1x6xf32>
    %slice3A_445 = vector.extract_strided_slice %broadcast_in_dim3A_398 {offsets = [0, 72], sizes = [1, 6], strides = [1, 1]} : vector<1x168xf32> to vector<1x6xf32>
    %add3A_446 = arith.addf %add3A_442, %slice3A_445 : vector<1x6xf32>
    %slice3A_447 = vector.extract_strided_slice %broadcast_in_dim3A_398 {offsets = [0, 156], sizes = [1, 6], strides = [1, 1]} : vector<1x168xf32> to vector<1x6xf32>
    %add3A_448 = arith.addf %add3A_444, %slice3A_447 : vector<1x6xf32>
    %slice3A_449 = vector.extract_strided_slice %broadcast_in_dim3A_398 {offsets = [0, 78], sizes = [1, 6], strides = [1, 1]} : vector<1x168xf32> to vector<1x6xf32>
    %add3A_450 = arith.addf %add3A_446, %slice3A_449 : vector<1x6xf32>
    %slice3A_451 = vector.extract_strided_slice %broadcast_in_dim3A_398 {offsets = [0, 162], sizes = [1, 6], strides = [1, 1]} : vector<1x168xf32> to vector<1x6xf32>
    %add3A_452 = arith.addf %add3A_448, %slice3A_451 : vector<1x6xf32>
    %convert_element_type3A_453 = arith.extf %mul3A_390 : vector<14x736xbf16> to vector<14x736xf32>
    %reduce_sum3A_454 = vector.shape_cast %convert_element_type3A_453 : vector<14x736xf32> to vector<1x14x736xf32>
    %reduce_sum3A_455 = arith.constant dense<0.000000e+00> : vector<1xf32>
    %reduce_sum3A_456 = vector.multi_reduction <add>, %reduce_sum3A_454, %reduce_sum3A_455 [1, 2] : vector<1x14x736xf32> to vector<1xf32>
    %reduce_sum3A_457 = vector.shape_cast %reduce_sum3A_456 : vector<1xf32> to vector<1x1x1xf32>
    %reduce_sum3A_458 = vector.extract %reduce_sum3A_457[0, 0, 0] : f32 from vector<1x1x1xf32>
    %broadcast_in_dim3A_459 = vector.broadcast %reduce_sum3A_458 : f32 to vector<1x1xf32>
    %convert_element_type3A_460 = arith.extf %mul3A_391 : vector<14x736xbf16> to vector<14x736xf32>
    %reduce_sum3A_461 = vector.shape_cast %convert_element_type3A_460 : vector<14x736xf32> to vector<1x14x736xf32>
    %reduce_sum3A_462 = arith.constant dense<0.000000e+00> : vector<1xf32>
    %reduce_sum3A_463 = vector.multi_reduction <add>, %reduce_sum3A_461, %reduce_sum3A_462 [1, 2] : vector<1x14x736xf32> to vector<1xf32>
    %reduce_sum3A_464 = vector.shape_cast %reduce_sum3A_463 : vector<1xf32> to vector<1x1x1xf32>
    %reduce_sum3A_465 = vector.extract %reduce_sum3A_464[0, 0, 0] : f32 from vector<1x1x1xf32>
    %broadcast_in_dim3A_466 = vector.broadcast %reduce_sum3A_465 : f32 to vector<1x1xf32>
    %concatenate3A_467 = tpu.concatenate %add3A_450, %add3A_452, %broadcast_in_dim3A_459, %broadcast_in_dim3A_466 in 1 : vector<1x6xf32>, vector<1x6xf32>, vector<1x1xf32>, vector<1x1xf32> -> vector<1x14xf32>
    %dot_general3A_468 = arith.constant dense<0.000000e+00> : vector<1x3xf32>
    %dot_general3A_469 = tpu.matmul %concatenate3A_467, %get3A_34, %dot_general3A_468 {dimension_numbers = #tpu.dot_dimension_numbers<[1], [0], [0], [1], [0, 0, 1, 1], [], []>, transpose_lhs_hint = false} : vector<1x14xf32>, vector<14x3xf32>, vector<1x3xf32> -> vector<1x3xf32>
    %squeeze3A_470 = vector.shape_cast %dot_general3A_469 : vector<1x3xf32> to vector<3xf32>
    %swap3A_471 = arith.constant 0 : index
    %swap3A_472 = arith.constant 3 : index
    %swap3A_473 = arith.constant 0 : index
    %swap3A_474 = vector.load %arg14[%swap3A_471, %swap3A_472, %swap3A_473] : memref<1x16x3xf32, #tpu.memory_space<vmem>>, vector<1x1x3xf32>
    %swap3A_475 = vector.shape_cast %swap3A_474 : vector<1x1x3xf32> to vector<3xf32>
    %swap3A_476 = vector.shape_cast %squeeze3A_470 : vector<3xf32> to vector<1x1x3xf32>
    tpu.vector_store %arg14[%swap3A_471, %swap3A_472, %swap3A_473], %swap3A_476 {strides = array<i32>} : memref<1x16x3xf32, #tpu.memory_space<vmem>>, vector<1x1x3xf32>,
    %slice3A_477 = vector.extract_strided_slice %concatenate3A {offsets = [4, 0], sizes = [1, 504], strides = [1, 1]} : vector<16x504xf32> to vector<1x504xf32>
    %add3A_478 = vector.broadcast %slice3A_477 : vector<1x504xf32> to vector<736x504xf32>
    %add3A_479 = arith.addf %get3A_16, %add3A_478 : vector<736x504xf32>
    %tanh3A_480 = math.tanh %add3A_479 : vector<736x504xf32>
    %convert_element_type3A_481 = arith.truncf %tanh3A_480 : vector<736x504xf32> to vector<736x504xbf16>
    %slice3A_482 = vector.extract_strided_slice %concatenate3A {offsets = [5, 0], sizes = [1, 504], strides = [1, 1]} : vector<16x504xf32> to vector<1x504xf32>
    %add3A_483 = vector.broadcast %slice3A_482 : vector<1x504xf32> to vector<736x504xf32>
    %add3A_484 = arith.addf %get3A_16, %add3A_483 : vector<736x504xf32>
    %tanh3A_485 = math.tanh %add3A_484 : vector<736x504xf32>
    %convert_element_type3A_486 = arith.truncf %tanh3A_485 : vector<736x504xf32> to vector<736x504xbf16>
    %slice3A_487 = vector.extract_strided_slice %concatenate3A {offsets = [6, 0], sizes = [1, 504], strides = [1, 1]} : vector<16x504xf32> to vector<1x504xf32>
    %add3A_488 = vector.broadcast %slice3A_487 : vector<1x504xf32> to vector<736x504xf32>
    %add3A_489 = arith.addf %get3A_16, %add3A_488 : vector<736x504xf32>
    %tanh3A_490 = math.tanh %add3A_489 : vector<736x504xf32>
    %convert_element_type3A_491 = arith.truncf %tanh3A_490 : vector<736x504xf32> to vector<736x504xbf16>
    %slice3A_492 = vector.extract_strided_slice %concatenate3A {offsets = [7, 0], sizes = [1, 504], strides = [1, 1]} : vector<16x504xf32> to vector<1x504xf32>
    %add3A_493 = vector.broadcast %slice3A_492 : vector<1x504xf32> to vector<736x504xf32>
    %add3A_494 = arith.addf %get3A_16, %add3A_493 : vector<736x504xf32>
    %tanh3A_495 = math.tanh %add3A_494 : vector<736x504xf32>
    %convert_element_type3A_496 = arith.truncf %tanh3A_495 : vector<736x504xf32> to vector<736x504xbf16>
    %dot_general3A_497 = arith.constant dense<0.000000e+00> : vector<736x252xf32>
    %dot_general3A_498 = tpu.matmul %convert_element_type3A_481, %get3A_19, %dot_general3A_497 {dimension_numbers = #tpu.dot_dimension_numbers<[1], [0], [0], [1], [0, 0, 1, 1], [], []>, transpose_lhs_hint = false} : vector<736x504xbf16>, vector<504x252xbf16>, vector<736x252xf32> -> vector<736x252xf32>
    %dot_general3A_499 = arith.constant dense<0.000000e+00> : vector<736x252xf32>
    %dot_general3A_500 = tpu.matmul %convert_element_type3A_486, %get3A_19, %dot_general3A_499 {dimension_numbers = #tpu.dot_dimension_numbers<[1], [0], [0], [1], [0, 0, 1, 1], [], []>, transpose_lhs_hint = false} : vector<736x504xbf16>, vector<504x252xbf16>, vector<736x252xf32> -> vector<736x252xf32>
    %dot_general3A_501 = arith.constant dense<0.000000e+00> : vector<736x252xf32>
    %dot_general3A_502 = tpu.matmul %convert_element_type3A_491, %get3A_19, %dot_general3A_501 {dimension_numbers = #tpu.dot_dimension_numbers<[1], [0], [0], [1], [0, 0, 1, 1], [], []>, transpose_lhs_hint = false} : vector<736x504xbf16>, vector<504x252xbf16>, vector<736x252xf32> -> vector<736x252xf32>
    %dot_general3A_503 = arith.constant dense<0.000000e+00> : vector<736x252xf32>
    %dot_general3A_504 = tpu.matmul %convert_element_type3A_496, %get3A_19, %dot_general3A_503 {dimension_numbers = #tpu.dot_dimension_numbers<[1], [0], [0], [1], [0, 0, 1, 1], [], []>, transpose_lhs_hint = false} : vector<736x504xbf16>, vector<504x252xbf16>, vector<736x252xf32> -> vector<736x252xf32>
    %add3A_505 = vector.broadcast %get3A_22 : vector<1x252xf32> to vector<736x252xf32>
    %add3A_506 = arith.addf %dot_general3A_498, %add3A_505 : vector<736x252xf32>
    %tanh3A_507 = math.tanh %add3A_506 : vector<736x252xf32>
    %convert_element_type3A_508 = arith.truncf %tanh3A_507 : vector<736x252xf32> to vector<736x252xbf16>
    %add3A_509 = vector.broadcast %get3A_22 : vector<1x252xf32> to vector<736x252xf32>
    %add3A_510 = arith.addf %dot_general3A_500, %add3A_509 : vector<736x252xf32>
    %tanh3A_511 = math.tanh %add3A_510 : vector<736x252xf32>
    %convert_element_type3A_512 = arith.truncf %tanh3A_511 : vector<736x252xf32> to vector<736x252xbf16>
    %add3A_513 = vector.broadcast %get3A_22 : vector<1x252xf32> to vector<736x252xf32>
    %add3A_514 = arith.addf %dot_general3A_502, %add3A_513 : vector<736x252xf32>
    %tanh3A_515 = math.tanh %add3A_514 : vector<736x252xf32>
    %convert_element_type3A_516 = arith.truncf %tanh3A_515 : vector<736x252xf32> to vector<736x252xbf16>
    %add3A_517 = vector.broadcast %get3A_22 : vector<1x252xf32> to vector<736x252xf32>
    %add3A_518 = arith.addf %dot_general3A_504, %add3A_517 : vector<736x252xf32>
    %tanh3A_519 = math.tanh %add3A_518 : vector<736x252xf32>
    %convert_element_type3A_520 = arith.truncf %tanh3A_519 : vector<736x252xf32> to vector<736x252xbf16>
    %dot_general3A_521 = arith.constant dense<0.000000e+00> : vector<736x168xf32>
    %dot_general3A_522 = tpu.matmul %convert_element_type3A_508, %get3A_25, %dot_general3A_521 {dimension_numbers = #tpu.dot_dimension_numbers<[1], [0], [0], [1], [0, 0, 1, 1], [], []>, transpose_lhs_hint = false} : vector<736x252xbf16>, vector<252x168xbf16>, vector<736x168xf32> -> vector<736x168xf32>
    %dot_general3A_523 = arith.constant dense<0.000000e+00> : vector<736x168xf32>
    %dot_general3A_524 = tpu.matmul %convert_element_type3A_512, %get3A_25, %dot_general3A_523 {dimension_numbers = #tpu.dot_dimension_numbers<[1], [0], [0], [1], [0, 0, 1, 1], [], []>, transpose_lhs_hint = false} : vector<736x252xbf16>, vector<252x168xbf16>, vector<736x168xf32> -> vector<736x168xf32>
    %dot_general3A_525 = arith.constant dense<0.000000e+00> : vector<736x168xf32>
    %dot_general3A_526 = tpu.matmul %convert_element_type3A_516, %get3A_25, %dot_general3A_525 {dimension_numbers = #tpu.dot_dimension_numbers<[1], [0], [0], [1], [0, 0, 1, 1], [], []>, transpose_lhs_hint = false} : vector<736x252xbf16>, vector<252x168xbf16>, vector<736x168xf32> -> vector<736x168xf32>
    %dot_general3A_527 = arith.constant dense<0.000000e+00> : vector<736x168xf32>
    %dot_general3A_528 = tpu.matmul %convert_element_type3A_520, %get3A_25, %dot_general3A_527 {dimension_numbers = #tpu.dot_dimension_numbers<[1], [0], [0], [1], [0, 0, 1, 1], [], []>, transpose_lhs_hint = false} : vector<736x252xbf16>, vector<252x168xbf16>, vector<736x168xf32> -> vector<736x168xf32>
    %add3A_529 = vector.broadcast %get3A_28 : vector<1x168xf32> to vector<736x168xf32>
    %add3A_530 = arith.addf %dot_general3A_522, %add3A_529 : vector<736x168xf32>
    %tanh3A_531 = math.tanh %add3A_530 : vector<736x168xf32>
    %convert_element_type3A_532 = arith.truncf %tanh3A_531 : vector<736x168xf32> to vector<736x168xbf16>
    %add3A_533 = vector.broadcast %get3A_28 : vector<1x168xf32> to vector<736x168xf32>
    %add3A_534 = arith.addf %dot_general3A_524, %add3A_533 : vector<736x168xf32>
    %tanh3A_535 = math.tanh %add3A_534 : vector<736x168xf32>
    %convert_element_type3A_536 = arith.truncf %tanh3A_535 : vector<736x168xf32> to vector<736x168xbf16>
    %add3A_537 = vector.broadcast %get3A_28 : vector<1x168xf32> to vector<736x168xf32>
    %add3A_538 = arith.addf %dot_general3A_526, %add3A_537 : vector<736x168xf32>
    %tanh3A_539 = math.tanh %add3A_538 : vector<736x168xf32>
    %convert_element_type3A_540 = arith.truncf %tanh3A_539 : vector<736x168xf32> to vector<736x168xbf16>
    %add3A_541 = vector.broadcast %get3A_28 : vector<1x168xf32> to vector<736x168xf32>
    %add3A_542 = arith.addf %dot_general3A_528, %add3A_541 : vector<736x168xf32>
    %tanh3A_543 = math.tanh %add3A_542 : vector<736x168xf32>
    %convert_element_type3A_544 = arith.truncf %tanh3A_543 : vector<736x168xf32> to vector<736x168xbf16>
    %get3A_545 = arith.constant 4 : index
    %get3A_546 = arith.constant 0 : index
    %get3A_547 = arith.constant 0 : index
    %get3A_548 = vector.load %arg1[%get3A_545, %get3A_546, %get3A_547] : memref<16x14x736xbf16, #tpu.memory_space<vmem>>, vector<1x14x736xbf16>
    %get3A_549 = vector.shape_cast %get3A_548 : vector<1x14x736xbf16> to vector<14x736xbf16>
    %mul3A_550 = arith.mulf %get3A_549, %convert_element_type3A_8 : vector<14x736xbf16>
    %mul3A_551 = arith.mulf %get3A_549, %convert_element_type3A_13 : vector<14x736xbf16>
    %concatenate3A_552 = tpu.concatenate %mul3A_550, %mul3A_551 in 0 : vector<14x736xbf16>, vector<14x736xbf16> -> vector<28x736xbf16>
    %dot_general3A_553 = arith.constant dense<0.000000e+00> : vector<28x168xf32>
    %dot_general3A_554 = tpu.matmul %concatenate3A_552, %convert_element_type3A_532, %dot_general3A_553 {dimension_numbers = #tpu.dot_dimension_numbers<[1], [0], [0], [1], [0, 0, 1, 1], [], []>, transpose_lhs_hint = false} : vector<28x736xbf16>, vector<736x168xbf16>, vector<28x168xf32> -> vector<28x168xf32>
    %mul3A_555 = arith.mulf %dot_general3A_554, %get3A_31 : vector<28x168xf32>
    %reduce_sum3A_556 = arith.constant dense<0.000000e+00> : vector<168xf32>
    %reduce_sum3A_557 = vector.multi_reduction <add>, %mul3A_555, %reduce_sum3A_556 [0] : vector<28x168xf32> to vector<168xf32>
    %broadcast_in_dim3A_558 = vector.shape_cast %reduce_sum3A_557 : vector<168xf32> to vector<1x168xf32>
    %slice3A_559 = vector.extract_strided_slice %broadcast_in_dim3A_558 {offsets = [0, 0], sizes = [1, 6], strides = [1, 1]} : vector<1x168xf32> to vector<1x6xf32>
    %slice3A_560 = vector.extract_strided_slice %broadcast_in_dim3A_558 {offsets = [0, 84], sizes = [1, 6], strides = [1, 1]} : vector<1x168xf32> to vector<1x6xf32>
    %slice3A_561 = vector.extract_strided_slice %broadcast_in_dim3A_558 {offsets = [0, 6], sizes = [1, 6], strides = [1, 1]} : vector<1x168xf32> to vector<1x6xf32>
    %add3A_562 = arith.addf %slice3A_559, %slice3A_561 : vector<1x6xf32>
    %slice3A_563 = vector.extract_strided_slice %broadcast_in_dim3A_558 {offsets = [0, 90], sizes = [1, 6], strides = [1, 1]} : vector<1x168xf32> to vector<1x6xf32>
    %add3A_564 = arith.addf %slice3A_560, %slice3A_563 : vector<1x6xf32>
    %slice3A_565 = vector.extract_strided_slice %broadcast_in_dim3A_558 {offsets = [0, 12], sizes = [1, 6], strides = [1, 1]} : vector<1x168xf32> to vector<1x6xf32>
    %add3A_566 = arith.addf %add3A_562, %slice3A_565 : vector<1x6xf32>
    %slice3A_567 = vector.extract_strided_slice %broadcast_in_dim3A_558 {offsets = [0, 96], sizes = [1, 6], strides = [1, 1]} : vector<1x168xf32> to vector<1x6xf32>
    %add3A_568 = arith.addf %add3A_564, %slice3A_567 : vector<1x6xf32>
    %slice3A_569 = vector.extract_strided_slice %broadcast_in_dim3A_558 {offsets = [0, 18], sizes = [1, 6], strides = [1, 1]} : vector<1x168xf32> to vector<1x6xf32>
    %add3A_570 = arith.addf %add3A_566, %slice3A_569 : vector<1x6xf32>
    %slice3A_571 = vector.extract_strided_slice %broadcast_in_dim3A_558 {offsets = [0, 102], sizes = [1, 6], strides = [1, 1]} : vector<1x168xf32> to vector<1x6xf32>
    %add3A_572 = arith.addf %add3A_568, %slice3A_571 : vector<1x6xf32>
    %slice3A_573 = vector.extract_strided_slice %broadcast_in_dim3A_558 {offsets = [0, 24], sizes = [1, 6], strides = [1, 1]} : vector<1x168xf32> to vector<1x6xf32>
    %add3A_574 = arith.addf %add3A_570, %slice3A_573 : vector<1x6xf32>
    %slice3A_575 = vector.extract_strided_slice %broadcast_in_dim3A_558 {offsets = [0, 108], sizes = [1, 6], strides = [1, 1]} : vector<1x168xf32> to vector<1x6xf32>
    %add3A_576 = arith.addf %add3A_572, %slice3A_575 : vector<1x6xf32>
    %slice3A_577 = vector.extract_strided_slice %broadcast_in_dim3A_558 {offsets = [0, 30], sizes = [1, 6], strides = [1, 1]} : vector<1x168xf32> to vector<1x6xf32>
    %add3A_578 = arith.addf %add3A_574, %slice3A_577 : vector<1x6xf32>
    %slice3A_579 = vector.extract_strided_slice %broadcast_in_dim3A_558 {offsets = [0, 114], sizes = [1, 6], strides = [1, 1]} : vector<1x168xf32> to vector<1x6xf32>
    %add3A_580 = arith.addf %add3A_576, %slice3A_579 : vector<1x6xf32>
    %slice3A_581 = vector.extract_strided_slice %broadcast_in_dim3A_558 {offsets = [0, 36], sizes = [1, 6], strides = [1, 1]} : vector<1x168xf32> to vector<1x6xf32>
    %add3A_582 = arith.addf %add3A_578, %slice3A_581 : vector<1x6xf32>
    %slice3A_583 = vector.extract_strided_slice %broadcast_in_dim3A_558 {offsets = [0, 120], sizes = [1, 6], strides = [1, 1]} : vector<1x168xf32> to vector<1x6xf32>
    %add3A_584 = arith.addf %add3A_580, %slice3A_583 : vector<1x6xf32>
    %slice3A_585 = vector.extract_strided_slice %broadcast_in_dim3A_558 {offsets = [0, 42], sizes = [1, 6], strides = [1, 1]} : vector<1x168xf32> to vector<1x6xf32>
    %add3A_586 = arith.addf %add3A_582, %slice3A_585 : vector<1x6xf32>
    %slice3A_587 = vector.extract_strided_slice %broadcast_in_dim3A_558 {offsets = [0, 126], sizes = [1, 6], strides = [1, 1]} : vector<1x168xf32> to vector<1x6xf32>
    %add3A_588 = arith.addf %add3A_584, %slice3A_587 : vector<1x6xf32>
    %slice3A_589 = vector.extract_strided_slice %broadcast_in_dim3A_558 {offsets = [0, 48], sizes = [1, 6], strides = [1, 1]} : vector<1x168xf32> to vector<1x6xf32>
    %add3A_590 = arith.addf %add3A_586, %slice3A_589 : vector<1x6xf32>
    %slice3A_591 = vector.extract_strided_slice %broadcast_in_dim3A_558 {offsets = [0, 132], sizes = [1, 6], strides = [1, 1]} : vector<1x168xf32> to vector<1x6xf32>
    %add3A_592 = arith.addf %add3A_588, %slice3A_591 : vector<1x6xf32>
    %slice3A_593 = vector.extract_strided_slice %broadcast_in_dim3A_558 {offsets = [0, 54], sizes = [1, 6], strides = [1, 1]} : vector<1x168xf32> to vector<1x6xf32>
    %add3A_594 = arith.addf %add3A_590, %slice3A_593 : vector<1x6xf32>
    %slice3A_595 = vector.extract_strided_slice %broadcast_in_dim3A_558 {offsets = [0, 138], sizes = [1, 6], strides = [1, 1]} : vector<1x168xf32> to vector<1x6xf32>
    %add3A_596 = arith.addf %add3A_592, %slice3A_595 : vector<1x6xf32>
    %slice3A_597 = vector.extract_strided_slice %broadcast_in_dim3A_558 {offsets = [0, 60], sizes = [1, 6], strides = [1, 1]} : vector<1x168xf32> to vector<1x6xf32>
    %add3A_598 = arith.addf %add3A_594, %slice3A_597 : vector<1x6xf32>
    %slice3A_599 = vector.extract_strided_slice %broadcast_in_dim3A_558 {offsets = [0, 144], sizes = [1, 6], strides = [1, 1]} : vector<1x168xf32> to vector<1x6xf32>
    %add3A_600 = arith.addf %add3A_596, %slice3A_599 : vector<1x6xf32>
    %slice3A_601 = vector.extract_strided_slice %broadcast_in_dim3A_558 {offsets = [0, 66], sizes = [1, 6], strides = [1, 1]} : vector<1x168xf32> to vector<1x6xf32>
    %add3A_602 = arith.addf %add3A_598, %slice3A_601 : vector<1x6xf32>
    %slice3A_603 = vector.extract_strided_slice %broadcast_in_dim3A_558 {offsets = [0, 150], sizes = [1, 6], strides = [1, 1]} : vector<1x168xf32> to vector<1x6xf32>
    %add3A_604 = arith.addf %add3A_600, %slice3A_603 : vector<1x6xf32>
    %slice3A_605 = vector.extract_strided_slice %broadcast_in_dim3A_558 {offsets = [0, 72], sizes = [1, 6], strides = [1, 1]} : vector<1x168xf32> to vector<1x6xf32>
    %add3A_606 = arith.addf %add3A_602, %slice3A_605 : vector<1x6xf32>
    %slice3A_607 = vector.extract_strided_slice %broadcast_in_dim3A_558 {offsets = [0, 156], sizes = [1, 6], strides = [1, 1]} : vector<1x168xf32> to vector<1x6xf32>
    %add3A_608 = arith.addf %add3A_604, %slice3A_607 : vector<1x6xf32>
    %slice3A_609 = vector.extract_strided_slice %broadcast_in_dim3A_558 {offsets = [0, 78], sizes = [1, 6], strides = [1, 1]} : vector<1x168xf32> to vector<1x6xf32>
    %add3A_610 = arith.addf %add3A_606, %slice3A_609 : vector<1x6xf32>
    %slice3A_611 = vector.extract_strided_slice %broadcast_in_dim3A_558 {offsets = [0, 162], sizes = [1, 6], strides = [1, 1]} : vector<1x168xf32> to vector<1x6xf32>
    %add3A_612 = arith.addf %add3A_608, %slice3A_611 : vector<1x6xf32>
    %convert_element_type3A_613 = arith.extf %mul3A_550 : vector<14x736xbf16> to vector<14x736xf32>
    %reduce_sum3A_614 = vector.shape_cast %convert_element_type3A_613 : vector<14x736xf32> to vector<1x14x736xf32>
    %reduce_sum3A_615 = arith.constant dense<0.000000e+00> : vector<1xf32>
    %reduce_sum3A_616 = vector.multi_reduction <add>, %reduce_sum3A_614, %reduce_sum3A_615 [1, 2] : vector<1x14x736xf32> to vector<1xf32>
    %reduce_sum3A_617 = vector.shape_cast %reduce_sum3A_616 : vector<1xf32> to vector<1x1x1xf32>
    %reduce_sum3A_618 = vector.extract %reduce_sum3A_617[0, 0, 0] : f32 from vector<1x1x1xf32>
    %broadcast_in_dim3A_619 = vector.broadcast %reduce_sum3A_618 : f32 to vector<1x1xf32>
    %convert_element_type3A_620 = arith.extf %mul3A_551 : vector<14x736xbf16> to vector<14x736xf32>
    %reduce_sum3A_621 = vector.shape_cast %convert_element_type3A_620 : vector<14x736xf32> to vector<1x14x736xf32>
    %reduce_sum3A_622 = arith.constant dense<0.000000e+00> : vector<1xf32>
    %reduce_sum3A_623 = vector.multi_reduction <add>, %reduce_sum3A_621, %reduce_sum3A_622 [1, 2] : vector<1x14x736xf32> to vector<1xf32>
    %reduce_sum3A_624 = vector.shape_cast %reduce_sum3A_623 : vector<1xf32> to vector<1x1x1xf32>
    %reduce_sum3A_625 = vector.extract %reduce_sum3A_624[0, 0, 0] : f32 from vector<1x1x1xf32>
    %broadcast_in_dim3A_626 = vector.broadcast %reduce_sum3A_625 : f32 to vector<1x1xf32>
    %concatenate3A_627 = tpu.concatenate %add3A_610, %add3A_612, %broadcast_in_dim3A_619, %broadcast_in_dim3A_626 in 1 : vector<1x6xf32>, vector<1x6xf32>, vector<1x1xf32>, vector<1x1xf32> -> vector<1x14xf32>
    %dot_general3A_628 = arith.constant dense<0.000000e+00> : vector<1x3xf32>
    %dot_general3A_629 = tpu.matmul %concatenate3A_627, %get3A_34, %dot_general3A_628 {dimension_numbers = #tpu.dot_dimension_numbers<[1], [0], [0], [1], [0, 0, 1, 1], [], []>, transpose_lhs_hint = false} : vector<1x14xf32>, vector<14x3xf32>, vector<1x3xf32> -> vector<1x3xf32>
    %squeeze3A_630 = vector.shape_cast %dot_general3A_629 : vector<1x3xf32> to vector<3xf32>
    %swap3A_631 = arith.constant 0 : index
    %swap3A_632 = arith.constant 4 : index
    %swap3A_633 = arith.constant 0 : index
    %swap3A_634 = vector.load %arg14[%swap3A_631, %swap3A_632, %swap3A_633] : memref<1x16x3xf32, #tpu.memory_space<vmem>>, vector<1x1x3xf32>
    %swap3A_635 = vector.shape_cast %swap3A_634 : vector<1x1x3xf32> to vector<3xf32>
    %swap3A_636 = vector.shape_cast %squeeze3A_630 : vector<3xf32> to vector<1x1x3xf32>
    tpu.vector_store %arg14[%swap3A_631, %swap3A_632, %swap3A_633], %swap3A_636 {strides = array<i32>} : memref<1x16x3xf32, #tpu.memory_space<vmem>>, vector<1x1x3xf32>,
    %get3A_637 = arith.constant 5 : index
    %get3A_638 = arith.constant 0 : index
    %get3A_639 = arith.constant 0 : index
    %get3A_640 = vector.load %arg1[%get3A_637, %get3A_638, %get3A_639] : memref<16x14x736xbf16, #tpu.memory_space<vmem>>, vector<1x14x736xbf16>
    %get3A_641 = vector.shape_cast %get3A_640 : vector<1x14x736xbf16> to vector<14x736xbf16>
    %mul3A_642 = arith.mulf %get3A_641, %convert_element_type3A_8 : vector<14x736xbf16>
    %mul3A_643 = arith.mulf %get3A_641, %convert_element_type3A_13 : vector<14x736xbf16>
    %concatenate3A_644 = tpu.concatenate %mul3A_642, %mul3A_643 in 0 : vector<14x736xbf16>, vector<14x736xbf16> -> vector<28x736xbf16>
    %dot_general3A_645 = arith.constant dense<0.000000e+00> : vector<28x168xf32>
    %dot_general3A_646 = tpu.matmul %concatenate3A_644, %convert_element_type3A_536, %dot_general3A_645 {dimension_numbers = #tpu.dot_dimension_numbers<[1], [0], [0], [1], [0, 0, 1, 1], [], []>, transpose_lhs_hint = false} : vector<28x736xbf16>, vector<736x168xbf16>, vector<28x168xf32> -> vector<28x168xf32>
    %mul3A_647 = arith.mulf %dot_general3A_646, %get3A_31 : vector<28x168xf32>
    %reduce_sum3A_648 = arith.constant dense<0.000000e+00> : vector<168xf32>
    %reduce_sum3A_649 = vector.multi_reduction <add>, %mul3A_647, %reduce_sum3A_648 [0] : vector<28x168xf32> to vector<168xf32>
    %broadcast_in_dim3A_650 = vector.shape_cast %reduce_sum3A_649 : vector<168xf32> to vector<1x168xf32>
    %slice3A_651 = vector.extract_strided_slice %broadcast_in_dim3A_650 {offsets = [0, 0], sizes = [1, 6], strides = [1, 1]} : vector<1x168xf32> to vector<1x6xf32>
    %slice3A_652 = vector.extract_strided_slice %broadcast_in_dim3A_650 {offsets = [0, 84], sizes = [1, 6], strides = [1, 1]} : vector<1x168xf32> to vector<1x6xf32>
    %slice3A_653 = vector.extract_strided_slice %broadcast_in_dim3A_650 {offsets = [0, 6], sizes = [1, 6], strides = [1, 1]} : vector<1x168xf32> to vector<1x6xf32>
    %add3A_654 = arith.addf %slice3A_651, %slice3A_653 : vector<1x6xf32>
    %slice3A_655 = vector.extract_strided_slice %broadcast_in_dim3A_650 {offsets = [0, 90], sizes = [1, 6], strides = [1, 1]} : vector<1x168xf32> to vector<1x6xf32>
    %add3A_656 = arith.addf %slice3A_652, %slice3A_655 : vector<1x6xf32>
    %slice3A_657 = vector.extract_strided_slice %broadcast_in_dim3A_650 {offsets = [0, 12], sizes = [1, 6], strides = [1, 1]} : vector<1x168xf32> to vector<1x6xf32>
    %add3A_658 = arith.addf %add3A_654, %slice3A_657 : vector<1x6xf32>
    %slice3A_659 = vector.extract_strided_slice %broadcast_in_dim3A_650 {offsets = [0, 96], sizes = [1, 6], strides = [1, 1]} : vector<1x168xf32> to vector<1x6xf32>
    %add3A_660 = arith.addf %add3A_656, %slice3A_659 : vector<1x6xf32>
    %slice3A_661 = vector.extract_strided_slice %broadcast_in_dim3A_650 {offsets = [0, 18], sizes = [1, 6], strides = [1, 1]} : vector<1x168xf32> to vector<1x6xf32>
    %add3A_662 = arith.addf %add3A_658, %slice3A_661 : vector<1x6xf32>
    %slice3A_663 = vector.extract_strided_slice %broadcast_in_dim3A_650 {offsets = [0, 102], sizes = [1, 6], strides = [1, 1]} : vector<1x168xf32> to vector<1x6xf32>
    %add3A_664 = arith.addf %add3A_660, %slice3A_663 : vector<1x6xf32>
    %slice3A_665 = vector.extract_strided_slice %broadcast_in_dim3A_650 {offsets = [0, 24], sizes = [1, 6], strides = [1, 1]} : vector<1x168xf32> to vector<1x6xf32>
    %add3A_666 = arith.addf %add3A_662, %slice3A_665 : vector<1x6xf32>
    %slice3A_667 = vector.extract_strided_slice %broadcast_in_dim3A_650 {offsets = [0, 108], sizes = [1, 6], strides = [1, 1]} : vector<1x168xf32> to vector<1x6xf32>
    %add3A_668 = arith.addf %add3A_664, %slice3A_667 : vector<1x6xf32>
    %slice3A_669 = vector.extract_strided_slice %broadcast_in_dim3A_650 {offsets = [0, 30], sizes = [1, 6], strides = [1, 1]} : vector<1x168xf32> to vector<1x6xf32>
    %add3A_670 = arith.addf %add3A_666, %slice3A_669 : vector<1x6xf32>
    %slice3A_671 = vector.extract_strided_slice %broadcast_in_dim3A_650 {offsets = [0, 114], sizes = [1, 6], strides = [1, 1]} : vector<1x168xf32> to vector<1x6xf32>
    %add3A_672 = arith.addf %add3A_668, %slice3A_671 : vector<1x6xf32>
    %slice3A_673 = vector.extract_strided_slice %broadcast_in_dim3A_650 {offsets = [0, 36], sizes = [1, 6], strides = [1, 1]} : vector<1x168xf32> to vector<1x6xf32>
    %add3A_674 = arith.addf %add3A_670, %slice3A_673 : vector<1x6xf32>
    %slice3A_675 = vector.extract_strided_slice %broadcast_in_dim3A_650 {offsets = [0, 120], sizes = [1, 6], strides = [1, 1]} : vector<1x168xf32> to vector<1x6xf32>
    %add3A_676 = arith.addf %add3A_672, %slice3A_675 : vector<1x6xf32>
    %slice3A_677 = vector.extract_strided_slice %broadcast_in_dim3A_650 {offsets = [0, 42], sizes = [1, 6], strides = [1, 1]} : vector<1x168xf32> to vector<1x6xf32>
    %add3A_678 = arith.addf %add3A_674, %slice3A_677 : vector<1x6xf32>
    %slice3A_679 = vector.extract_strided_slice %broadcast_in_dim3A_650 {offsets = [0, 126], sizes = [1, 6], strides = [1, 1]} : vector<1x168xf32> to vector<1x6xf32>
    %add3A_680 = arith.addf %add3A_676, %slice3A_679 : vector<1x6xf32>
    %slice3A_681 = vector.extract_strided_slice %broadcast_in_dim3A_650 {offsets = [0, 48], sizes = [1, 6], strides = [1, 1]} : vector<1x168xf32> to vector<1x6xf32>
    %add3A_682 = arith.addf %add3A_678, %slice3A_681 : vector<1x6xf32>
    %slice3A_683 = vector.extract_strided_slice %broadcast_in_dim3A_650 {offsets = [0, 132], sizes = [1, 6], strides = [1, 1]} : vector<1x168xf32> to vector<1x6xf32>
    %add3A_684 = arith.addf %add3A_680, %slice3A_683 : vector<1x6xf32>
    %slice3A_685 = vector.extract_strided_slice %broadcast_in_dim3A_650 {offsets = [0, 54], sizes = [1, 6], strides = [1, 1]} : vector<1x168xf32> to vector<1x6xf32>
    %add3A_686 = arith.addf %add3A_682, %slice3A_685 : vector<1x6xf32>
    %slice3A_687 = vector.extract_strided_slice %broadcast_in_dim3A_650 {offsets = [0, 138], sizes = [1, 6], strides = [1, 1]} : vector<1x168xf32> to vector<1x6xf32>
    %add3A_688 = arith.addf %add3A_684, %slice3A_687 : vector<1x6xf32>
    %slice3A_689 = vector.extract_strided_slice %broadcast_in_dim3A_650 {offsets = [0, 60], sizes = [1, 6], strides = [1, 1]} : vector<1x168xf32> to vector<1x6xf32>
    %add3A_690 = arith.addf %add3A_686, %slice3A_689 : vector<1x6xf32>
    %slice3A_691 = vector.extract_strided_slice %broadcast_in_dim3A_650 {offsets = [0, 144], sizes = [1, 6], strides = [1, 1]} : vector<1x168xf32> to vector<1x6xf32>
    %add3A_692 = arith.addf %add3A_688, %slice3A_691 : vector<1x6xf32>
    %slice3A_693 = vector.extract_strided_slice %broadcast_in_dim3A_650 {offsets = [0, 66], sizes = [1, 6], strides = [1, 1]} : vector<1x168xf32> to vector<1x6xf32>
    %add3A_694 = arith.addf %add3A_690, %slice3A_693 : vector<1x6xf32>
    %slice3A_695 = vector.extract_strided_slice %broadcast_in_dim3A_650 {offsets = [0, 150], sizes = [1, 6], strides = [1, 1]} : vector<1x168xf32> to vector<1x6xf32>
    %add3A_696 = arith.addf %add3A_692, %slice3A_695 : vector<1x6xf32>
    %slice3A_697 = vector.extract_strided_slice %broadcast_in_dim3A_650 {offsets = [0, 72], sizes = [1, 6], strides = [1, 1]} : vector<1x168xf32> to vector<1x6xf32>
    %add3A_698 = arith.addf %add3A_694, %slice3A_697 : vector<1x6xf32>
    %slice3A_699 = vector.extract_strided_slice %broadcast_in_dim3A_650 {offsets = [0, 156], sizes = [1, 6], strides = [1, 1]} : vector<1x168xf32> to vector<1x6xf32>
    %add3A_700 = arith.addf %add3A_696, %slice3A_699 : vector<1x6xf32>
    %slice3A_701 = vector.extract_strided_slice %broadcast_in_dim3A_650 {offsets = [0, 78], sizes = [1, 6], strides = [1, 1]} : vector<1x168xf32> to vector<1x6xf32>
    %add3A_702 = arith.addf %add3A_698, %slice3A_701 : vector<1x6xf32>
    %slice3A_703 = vector.extract_strided_slice %broadcast_in_dim3A_650 {offsets = [0, 162], sizes = [1, 6], strides = [1, 1]} : vector<1x168xf32> to vector<1x6xf32>
    %add3A_704 = arith.addf %add3A_700, %slice3A_703 : vector<1x6xf32>
    %convert_element_type3A_705 = arith.extf %mul3A_642 : vector<14x736xbf16> to vector<14x736xf32>
    %reduce_sum3A_706 = vector.shape_cast %convert_element_type3A_705 : vector<14x736xf32> to vector<1x14x736xf32>
    %reduce_sum3A_707 = arith.constant dense<0.000000e+00> : vector<1xf32>
    %reduce_sum3A_708 = vector.multi_reduction <add>, %reduce_sum3A_706, %reduce_sum3A_707 [1, 2] : vector<1x14x736xf32> to vector<1xf32>
    %reduce_sum3A_709 = vector.shape_cast %reduce_sum3A_708 : vector<1xf32> to vector<1x1x1xf32>
    %reduce_sum3A_710 = vector.extract %reduce_sum3A_709[0, 0, 0] : f32 from vector<1x1x1xf32>
    %broadcast_in_dim3A_711 = vector.broadcast %reduce_sum3A_710 : f32 to vector<1x1xf32>
    %convert_element_type3A_712 = arith.extf %mul3A_643 : vector<14x736xbf16> to vector<14x736xf32>
    %reduce_sum3A_713 = vector.shape_cast %convert_element_type3A_712 : vector<14x736xf32> to vector<1x14x736xf32>
    %reduce_sum3A_714 = arith.constant dense<0.000000e+00> : vector<1xf32>
    %reduce_sum3A_715 = vector.multi_reduction <add>, %reduce_sum3A_713, %reduce_sum3A_714 [1, 2] : vector<1x14x736xf32> to vector<1xf32>
    %reduce_sum3A_716 = vector.shape_cast %reduce_sum3A_715 : vector<1xf32> to vector<1x1x1xf32>
    %reduce_sum3A_717 = vector.extract %reduce_sum3A_716[0, 0, 0] : f32 from vector<1x1x1xf32>
    %broadcast_in_dim3A_718 = vector.broadcast %reduce_sum3A_717 : f32 to vector<1x1xf32>
    %concatenate3A_719 = tpu.concatenate %add3A_702, %add3A_704, %broadcast_in_dim3A_711, %broadcast_in_dim3A_718 in 1 : vector<1x6xf32>, vector<1x6xf32>, vector<1x1xf32>, vector<1x1xf32> -> vector<1x14xf32>
    %dot_general3A_720 = arith.constant dense<0.000000e+00> : vector<1x3xf32>
    %dot_general3A_721 = tpu.matmul %concatenate3A_719, %get3A_34, %dot_general3A_720 {dimension_numbers = #tpu.dot_dimension_numbers<[1], [0], [0], [1], [0, 0, 1, 1], [], []>, transpose_lhs_hint = false} : vector<1x14xf32>, vector<14x3xf32>, vector<1x3xf32> -> vector<1x3xf32>
    %squeeze3A_722 = vector.shape_cast %dot_general3A_721 : vector<1x3xf32> to vector<3xf32>
    %swap3A_723 = arith.constant 0 : index
    %swap3A_724 = arith.constant 5 : index
    %swap3A_725 = arith.constant 0 : index
    %swap3A_726 = vector.load %arg14[%swap3A_723, %swap3A_724, %swap3A_725] : memref<1x16x3xf32, #tpu.memory_space<vmem>>, vector<1x1x3xf32>
    %swap3A_727 = vector.shape_cast %swap3A_726 : vector<1x1x3xf32> to vector<3xf32>
    %swap3A_728 = vector.shape_cast %squeeze3A_722 : vector<3xf32> to vector<1x1x3xf32>
    tpu.vector_store %arg14[%swap3A_723, %swap3A_724, %swap3A_725], %swap3A_728 {strides = array<i32>} : memref<1x16x3xf32, #tpu.memory_space<vmem>>, vector<1x1x3xf32>,
    %get3A_729 = arith.constant 6 : index
    %get3A_730 = arith.constant 0 : index
    %get3A_731 = arith.constant 0 : index
    %get3A_732 = vector.load %arg1[%get3A_729, %get3A_730, %get3A_731] : memref<16x14x736xbf16, #tpu.memory_space<vmem>>, vector<1x14x736xbf16>
    %get3A_733 = vector.shape_cast %get3A_732 : vector<1x14x736xbf16> to vector<14x736xbf16>
    %mul3A_734 = arith.mulf %get3A_733, %convert_element_type3A_8 : vector<14x736xbf16>
    %mul3A_735 = arith.mulf %get3A_733, %convert_element_type3A_13 : vector<14x736xbf16>
    %concatenate3A_736 = tpu.concatenate %mul3A_734, %mul3A_735 in 0 : vector<14x736xbf16>, vector<14x736xbf16> -> vector<28x736xbf16>
    %dot_general3A_737 = arith.constant dense<0.000000e+00> : vector<28x168xf32>
    %dot_general3A_738 = tpu.matmul %concatenate3A_736, %convert_element_type3A_540, %dot_general3A_737 {dimension_numbers = #tpu.dot_dimension_numbers<[1], [0], [0], [1], [0, 0, 1, 1], [], []>, transpose_lhs_hint = false} : vector<28x736xbf16>, vector<736x168xbf16>, vector<28x168xf32> -> vector<28x168xf32>
    %mul3A_739 = arith.mulf %dot_general3A_738, %get3A_31 : vector<28x168xf32>
    %reduce_sum3A_740 = arith.constant dense<0.000000e+00> : vector<168xf32>
    %reduce_sum3A_741 = vector.multi_reduction <add>, %mul3A_739, %reduce_sum3A_740 [0] : vector<28x168xf32> to vector<168xf32>
    %broadcast_in_dim3A_742 = vector.shape_cast %reduce_sum3A_741 : vector<168xf32> to vector<1x168xf32>
    %slice3A_743 = vector.extract_strided_slice %broadcast_in_dim3A_742 {offsets = [0, 0], sizes = [1, 6], strides = [1, 1]} : vector<1x168xf32> to vector<1x6xf32>
    %slice3A_744 = vector.extract_strided_slice %broadcast_in_dim3A_742 {offsets = [0, 84], sizes = [1, 6], strides = [1, 1]} : vector<1x168xf32> to vector<1x6xf32>
    %slice3A_745 = vector.extract_strided_slice %broadcast_in_dim3A_742 {offsets = [0, 6], sizes = [1, 6], strides = [1, 1]} : vector<1x168xf32> to vector<1x6xf32>
    %add3A_746 = arith.addf %slice3A_743, %slice3A_745 : vector<1x6xf32>
    %slice3A_747 = vector.extract_strided_slice %broadcast_in_dim3A_742 {offsets = [0, 90], sizes = [1, 6], strides = [1, 1]} : vector<1x168xf32> to vector<1x6xf32>
    %add3A_748 = arith.addf %slice3A_744, %slice3A_747 : vector<1x6xf32>
    %slice3A_749 = vector.extract_strided_slice %broadcast_in_dim3A_742 {offsets = [0, 12], sizes = [1, 6], strides = [1, 1]} : vector<1x168xf32> to vector<1x6xf32>
    %add3A_750 = arith.addf %add3A_746, %slice3A_749 : vector<1x6xf32>
    %slice3A_751 = vector.extract_strided_slice %broadcast_in_dim3A_742 {offsets = [0, 96], sizes = [1, 6], strides = [1, 1]} : vector<1x168xf32> to vector<1x6xf32>
    %add3A_752 = arith.addf %add3A_748, %slice3A_751 : vector<1x6xf32>
    %slice3A_753 = vector.extract_strided_slice %broadcast_in_dim3A_742 {offsets = [0, 18], sizes = [1, 6], strides = [1, 1]} : vector<1x168xf32> to vector<1x6xf32>
    %add3A_754 = arith.addf %add3A_750, %slice3A_753 : vector<1x6xf32>
    %slice3A_755 = vector.extract_strided_slice %broadcast_in_dim3A_742 {offsets = [0, 102], sizes = [1, 6], strides = [1, 1]} : vector<1x168xf32> to vector<1x6xf32>
    %add3A_756 = arith.addf %add3A_752, %slice3A_755 : vector<1x6xf32>
    %slice3A_757 = vector.extract_strided_slice %broadcast_in_dim3A_742 {offsets = [0, 24], sizes = [1, 6], strides = [1, 1]} : vector<1x168xf32> to vector<1x6xf32>
    %add3A_758 = arith.addf %add3A_754, %slice3A_757 : vector<1x6xf32>
    %slice3A_759 = vector.extract_strided_slice %broadcast_in_dim3A_742 {offsets = [0, 108], sizes = [1, 6], strides = [1, 1]} : vector<1x168xf32> to vector<1x6xf32>
    %add3A_760 = arith.addf %add3A_756, %slice3A_759 : vector<1x6xf32>
    %slice3A_761 = vector.extract_strided_slice %broadcast_in_dim3A_742 {offsets = [0, 30], sizes = [1, 6], strides = [1, 1]} : vector<1x168xf32> to vector<1x6xf32>
    %add3A_762 = arith.addf %add3A_758, %slice3A_761 : vector<1x6xf32>
    %slice3A_763 = vector.extract_strided_slice %broadcast_in_dim3A_742 {offsets = [0, 114], sizes = [1, 6], strides = [1, 1]} : vector<1x168xf32> to vector<1x6xf32>
    %add3A_764 = arith.addf %add3A_760, %slice3A_763 : vector<1x6xf32>
    %slice3A_765 = vector.extract_strided_slice %broadcast_in_dim3A_742 {offsets = [0, 36], sizes = [1, 6], strides = [1, 1]} : vector<1x168xf32> to vector<1x6xf32>
    %add3A_766 = arith.addf %add3A_762, %slice3A_765 : vector<1x6xf32>
    %slice3A_767 = vector.extract_strided_slice %broadcast_in_dim3A_742 {offsets = [0, 120], sizes = [1, 6], strides = [1, 1]} : vector<1x168xf32> to vector<1x6xf32>
    %add3A_768 = arith.addf %add3A_764, %slice3A_767 : vector<1x6xf32>
    %slice3A_769 = vector.extract_strided_slice %broadcast_in_dim3A_742 {offsets = [0, 42], sizes = [1, 6], strides = [1, 1]} : vector<1x168xf32> to vector<1x6xf32>
    %add3A_770 = arith.addf %add3A_766, %slice3A_769 : vector<1x6xf32>
    %slice3A_771 = vector.extract_strided_slice %broadcast_in_dim3A_742 {offsets = [0, 126], sizes = [1, 6], strides = [1, 1]} : vector<1x168xf32> to vector<1x6xf32>
    %add3A_772 = arith.addf %add3A_768, %slice3A_771 : vector<1x6xf32>
    %slice3A_773 = vector.extract_strided_slice %broadcast_in_dim3A_742 {offsets = [0, 48], sizes = [1, 6], strides = [1, 1]} : vector<1x168xf32> to vector<1x6xf32>
    %add3A_774 = arith.addf %add3A_770, %slice3A_773 : vector<1x6xf32>
    %slice3A_775 = vector.extract_strided_slice %broadcast_in_dim3A_742 {offsets = [0, 132], sizes = [1, 6], strides = [1, 1]} : vector<1x168xf32> to vector<1x6xf32>
    %add3A_776 = arith.addf %add3A_772, %slice3A_775 : vector<1x6xf32>
    %slice3A_777 = vector.extract_strided_slice %broadcast_in_dim3A_742 {offsets = [0, 54], sizes = [1, 6], strides = [1, 1]} : vector<1x168xf32> to vector<1x6xf32>
    %add3A_778 = arith.addf %add3A_774, %slice3A_777 : vector<1x6xf32>
    %slice3A_779 = vector.extract_strided_slice %broadcast_in_dim3A_742 {offsets = [0, 138], sizes = [1, 6], strides = [1, 1]} : vector<1x168xf32> to vector<1x6xf32>
    %add3A_780 = arith.addf %add3A_776, %slice3A_779 : vector<1x6xf32>
    %slice3A_781 = vector.extract_strided_slice %broadcast_in_dim3A_742 {offsets = [0, 60], sizes = [1, 6], strides = [1, 1]} : vector<1x168xf32> to vector<1x6xf32>
    %add3A_782 = arith.addf %add3A_778, %slice3A_781 : vector<1x6xf32>
    %slice3A_783 = vector.extract_strided_slice %broadcast_in_dim3A_742 {offsets = [0, 144], sizes = [1, 6], strides = [1, 1]} : vector<1x168xf32> to vector<1x6xf32>
    %add3A_784 = arith.addf %add3A_780, %slice3A_783 : vector<1x6xf32>
    %slice3A_785 = vector.extract_strided_slice %broadcast_in_dim3A_742 {offsets = [0, 66], sizes = [1, 6], strides = [1, 1]} : vector<1x168xf32> to vector<1x6xf32>
    %add3A_786 = arith.addf %add3A_782, %slice3A_785 : vector<1x6xf32>
    %slice3A_787 = vector.extract_strided_slice %broadcast_in_dim3A_742 {offsets = [0, 150], sizes = [1, 6], strides = [1, 1]} : vector<1x168xf32> to vector<1x6xf32>
    %add3A_788 = arith.addf %add3A_784, %slice3A_787 : vector<1x6xf32>
    %slice3A_789 = vector.extract_strided_slice %broadcast_in_dim3A_742 {offsets = [0, 72], sizes = [1, 6], strides = [1, 1]} : vector<1x168xf32> to vector<1x6xf32>
    %add3A_790 = arith.addf %add3A_786, %slice3A_789 : vector<1x6xf32>
    %slice3A_791 = vector.extract_strided_slice %broadcast_in_dim3A_742 {offsets = [0, 156], sizes = [1, 6], strides = [1, 1]} : vector<1x168xf32> to vector<1x6xf32>
    %add3A_792 = arith.addf %add3A_788, %slice3A_791 : vector<1x6xf32>
    %slice3A_793 = vector.extract_strided_slice %broadcast_in_dim3A_742 {offsets = [0, 78], sizes = [1, 6], strides = [1, 1]} : vector<1x168xf32> to vector<1x6xf32>
    %add3A_794 = arith.addf %add3A_790, %slice3A_793 : vector<1x6xf32>
    %slice3A_795 = vector.extract_strided_slice %broadcast_in_dim3A_742 {offsets = [0, 162], sizes = [1, 6], strides = [1, 1]} : vector<1x168xf32> to vector<1x6xf32>
    %add3A_796 = arith.addf %add3A_792, %slice3A_795 : vector<1x6xf32>
    %convert_element_type3A_797 = arith.extf %mul3A_734 : vector<14x736xbf16> to vector<14x736xf32>
    %reduce_sum3A_798 = vector.shape_cast %convert_element_type3A_797 : vector<14x736xf32> to vector<1x14x736xf32>
    %reduce_sum3A_799 = arith.constant dense<0.000000e+00> : vector<1xf32>
    %reduce_sum3A_800 = vector.multi_reduction <add>, %reduce_sum3A_798, %reduce_sum3A_799 [1, 2] : vector<1x14x736xf32> to vector<1xf32>
    %reduce_sum3A_801 = vector.shape_cast %reduce_sum3A_800 : vector<1xf32> to vector<1x1x1xf32>
    %reduce_sum3A_802 = vector.extract %reduce_sum3A_801[0, 0, 0] : f32 from vector<1x1x1xf32>
    %broadcast_in_dim3A_803 = vector.broadcast %reduce_sum3A_802 : f32 to vector<1x1xf32>
    %convert_element_type3A_804 = arith.extf %mul3A_735 : vector<14x736xbf16> to vector<14x736xf32>
    %reduce_sum3A_805 = vector.shape_cast %convert_element_type3A_804 : vector<14x736xf32> to vector<1x14x736xf32>
    %reduce_sum3A_806 = arith.constant dense<0.000000e+00> : vector<1xf32>
    %reduce_sum3A_807 = vector.multi_reduction <add>, %reduce_sum3A_805, %reduce_sum3A_806 [1, 2] : vector<1x14x736xf32> to vector<1xf32>
    %reduce_sum3A_808 = vector.shape_cast %reduce_sum3A_807 : vector<1xf32> to vector<1x1x1xf32>
    %reduce_sum3A_809 = vector.extract %reduce_sum3A_808[0, 0, 0] : f32 from vector<1x1x1xf32>
    %broadcast_in_dim3A_810 = vector.broadcast %reduce_sum3A_809 : f32 to vector<1x1xf32>
    %concatenate3A_811 = tpu.concatenate %add3A_794, %add3A_796, %broadcast_in_dim3A_803, %broadcast_in_dim3A_810 in 1 : vector<1x6xf32>, vector<1x6xf32>, vector<1x1xf32>, vector<1x1xf32> -> vector<1x14xf32>
    %dot_general3A_812 = arith.constant dense<0.000000e+00> : vector<1x3xf32>
    %dot_general3A_813 = tpu.matmul %concatenate3A_811, %get3A_34, %dot_general3A_812 {dimension_numbers = #tpu.dot_dimension_numbers<[1], [0], [0], [1], [0, 0, 1, 1], [], []>, transpose_lhs_hint = false} : vector<1x14xf32>, vector<14x3xf32>, vector<1x3xf32> -> vector<1x3xf32>
    %squeeze3A_814 = vector.shape_cast %dot_general3A_813 : vector<1x3xf32> to vector<3xf32>
    %swap3A_815 = arith.constant 0 : index
    %swap3A_816 = arith.constant 6 : index
    %swap3A_817 = arith.constant 0 : index
    %swap3A_818 = vector.load %arg14[%swap3A_815, %swap3A_816, %swap3A_817] : memref<1x16x3xf32, #tpu.memory_space<vmem>>, vector<1x1x3xf32>
    %swap3A_819 = vector.shape_cast %swap3A_818 : vector<1x1x3xf32> to vector<3xf32>
    %swap3A_820 = vector.shape_cast %squeeze3A_814 : vector<3xf32> to vector<1x1x3xf32>
    tpu.vector_store %arg14[%swap3A_815, %swap3A_816, %swap3A_817], %swap3A_820 {strides = array<i32>} : memref<1x16x3xf32, #tpu.memory_space<vmem>>, vector<1x1x3xf32>,
    %get3A_821 = arith.constant 7 : index
    %get3A_822 = arith.constant 0 : index
    %get3A_823 = arith.constant 0 : index
    %get3A_824 = vector.load %arg1[%get3A_821, %get3A_822, %get3A_823] : memref<16x14x736xbf16, #tpu.memory_space<vmem>>, vector<1x14x736xbf16>
    %get3A_825 = vector.shape_cast %get3A_824 : vector<1x14x736xbf16> to vector<14x736xbf16>
    %mul3A_826 = arith.mulf %get3A_825, %convert_element_type3A_8 : vector<14x736xbf16>
    %mul3A_827 = arith.mulf %get3A_825, %convert_element_type3A_13 : vector<14x736xbf16>
    %concatenate3A_828 = tpu.concatenate %mul3A_826, %mul3A_827 in 0 : vector<14x736xbf16>, vector<14x736xbf16> -> vector<28x736xbf16>
    %dot_general3A_829 = arith.constant dense<0.000000e+00> : vector<28x168xf32>
    %dot_general3A_830 = tpu.matmul %concatenate3A_828, %convert_element_type3A_544, %dot_general3A_829 {dimension_numbers = #tpu.dot_dimension_numbers<[1], [0], [0], [1], [0, 0, 1, 1], [], []>, transpose_lhs_hint = false} : vector<28x736xbf16>, vector<736x168xbf16>, vector<28x168xf32> -> vector<28x168xf32>
    %mul3A_831 = arith.mulf %dot_general3A_830, %get3A_31 : vector<28x168xf32>
    %reduce_sum3A_832 = arith.constant dense<0.000000e+00> : vector<168xf32>
    %reduce_sum3A_833 = vector.multi_reduction <add>, %mul3A_831, %reduce_sum3A_832 [0] : vector<28x168xf32> to vector<168xf32>
    %broadcast_in_dim3A_834 = vector.shape_cast %reduce_sum3A_833 : vector<168xf32> to vector<1x168xf32>
    %slice3A_835 = vector.extract_strided_slice %broadcast_in_dim3A_834 {offsets = [0, 0], sizes = [1, 6], strides = [1, 1]} : vector<1x168xf32> to vector<1x6xf32>
    %slice3A_836 = vector.extract_strided_slice %broadcast_in_dim3A_834 {offsets = [0, 84], sizes = [1, 6], strides = [1, 1]} : vector<1x168xf32> to vector<1x6xf32>
    %slice3A_837 = vector.extract_strided_slice %broadcast_in_dim3A_834 {offsets = [0, 6], sizes = [1, 6], strides = [1, 1]} : vector<1x168xf32> to vector<1x6xf32>
    %add3A_838 = arith.addf %slice3A_835, %slice3A_837 : vector<1x6xf32>
    %slice3A_839 = vector.extract_strided_slice %broadcast_in_dim3A_834 {offsets = [0, 90], sizes = [1, 6], strides = [1, 1]} : vector<1x168xf32> to vector<1x6xf32>
    %add3A_840 = arith.addf %slice3A_836, %slice3A_839 : vector<1x6xf32>
    %slice3A_841 = vector.extract_strided_slice %broadcast_in_dim3A_834 {offsets = [0, 12], sizes = [1, 6], strides = [1, 1]} : vector<1x168xf32> to vector<1x6xf32>
    %add3A_842 = arith.addf %add3A_838, %slice3A_841 : vector<1x6xf32>
    %slice3A_843 = vector.extract_strided_slice %broadcast_in_dim3A_834 {offsets = [0, 96], sizes = [1, 6], strides = [1, 1]} : vector<1x168xf32> to vector<1x6xf32>
    %add3A_844 = arith.addf %add3A_840, %slice3A_843 : vector<1x6xf32>
    %slice3A_845 = vector.extract_strided_slice %broadcast_in_dim3A_834 {offsets = [0, 18], sizes = [1, 6], strides = [1, 1]} : vector<1x168xf32> to vector<1x6xf32>
    %add3A_846 = arith.addf %add3A_842, %slice3A_845 : vector<1x6xf32>
    %slice3A_847 = vector.extract_strided_slice %broadcast_in_dim3A_834 {offsets = [0, 102], sizes = [1, 6], strides = [1, 1]} : vector<1x168xf32> to vector<1x6xf32>
    %add3A_848 = arith.addf %add3A_844, %slice3A_847 : vector<1x6xf32>
    %slice3A_849 = vector.extract_strided_slice %broadcast_in_dim3A_834 {offsets = [0, 24], sizes = [1, 6], strides = [1, 1]} : vector<1x168xf32> to vector<1x6xf32>
    %add3A_850 = arith.addf %add3A_846, %slice3A_849 : vector<1x6xf32>
    %slice3A_851 = vector.extract_strided_slice %broadcast_in_dim3A_834 {offsets = [0, 108], sizes = [1, 6], strides = [1, 1]} : vector<1x168xf32> to vector<1x6xf32>
    %add3A_852 = arith.addf %add3A_848, %slice3A_851 : vector<1x6xf32>
    %slice3A_853 = vector.extract_strided_slice %broadcast_in_dim3A_834 {offsets = [0, 30], sizes = [1, 6], strides = [1, 1]} : vector<1x168xf32> to vector<1x6xf32>
    %add3A_854 = arith.addf %add3A_850, %slice3A_853 : vector<1x6xf32>
    %slice3A_855 = vector.extract_strided_slice %broadcast_in_dim3A_834 {offsets = [0, 114], sizes = [1, 6], strides = [1, 1]} : vector<1x168xf32> to vector<1x6xf32>
    %add3A_856 = arith.addf %add3A_852, %slice3A_855 : vector<1x6xf32>
    %slice3A_857 = vector.extract_strided_slice %broadcast_in_dim3A_834 {offsets = [0, 36], sizes = [1, 6], strides = [1, 1]} : vector<1x168xf32> to vector<1x6xf32>
    %add3A_858 = arith.addf %add3A_854, %slice3A_857 : vector<1x6xf32>
    %slice3A_859 = vector.extract_strided_slice %broadcast_in_dim3A_834 {offsets = [0, 120], sizes = [1, 6], strides = [1, 1]} : vector<1x168xf32> to vector<1x6xf32>
    %add3A_860 = arith.addf %add3A_856, %slice3A_859 : vector<1x6xf32>
    %slice3A_861 = vector.extract_strided_slice %broadcast_in_dim3A_834 {offsets = [0, 42], sizes = [1, 6], strides = [1, 1]} : vector<1x168xf32> to vector<1x6xf32>
    %add3A_862 = arith.addf %add3A_858, %slice3A_861 : vector<1x6xf32>
    %slice3A_863 = vector.extract_strided_slice %broadcast_in_dim3A_834 {offsets = [0, 126], sizes = [1, 6], strides = [1, 1]} : vector<1x168xf32> to vector<1x6xf32>
    %add3A_864 = arith.addf %add3A_860, %slice3A_863 : vector<1x6xf32>
    %slice3A_865 = vector.extract_strided_slice %broadcast_in_dim3A_834 {offsets = [0, 48], sizes = [1, 6], strides = [1, 1]} : vector<1x168xf32> to vector<1x6xf32>
    %add3A_866 = arith.addf %add3A_862, %slice3A_865 : vector<1x6xf32>
    %slice3A_867 = vector.extract_strided_slice %broadcast_in_dim3A_834 {offsets = [0, 132], sizes = [1, 6], strides = [1, 1]} : vector<1x168xf32> to vector<1x6xf32>
    %add3A_868 = arith.addf %add3A_864, %slice3A_867 : vector<1x6xf32>
    %slice3A_869 = vector.extract_strided_slice %broadcast_in_dim3A_834 {offsets = [0, 54], sizes = [1, 6], strides = [1, 1]} : vector<1x168xf32> to vector<1x6xf32>
    %add3A_870 = arith.addf %add3A_866, %slice3A_869 : vector<1x6xf32>
    %slice3A_871 = vector.extract_strided_slice %broadcast_in_dim3A_834 {offsets = [0, 138], sizes = [1, 6], strides = [1, 1]} : vector<1x168xf32> to vector<1x6xf32>
    %add3A_872 = arith.addf %add3A_868, %slice3A_871 : vector<1x6xf32>
    %slice3A_873 = vector.extract_strided_slice %broadcast_in_dim3A_834 {offsets = [0, 60], sizes = [1, 6], strides = [1, 1]} : vector<1x168xf32> to vector<1x6xf32>
    %add3A_874 = arith.addf %add3A_870, %slice3A_873 : vector<1x6xf32>
    %slice3A_875 = vector.extract_strided_slice %broadcast_in_dim3A_834 {offsets = [0, 144], sizes = [1, 6], strides = [1, 1]} : vector<1x168xf32> to vector<1x6xf32>
    %add3A_876 = arith.addf %add3A_872, %slice3A_875 : vector<1x6xf32>
    %slice3A_877 = vector.extract_strided_slice %broadcast_in_dim3A_834 {offsets = [0, 66], sizes = [1, 6], strides = [1, 1]} : vector<1x168xf32> to vector<1x6xf32>
    %add3A_878 = arith.addf %add3A_874, %slice3A_877 : vector<1x6xf32>
    %slice3A_879 = vector.extract_strided_slice %broadcast_in_dim3A_834 {offsets = [0, 150], sizes = [1, 6], strides = [1, 1]} : vector<1x168xf32> to vector<1x6xf32>
    %add3A_880 = arith.addf %add3A_876, %slice3A_879 : vector<1x6xf32>
    %slice3A_881 = vector.extract_strided_slice %broadcast_in_dim3A_834 {offsets = [0, 72], sizes = [1, 6], strides = [1, 1]} : vector<1x168xf32> to vector<1x6xf32>
    %add3A_882 = arith.addf %add3A_878, %slice3A_881 : vector<1x6xf32>
    %slice3A_883 = vector.extract_strided_slice %broadcast_in_dim3A_834 {offsets = [0, 156], sizes = [1, 6], strides = [1, 1]} : vector<1x168xf32> to vector<1x6xf32>
    %add3A_884 = arith.addf %add3A_880, %slice3A_883 : vector<1x6xf32>
    %slice3A_885 = vector.extract_strided_slice %broadcast_in_dim3A_834 {offsets = [0, 78], sizes = [1, 6], strides = [1, 1]} : vector<1x168xf32> to vector<1x6xf32>
    %add3A_886 = arith.addf %add3A_882, %slice3A_885 : vector<1x6xf32>
    %slice3A_887 = vector.extract_strided_slice %broadcast_in_dim3A_834 {offsets = [0, 162], sizes = [1, 6], strides = [1, 1]} : vector<1x168xf32> to vector<1x6xf32>
    %add3A_888 = arith.addf %add3A_884, %slice3A_887 : vector<1x6xf32>
    %convert_element_type3A_889 = arith.extf %mul3A_826 : vector<14x736xbf16> to vector<14x736xf32>
    %reduce_sum3A_890 = vector.shape_cast %convert_element_type3A_889 : vector<14x736xf32> to vector<1x14x736xf32>
    %reduce_sum3A_891 = arith.constant dense<0.000000e+00> : vector<1xf32>
    %reduce_sum3A_892 = vector.multi_reduction <add>, %reduce_sum3A_890, %reduce_sum3A_891 [1, 2] : vector<1x14x736xf32> to vector<1xf32>
    %reduce_sum3A_893 = vector.shape_cast %reduce_sum3A_892 : vector<1xf32> to vector<1x1x1xf32>
    %reduce_sum3A_894 = vector.extract %reduce_sum3A_893[0, 0, 0] : f32 from vector<1x1x1xf32>
    %broadcast_in_dim3A_895 = vector.broadcast %reduce_sum3A_894 : f32 to vector<1x1xf32>
    %convert_element_type3A_896 = arith.extf %mul3A_827 : vector<14x736xbf16> to vector<14x736xf32>
    %reduce_sum3A_897 = vector.shape_cast %convert_element_type3A_896 : vector<14x736xf32> to vector<1x14x736xf32>
    %reduce_sum3A_898 = arith.constant dense<0.000000e+00> : vector<1xf32>
    %reduce_sum3A_899 = vector.multi_reduction <add>, %reduce_sum3A_897, %reduce_sum3A_898 [1, 2] : vector<1x14x736xf32> to vector<1xf32>
    %reduce_sum3A_900 = vector.shape_cast %reduce_sum3A_899 : vector<1xf32> to vector<1x1x1xf32>
    %reduce_sum3A_901 = vector.extract %reduce_sum3A_900[0, 0, 0] : f32 from vector<1x1x1xf32>
    %broadcast_in_dim3A_902 = vector.broadcast %reduce_sum3A_901 : f32 to vector<1x1xf32>
    %concatenate3A_903 = tpu.concatenate %add3A_886, %add3A_888, %broadcast_in_dim3A_895, %broadcast_in_dim3A_902 in 1 : vector<1x6xf32>, vector<1x6xf32>, vector<1x1xf32>, vector<1x1xf32> -> vector<1x14xf32>
    %dot_general3A_904 = arith.constant dense<0.000000e+00> : vector<1x3xf32>
    %dot_general3A_905 = tpu.matmul %concatenate3A_903, %get3A_34, %dot_general3A_904 {dimension_numbers = #tpu.dot_dimension_numbers<[1], [0], [0], [1], [0, 0, 1, 1], [], []>, transpose_lhs_hint = false} : vector<1x14xf32>, vector<14x3xf32>, vector<1x3xf32> -> vector<1x3xf32>
    %squeeze3A_906 = vector.shape_cast %dot_general3A_905 : vector<1x3xf32> to vector<3xf32>
    %swap3A_907 = arith.constant 0 : index
    %swap3A_908 = arith.constant 7 : index
    %swap3A_909 = arith.constant 0 : index
    %swap3A_910 = vector.load %arg14[%swap3A_907, %swap3A_908, %swap3A_909] : memref<1x16x3xf32, #tpu.memory_space<vmem>>, vector<1x1x3xf32>
    %swap3A_911 = vector.shape_cast %swap3A_910 : vector<1x1x3xf32> to vector<3xf32>
    %swap3A_912 = vector.shape_cast %squeeze3A_906 : vector<3xf32> to vector<1x1x3xf32>
    tpu.vector_store %arg14[%swap3A_907, %swap3A_908, %swap3A_909], %swap3A_912 {strides = array<i32>} : memref<1x16x3xf32, #tpu.memory_space<vmem>>, vector<1x1x3xf32>,
    %slice3A_913 = vector.extract_strided_slice %concatenate3A {offsets = [8, 0], sizes = [1, 504], strides = [1, 1]} : vector<16x504xf32> to vector<1x504xf32>
    %add3A_914 = vector.broadcast %slice3A_913 : vector<1x504xf32> to vector<736x504xf32>
    %add3A_915 = arith.addf %get3A_16, %add3A_914 : vector<736x504xf32>
    %tanh3A_916 = math.tanh %add3A_915 : vector<736x504xf32>
    %convert_element_type3A_917 = arith.truncf %tanh3A_916 : vector<736x504xf32> to vector<736x504xbf16>
    %slice3A_918 = vector.extract_strided_slice %concatenate3A {offsets = [9, 0], sizes = [1, 504], strides = [1, 1]} : vector<16x504xf32> to vector<1x504xf32>
    %add3A_919 = vector.broadcast %slice3A_918 : vector<1x504xf32> to vector<736x504xf32>
    %add3A_920 = arith.addf %get3A_16, %add3A_919 : vector<736x504xf32>
    %tanh3A_921 = math.tanh %add3A_920 : vector<736x504xf32>
    %convert_element_type3A_922 = arith.truncf %tanh3A_921 : vector<736x504xf32> to vector<736x504xbf16>
    %slice3A_923 = vector.extract_strided_slice %concatenate3A {offsets = [10, 0], sizes = [1, 504], strides = [1, 1]} : vector<16x504xf32> to vector<1x504xf32>
    %add3A_924 = vector.broadcast %slice3A_923 : vector<1x504xf32> to vector<736x504xf32>
    %add3A_925 = arith.addf %get3A_16, %add3A_924 : vector<736x504xf32>
    %tanh3A_926 = math.tanh %add3A_925 : vector<736x504xf32>
    %convert_element_type3A_927 = arith.truncf %tanh3A_926 : vector<736x504xf32> to vector<736x504xbf16>
    %slice3A_928 = vector.extract_strided_slice %concatenate3A {offsets = [11, 0], sizes = [1, 504], strides = [1, 1]} : vector<16x504xf32> to vector<1x504xf32>
    %add3A_929 = vector.broadcast %slice3A_928 : vector<1x504xf32> to vector<736x504xf32>
    %add3A_930 = arith.addf %get3A_16, %add3A_929 : vector<736x504xf32>
    %tanh3A_931 = math.tanh %add3A_930 : vector<736x504xf32>
    %convert_element_type3A_932 = arith.truncf %tanh3A_931 : vector<736x504xf32> to vector<736x504xbf16>
    %dot_general3A_933 = arith.constant dense<0.000000e+00> : vector<736x252xf32>
    %dot_general3A_934 = tpu.matmul %convert_element_type3A_917, %get3A_19, %dot_general3A_933 {dimension_numbers = #tpu.dot_dimension_numbers<[1], [0], [0], [1], [0, 0, 1, 1], [], []>, transpose_lhs_hint = false} : vector<736x504xbf16>, vector<504x252xbf16>, vector<736x252xf32> -> vector<736x252xf32>
    %dot_general3A_935 = arith.constant dense<0.000000e+00> : vector<736x252xf32>
    %dot_general3A_936 = tpu.matmul %convert_element_type3A_922, %get3A_19, %dot_general3A_935 {dimension_numbers = #tpu.dot_dimension_numbers<[1], [0], [0], [1], [0, 0, 1, 1], [], []>, transpose_lhs_hint = false} : vector<736x504xbf16>, vector<504x252xbf16>, vector<736x252xf32> -> vector<736x252xf32>
    %dot_general3A_937 = arith.constant dense<0.000000e+00> : vector<736x252xf32>
    %dot_general3A_938 = tpu.matmul %convert_element_type3A_927, %get3A_19, %dot_general3A_937 {dimension_numbers = #tpu.dot_dimension_numbers<[1], [0], [0], [1], [0, 0, 1, 1], [], []>, transpose_lhs_hint = false} : vector<736x504xbf16>, vector<504x252xbf16>, vector<736x252xf32> -> vector<736x252xf32>
    %dot_general3A_939 = arith.constant dense<0.000000e+00> : vector<736x252xf32>
    %dot_general3A_940 = tpu.matmul %convert_element_type3A_932, %get3A_19, %dot_general3A_939 {dimension_numbers = #tpu.dot_dimension_numbers<[1], [0], [0], [1], [0, 0, 1, 1], [], []>, transpose_lhs_hint = false} : vector<736x504xbf16>, vector<504x252xbf16>, vector<736x252xf32> -> vector<736x252xf32>
    %add3A_941 = vector.broadcast %get3A_22 : vector<1x252xf32> to vector<736x252xf32>
    %add3A_942 = arith.addf %dot_general3A_934, %add3A_941 : vector<736x252xf32>
    %tanh3A_943 = math.tanh %add3A_942 : vector<736x252xf32>
    %convert_element_type3A_944 = arith.truncf %tanh3A_943 : vector<736x252xf32> to vector<736x252xbf16>
    %add3A_945 = vector.broadcast %get3A_22 : vector<1x252xf32> to vector<736x252xf32>
    %add3A_946 = arith.addf %dot_general3A_936, %add3A_945 : vector<736x252xf32>
    %tanh3A_947 = math.tanh %add3A_946 : vector<736x252xf32>
    %convert_element_type3A_948 = arith.truncf %tanh3A_947 : vector<736x252xf32> to vector<736x252xbf16>
    %add3A_949 = vector.broadcast %get3A_22 : vector<1x252xf32> to vector<736x252xf32>
    %add3A_950 = arith.addf %dot_general3A_938, %add3A_949 : vector<736x252xf32>
    %tanh3A_951 = math.tanh %add3A_950 : vector<736x252xf32>
    %convert_element_type3A_952 = arith.truncf %tanh3A_951 : vector<736x252xf32> to vector<736x252xbf16>
    %add3A_953 = vector.broadcast %get3A_22 : vector<1x252xf32> to vector<736x252xf32>
    %add3A_954 = arith.addf %dot_general3A_940, %add3A_953 : vector<736x252xf32>
    %tanh3A_955 = math.tanh %add3A_954 : vector<736x252xf32>
    %convert_element_type3A_956 = arith.truncf %tanh3A_955 : vector<736x252xf32> to vector<736x252xbf16>
    %dot_general3A_957 = arith.constant dense<0.000000e+00> : vector<736x168xf32>
    %dot_general3A_958 = tpu.matmul %convert_element_type3A_944, %get3A_25, %dot_general3A_957 {dimension_numbers = #tpu.dot_dimension_numbers<[1], [0], [0], [1], [0, 0, 1, 1], [], []>, transpose_lhs_hint = false} : vector<736x252xbf16>, vector<252x168xbf16>, vector<736x168xf32> -> vector<736x168xf32>
    %dot_general3A_959 = arith.constant dense<0.000000e+00> : vector<736x168xf32>
    %dot_general3A_960 = tpu.matmul %convert_element_type3A_948, %get3A_25, %dot_general3A_959 {dimension_numbers = #tpu.dot_dimension_numbers<[1], [0], [0], [1], [0, 0, 1, 1], [], []>, transpose_lhs_hint = false} : vector<736x252xbf16>, vector<252x168xbf16>, vector<736x168xf32> -> vector<736x168xf32>
    %dot_general3A_961 = arith.constant dense<0.000000e+00> : vector<736x168xf32>
    %dot_general3A_962 = tpu.matmul %convert_element_type3A_952, %get3A_25, %dot_general3A_961 {dimension_numbers = #tpu.dot_dimension_numbers<[1], [0], [0], [1], [0, 0, 1, 1], [], []>, transpose_lhs_hint = false} : vector<736x252xbf16>, vector<252x168xbf16>, vector<736x168xf32> -> vector<736x168xf32>
    %dot_general3A_963 = arith.constant dense<0.000000e+00> : vector<736x168xf32>
    %dot_general3A_964 = tpu.matmul %convert_element_type3A_956, %get3A_25, %dot_general3A_963 {dimension_numbers = #tpu.dot_dimension_numbers<[1], [0], [0], [1], [0, 0, 1, 1], [], []>, transpose_lhs_hint = false} : vector<736x252xbf16>, vector<252x168xbf16>, vector<736x168xf32> -> vector<736x168xf32>
    %add3A_965 = vector.broadcast %get3A_28 : vector<1x168xf32> to vector<736x168xf32>
    %add3A_966 = arith.addf %dot_general3A_958, %add3A_965 : vector<736x168xf32>
    %tanh3A_967 = math.tanh %add3A_966 : vector<736x168xf32>
    %convert_element_type3A_968 = arith.truncf %tanh3A_967 : vector<736x168xf32> to vector<736x168xbf16>
    %add3A_969 = vector.broadcast %get3A_28 : vector<1x168xf32> to vector<736x168xf32>
    %add3A_970 = arith.addf %dot_general3A_960, %add3A_969 : vector<736x168xf32>
    %tanh3A_971 = math.tanh %add3A_970 : vector<736x168xf32>
    %convert_element_type3A_972 = arith.truncf %tanh3A_971 : vector<736x168xf32> to vector<736x168xbf16>
    %add3A_973 = vector.broadcast %get3A_28 : vector<1x168xf32> to vector<736x168xf32>
    %add3A_974 = arith.addf %dot_general3A_962, %add3A_973 : vector<736x168xf32>
    %tanh3A_975 = math.tanh %add3A_974 : vector<736x168xf32>
    %convert_element_type3A_976 = arith.truncf %tanh3A_975 : vector<736x168xf32> to vector<736x168xbf16>
    %add3A_977 = vector.broadcast %get3A_28 : vector<1x168xf32> to vector<736x168xf32>
    %add3A_978 = arith.addf %dot_general3A_964, %add3A_977 : vector<736x168xf32>
    %tanh3A_979 = math.tanh %add3A_978 : vector<736x168xf32>
    %convert_element_type3A_980 = arith.truncf %tanh3A_979 : vector<736x168xf32> to vector<736x168xbf16>
    %get3A_981 = arith.constant 8 : index
    %get3A_982 = arith.constant 0 : index
    %get3A_983 = arith.constant 0 : index
    %get3A_984 = vector.load %arg1[%get3A_981, %get3A_982, %get3A_983] : memref<16x14x736xbf16, #tpu.memory_space<vmem>>, vector<1x14x736xbf16>
    %get3A_985 = vector.shape_cast %get3A_984 : vector<1x14x736xbf16> to vector<14x736xbf16>
    %mul3A_986 = arith.mulf %get3A_985, %convert_element_type3A_8 : vector<14x736xbf16>
    %mul3A_987 = arith.mulf %get3A_985, %convert_element_type3A_13 : vector<14x736xbf16>
    %concatenate3A_988 = tpu.concatenate %mul3A_986, %mul3A_987 in 0 : vector<14x736xbf16>, vector<14x736xbf16> -> vector<28x736xbf16>
    %dot_general3A_989 = arith.constant dense<0.000000e+00> : vector<28x168xf32>
    %dot_general3A_990 = tpu.matmul %concatenate3A_988, %convert_element_type3A_968, %dot_general3A_989 {dimension_numbers = #tpu.dot_dimension_numbers<[1], [0], [0], [1], [0, 0, 1, 1], [], []>, transpose_lhs_hint = false} : vector<28x736xbf16>, vector<736x168xbf16>, vector<28x168xf32> -> vector<28x168xf32>
    %mul3A_991 = arith.mulf %dot_general3A_990, %get3A_31 : vector<28x168xf32>
    %reduce_sum3A_992 = arith.constant dense<0.000000e+00> : vector<168xf32>
    %reduce_sum3A_993 = vector.multi_reduction <add>, %mul3A_991, %reduce_sum3A_992 [0] : vector<28x168xf32> to vector<168xf32>
    %broadcast_in_dim3A_994 = vector.shape_cast %reduce_sum3A_993 : vector<168xf32> to vector<1x168xf32>
    %slice3A_995 = vector.extract_strided_slice %broadcast_in_dim3A_994 {offsets = [0, 0], sizes = [1, 6], strides = [1, 1]} : vector<1x168xf32> to vector<1x6xf32>
    %slice3A_996 = vector.extract_strided_slice %broadcast_in_dim3A_994 {offsets = [0, 84], sizes = [1, 6], strides = [1, 1]} : vector<1x168xf32> to vector<1x6xf32>
    %slice3A_997 = vector.extract_strided_slice %broadcast_in_dim3A_994 {offsets = [0, 6], sizes = [1, 6], strides = [1, 1]} : vector<1x168xf32> to vector<1x6xf32>
    %add3A_998 = arith.addf %slice3A_995, %slice3A_997 : vector<1x6xf32>
    %slice3A_999 = vector.extract_strided_slice %broadcast_in_dim3A_994 {offsets = [0, 90], sizes = [1, 6], strides = [1, 1]} : vector<1x168xf32> to vector<1x6xf32>
    %add3A_1000 = arith.addf %slice3A_996, %slice3A_999 : vector<1x6xf32>
    %slice3A_1001 = vector.extract_strided_slice %broadcast_in_dim3A_994 {offsets = [0, 12], sizes = [1, 6], strides = [1, 1]} : vector<1x168xf32> to vector<1x6xf32>
    %add3A_1002 = arith.addf %add3A_998, %slice3A_1001 : vector<1x6xf32>
    %slice3A_1003 = vector.extract_strided_slice %broadcast_in_dim3A_994 {offsets = [0, 96], sizes = [1, 6], strides = [1, 1]} : vector<1x168xf32> to vector<1x6xf32>
    %add3A_1004 = arith.addf %add3A_1000, %slice3A_1003 : vector<1x6xf32>
    %slice3A_1005 = vector.extract_strided_slice %broadcast_in_dim3A_994 {offsets = [0, 18], sizes = [1, 6], strides = [1, 1]} : vector<1x168xf32> to vector<1x6xf32>
    %add3A_1006 = arith.addf %add3A_1002, %slice3A_1005 : vector<1x6xf32>
    %slice3A_1007 = vector.extract_strided_slice %broadcast_in_dim3A_994 {offsets = [0, 102], sizes = [1, 6], strides = [1, 1]} : vector<1x168xf32> to vector<1x6xf32>
    %add3A_1008 = arith.addf %add3A_1004, %slice3A_1007 : vector<1x6xf32>
    %slice3A_1009 = vector.extract_strided_slice %broadcast_in_dim3A_994 {offsets = [0, 24], sizes = [1, 6], strides = [1, 1]} : vector<1x168xf32> to vector<1x6xf32>
    %add3A_1010 = arith.addf %add3A_1006, %slice3A_1009 : vector<1x6xf32>
    %slice3A_1011 = vector.extract_strided_slice %broadcast_in_dim3A_994 {offsets = [0, 108], sizes = [1, 6], strides = [1, 1]} : vector<1x168xf32> to vector<1x6xf32>
    %add3A_1012 = arith.addf %add3A_1008, %slice3A_1011 : vector<1x6xf32>
    %slice3A_1013 = vector.extract_strided_slice %broadcast_in_dim3A_994 {offsets = [0, 30], sizes = [1, 6], strides = [1, 1]} : vector<1x168xf32> to vector<1x6xf32>
    %add3A_1014 = arith.addf %add3A_1010, %slice3A_1013 : vector<1x6xf32>
    %slice3A_1015 = vector.extract_strided_slice %broadcast_in_dim3A_994 {offsets = [0, 114], sizes = [1, 6], strides = [1, 1]} : vector<1x168xf32> to vector<1x6xf32>
    %add3A_1016 = arith.addf %add3A_1012, %slice3A_1015 : vector<1x6xf32>
    %slice3A_1017 = vector.extract_strided_slice %broadcast_in_dim3A_994 {offsets = [0, 36], sizes = [1, 6], strides = [1, 1]} : vector<1x168xf32> to vector<1x6xf32>
    %add3A_1018 = arith.addf %add3A_1014, %slice3A_1017 : vector<1x6xf32>
    %slice3A_1019 = vector.extract_strided_slice %broadcast_in_dim3A_994 {offsets = [0, 120], sizes = [1, 6], strides = [1, 1]} : vector<1x168xf32> to vector<1x6xf32>
    %add3A_1020 = arith.addf %add3A_1016, %slice3A_1019 : vector<1x6xf32>
    %slice3A_1021 = vector.extract_strided_slice %broadcast_in_dim3A_994 {offsets = [0, 42], sizes = [1, 6], strides = [1, 1]} : vector<1x168xf32> to vector<1x6xf32>
    %add3A_1022 = arith.addf %add3A_1018, %slice3A_1021 : vector<1x6xf32>
    %slice3A_1023 = vector.extract_strided_slice %broadcast_in_dim3A_994 {offsets = [0, 126], sizes = [1, 6], strides = [1, 1]} : vector<1x168xf32> to vector<1x6xf32>
    %add3A_1024 = arith.addf %add3A_1020, %slice3A_1023 : vector<1x6xf32>
    %slice3A_1025 = vector.extract_strided_slice %broadcast_in_dim3A_994 {offsets = [0, 48], sizes = [1, 6], strides = [1, 1]} : vector<1x168xf32> to vector<1x6xf32>
    %add3A_1026 = arith.addf %add3A_1022, %slice3A_1025 : vector<1x6xf32>
    %slice3A_1027 = vector.extract_strided_slice %broadcast_in_dim3A_994 {offsets = [0, 132], sizes = [1, 6], strides = [1, 1]} : vector<1x168xf32> to vector<1x6xf32>
    %add3A_1028 = arith.addf %add3A_1024, %slice3A_1027 : vector<1x6xf32>
    %slice3A_1029 = vector.extract_strided_slice %broadcast_in_dim3A_994 {offsets = [0, 54], sizes = [1, 6], strides = [1, 1]} : vector<1x168xf32> to vector<1x6xf32>
    %add3A_1030 = arith.addf %add3A_1026, %slice3A_1029 : vector<1x6xf32>
    %slice3A_1031 = vector.extract_strided_slice %broadcast_in_dim3A_994 {offsets = [0, 138], sizes = [1, 6], strides = [1, 1]} : vector<1x168xf32> to vector<1x6xf32>
    %add3A_1032 = arith.addf %add3A_1028, %slice3A_1031 : vector<1x6xf32>
    %slice3A_1033 = vector.extract_strided_slice %broadcast_in_dim3A_994 {offsets = [0, 60], sizes = [1, 6], strides = [1, 1]} : vector<1x168xf32> to vector<1x6xf32>
    %add3A_1034 = arith.addf %add3A_1030, %slice3A_1033 : vector<1x6xf32>
    %slice3A_1035 = vector.extract_strided_slice %broadcast_in_dim3A_994 {offsets = [0, 144], sizes = [1, 6], strides = [1, 1]} : vector<1x168xf32> to vector<1x6xf32>
    %add3A_1036 = arith.addf %add3A_1032, %slice3A_1035 : vector<1x6xf32>
    %slice3A_1037 = vector.extract_strided_slice %broadcast_in_dim3A_994 {offsets = [0, 66], sizes = [1, 6], strides = [1, 1]} : vector<1x168xf32> to vector<1x6xf32>
    %add3A_1038 = arith.addf %add3A_1034, %slice3A_1037 : vector<1x6xf32>
    %slice3A_1039 = vector.extract_strided_slice %broadcast_in_dim3A_994 {offsets = [0, 150], sizes = [1, 6], strides = [1, 1]} : vector<1x168xf32> to vector<1x6xf32>
    %add3A_1040 = arith.addf %add3A_1036, %slice3A_1039 : vector<1x6xf32>
    %slice3A_1041 = vector.extract_strided_slice %broadcast_in_dim3A_994 {offsets = [0, 72], sizes = [1, 6], strides = [1, 1]} : vector<1x168xf32> to vector<1x6xf32>
    %add3A_1042 = arith.addf %add3A_1038, %slice3A_1041 : vector<1x6xf32>
    %slice3A_1043 = vector.extract_strided_slice %broadcast_in_dim3A_994 {offsets = [0, 156], sizes = [1, 6], strides = [1, 1]} : vector<1x168xf32> to vector<1x6xf32>
    %add3A_1044 = arith.addf %add3A_1040, %slice3A_1043 : vector<1x6xf32>
    %slice3A_1045 = vector.extract_strided_slice %broadcast_in_dim3A_994 {offsets = [0, 78], sizes = [1, 6], strides = [1, 1]} : vector<1x168xf32> to vector<1x6xf32>
    %add3A_1046 = arith.addf %add3A_1042, %slice3A_1045 : vector<1x6xf32>
    %slice3A_1047 = vector.extract_strided_slice %broadcast_in_dim3A_994 {offsets = [0, 162], sizes = [1, 6], strides = [1, 1]} : vector<1x168xf32> to vector<1x6xf32>
    %add3A_1048 = arith.addf %add3A_1044, %slice3A_1047 : vector<1x6xf32>
    %convert_element_type3A_1049 = arith.extf %mul3A_986 : vector<14x736xbf16> to vector<14x736xf32>
    %reduce_sum3A_1050 = vector.shape_cast %convert_element_type3A_1049 : vector<14x736xf32> to vector<1x14x736xf32>
    %reduce_sum3A_1051 = arith.constant dense<0.000000e+00> : vector<1xf32>
    %reduce_sum3A_1052 = vector.multi_reduction <add>, %reduce_sum3A_1050, %reduce_sum3A_1051 [1, 2] : vector<1x14x736xf32> to vector<1xf32>
    %reduce_sum3A_1053 = vector.shape_cast %reduce_sum3A_1052 : vector<1xf32> to vector<1x1x1xf32>
    %reduce_sum3A_1054 = vector.extract %reduce_sum3A_1053[0, 0, 0] : f32 from vector<1x1x1xf32>
    %broadcast_in_dim3A_1055 = vector.broadcast %reduce_sum3A_1054 : f32 to vector<1x1xf32>
    %convert_element_type3A_1056 = arith.extf %mul3A_987 : vector<14x736xbf16> to vector<14x736xf32>
    %reduce_sum3A_1057 = vector.shape_cast %convert_element_type3A_1056 : vector<14x736xf32> to vector<1x14x736xf32>
    %reduce_sum3A_1058 = arith.constant dense<0.000000e+00> : vector<1xf32>
    %reduce_sum3A_1059 = vector.multi_reduction <add>, %reduce_sum3A_1057, %reduce_sum3A_1058 [1, 2] : vector<1x14x736xf32> to vector<1xf32>
    %reduce_sum3A_1060 = vector.shape_cast %reduce_sum3A_1059 : vector<1xf32> to vector<1x1x1xf32>
    %reduce_sum3A_1061 = vector.extract %reduce_sum3A_1060[0, 0, 0] : f32 from vector<1x1x1xf32>
    %broadcast_in_dim3A_1062 = vector.broadcast %reduce_sum3A_1061 : f32 to vector<1x1xf32>
    %concatenate3A_1063 = tpu.concatenate %add3A_1046, %add3A_1048, %broadcast_in_dim3A_1055, %broadcast_in_dim3A_1062 in 1 : vector<1x6xf32>, vector<1x6xf32>, vector<1x1xf32>, vector<1x1xf32> -> vector<1x14xf32>
    %dot_general3A_1064 = arith.constant dense<0.000000e+00> : vector<1x3xf32>
    %dot_general3A_1065 = tpu.matmul %concatenate3A_1063, %get3A_34, %dot_general3A_1064 {dimension_numbers = #tpu.dot_dimension_numbers<[1], [0], [0], [1], [0, 0, 1, 1], [], []>, transpose_lhs_hint = false} : vector<1x14xf32>, vector<14x3xf32>, vector<1x3xf32> -> vector<1x3xf32>
    %squeeze3A_1066 = vector.shape_cast %dot_general3A_1065 : vector<1x3xf32> to vector<3xf32>
    %swap3A_1067 = arith.constant 0 : index
    %swap3A_1068 = arith.constant 8 : index
    %swap3A_1069 = arith.constant 0 : index
    %swap3A_1070 = vector.load %arg14[%swap3A_1067, %swap3A_1068, %swap3A_1069] : memref<1x16x3xf32, #tpu.memory_space<vmem>>, vector<1x1x3xf32>
    %swap3A_1071 = vector.shape_cast %swap3A_1070 : vector<1x1x3xf32> to vector<3xf32>
    %swap3A_1072 = vector.shape_cast %squeeze3A_1066 : vector<3xf32> to vector<1x1x3xf32>
    tpu.vector_store %arg14[%swap3A_1067, %swap3A_1068, %swap3A_1069], %swap3A_1072 {strides = array<i32>} : memref<1x16x3xf32, #tpu.memory_space<vmem>>, vector<1x1x3xf32>,
    %get3A_1073 = arith.constant 9 : index
    %get3A_1074 = arith.constant 0 : index
    %get3A_1075 = arith.constant 0 : index
    %get3A_1076 = vector.load %arg1[%get3A_1073, %get3A_1074, %get3A_1075] : memref<16x14x736xbf16, #tpu.memory_space<vmem>>, vector<1x14x736xbf16>
    %get3A_1077 = vector.shape_cast %get3A_1076 : vector<1x14x736xbf16> to vector<14x736xbf16>
    %mul3A_1078 = arith.mulf %get3A_1077, %convert_element_type3A_8 : vector<14x736xbf16>
    %mul3A_1079 = arith.mulf %get3A_1077, %convert_element_type3A_13 : vector<14x736xbf16>
    %concatenate3A_1080 = tpu.concatenate %mul3A_1078, %mul3A_1079 in 0 : vector<14x736xbf16>, vector<14x736xbf16> -> vector<28x736xbf16>
    %dot_general3A_1081 = arith.constant dense<0.000000e+00> : vector<28x168xf32>
    %dot_general3A_1082 = tpu.matmul %concatenate3A_1080, %convert_element_type3A_972, %dot_general3A_1081 {dimension_numbers = #tpu.dot_dimension_numbers<[1], [0], [0], [1], [0, 0, 1, 1], [], []>, transpose_lhs_hint = false} : vector<28x736xbf16>, vector<736x168xbf16>, vector<28x168xf32> -> vector<28x168xf32>
    %mul3A_1083 = arith.mulf %dot_general3A_1082, %get3A_31 : vector<28x168xf32>
    %reduce_sum3A_1084 = arith.constant dense<0.000000e+00> : vector<168xf32>
    %reduce_sum3A_1085 = vector.multi_reduction <add>, %mul3A_1083, %reduce_sum3A_1084 [0] : vector<28x168xf32> to vector<168xf32>
    %broadcast_in_dim3A_1086 = vector.shape_cast %reduce_sum3A_1085 : vector<168xf32> to vector<1x168xf32>
    %slice3A_1087 = vector.extract_strided_slice %broadcast_in_dim3A_1086 {offsets = [0, 0], sizes = [1, 6], strides = [1, 1]} : vector<1x168xf32> to vector<1x6xf32>
    %slice3A_1088 = vector.extract_strided_slice %broadcast_in_dim3A_1086 {offsets = [0, 84], sizes = [1, 6], strides = [1, 1]} : vector<1x168xf32> to vector<1x6xf32>
    %slice3A_1089 = vector.extract_strided_slice %broadcast_in_dim3A_1086 {offsets = [0, 6], sizes = [1, 6], strides = [1, 1]} : vector<1x168xf32> to vector<1x6xf32>
    %add3A_1090 = arith.addf %slice3A_1087, %slice3A_1089 : vector<1x6xf32>
    %slice3A_1091 = vector.extract_strided_slice %broadcast_in_dim3A_1086 {offsets = [0, 90], sizes = [1, 6], strides = [1, 1]} : vector<1x168xf32> to vector<1x6xf32>
    %add3A_1092 = arith.addf %slice3A_1088, %slice3A_1091 : vector<1x6xf32>
    %slice3A_1093 = vector.extract_strided_slice %broadcast_in_dim3A_1086 {offsets = [0, 12], sizes = [1, 6], strides = [1, 1]} : vector<1x168xf32> to vector<1x6xf32>
    %add3A_1094 = arith.addf %add3A_1090, %slice3A_1093 : vector<1x6xf32>
    %slice3A_1095 = vector.extract_strided_slice %broadcast_in_dim3A_1086 {offsets = [0, 96], sizes = [1, 6], strides = [1, 1]} : vector<1x168xf32> to vector<1x6xf32>
    %add3A_1096 = arith.addf %add3A_1092, %slice3A_1095 : vector<1x6xf32>
    %slice3A_1097 = vector.extract_strided_slice %broadcast_in_dim3A_1086 {offsets = [0, 18], sizes = [1, 6], strides = [1, 1]} : vector<1x168xf32> to vector<1x6xf32>
    %add3A_1098 = arith.addf %add3A_1094, %slice3A_1097 : vector<1x6xf32>
    %slice3A_1099 = vector.extract_strided_slice %broadcast_in_dim3A_1086 {offsets = [0, 102], sizes = [1, 6], strides = [1, 1]} : vector<1x168xf32> to vector<1x6xf32>
    %add3A_1100 = arith.addf %add3A_1096, %slice3A_1099 : vector<1x6xf32>
    %slice3A_1101 = vector.extract_strided_slice %broadcast_in_dim3A_1086 {offsets = [0, 24], sizes = [1, 6], strides = [1, 1]} : vector<1x168xf32> to vector<1x6xf32>
    %add3A_1102 = arith.addf %add3A_1098, %slice3A_1101 : vector<1x6xf32>
    %slice3A_1103 = vector.extract_strided_slice %broadcast_in_dim3A_1086 {offsets = [0, 108], sizes = [1, 6], strides = [1, 1]} : vector<1x168xf32> to vector<1x6xf32>
    %add3A_1104 = arith.addf %add3A_1100, %slice3A_1103 : vector<1x6xf32>
    %slice3A_1105 = vector.extract_strided_slice %broadcast_in_dim3A_1086 {offsets = [0, 30], sizes = [1, 6], strides = [1, 1]} : vector<1x168xf32> to vector<1x6xf32>
    %add3A_1106 = arith.addf %add3A_1102, %slice3A_1105 : vector<1x6xf32>
    %slice3A_1107 = vector.extract_strided_slice %broadcast_in_dim3A_1086 {offsets = [0, 114], sizes = [1, 6], strides = [1, 1]} : vector<1x168xf32> to vector<1x6xf32>
    %add3A_1108 = arith.addf %add3A_1104, %slice3A_1107 : vector<1x6xf32>
    %slice3A_1109 = vector.extract_strided_slice %broadcast_in_dim3A_1086 {offsets = [0, 36], sizes = [1, 6], strides = [1, 1]} : vector<1x168xf32> to vector<1x6xf32>
    %add3A_1110 = arith.addf %add3A_1106, %slice3A_1109 : vector<1x6xf32>
    %slice3A_1111 = vector.extract_strided_slice %broadcast_in_dim3A_1086 {offsets = [0, 120], sizes = [1, 6], strides = [1, 1]} : vector<1x168xf32> to vector<1x6xf32>
    %add3A_1112 = arith.addf %add3A_1108, %slice3A_1111 : vector<1x6xf32>
    %slice3A_1113 = vector.extract_strided_slice %broadcast_in_dim3A_1086 {offsets = [0, 42], sizes = [1, 6], strides = [1, 1]} : vector<1x168xf32> to vector<1x6xf32>
    %add3A_1114 = arith.addf %add3A_1110, %slice3A_1113 : vector<1x6xf32>
    %slice3A_1115 = vector.extract_strided_slice %broadcast_in_dim3A_1086 {offsets = [0, 126], sizes = [1, 6], strides = [1, 1]} : vector<1x168xf32> to vector<1x6xf32>
    %add3A_1116 = arith.addf %add3A_1112, %slice3A_1115 : vector<1x6xf32>
    %slice3A_1117 = vector.extract_strided_slice %broadcast_in_dim3A_1086 {offsets = [0, 48], sizes = [1, 6], strides = [1, 1]} : vector<1x168xf32> to vector<1x6xf32>
    %add3A_1118 = arith.addf %add3A_1114, %slice3A_1117 : vector<1x6xf32>
    %slice3A_1119 = vector.extract_strided_slice %broadcast_in_dim3A_1086 {offsets = [0, 132], sizes = [1, 6], strides = [1, 1]} : vector<1x168xf32> to vector<1x6xf32>
    %add3A_1120 = arith.addf %add3A_1116, %slice3A_1119 : vector<1x6xf32>
    %slice3A_1121 = vector.extract_strided_slice %broadcast_in_dim3A_1086 {offsets = [0, 54], sizes = [1, 6], strides = [1, 1]} : vector<1x168xf32> to vector<1x6xf32>
    %add3A_1122 = arith.addf %add3A_1118, %slice3A_1121 : vector<1x6xf32>
    %slice3A_1123 = vector.extract_strided_slice %broadcast_in_dim3A_1086 {offsets = [0, 138], sizes = [1, 6], strides = [1, 1]} : vector<1x168xf32> to vector<1x6xf32>
    %add3A_1124 = arith.addf %add3A_1120, %slice3A_1123 : vector<1x6xf32>
    %slice3A_1125 = vector.extract_strided_slice %broadcast_in_dim3A_1086 {offsets = [0, 60], sizes = [1, 6], strides = [1, 1]} : vector<1x168xf32> to vector<1x6xf32>
    %add3A_1126 = arith.addf %add3A_1122, %slice3A_1125 : vector<1x6xf32>
    %slice3A_1127 = vector.extract_strided_slice %broadcast_in_dim3A_1086 {offsets = [0, 144], sizes = [1, 6], strides = [1, 1]} : vector<1x168xf32> to vector<1x6xf32>
    %add3A_1128 = arith.addf %add3A_1124, %slice3A_1127 : vector<1x6xf32>
    %slice3A_1129 = vector.extract_strided_slice %broadcast_in_dim3A_1086 {offsets = [0, 66], sizes = [1, 6], strides = [1, 1]} : vector<1x168xf32> to vector<1x6xf32>
    %add3A_1130 = arith.addf %add3A_1126, %slice3A_1129 : vector<1x6xf32>
    %slice3A_1131 = vector.extract_strided_slice %broadcast_in_dim3A_1086 {offsets = [0, 150], sizes = [1, 6], strides = [1, 1]} : vector<1x168xf32> to vector<1x6xf32>
    %add3A_1132 = arith.addf %add3A_1128, %slice3A_1131 : vector<1x6xf32>
    %slice3A_1133 = vector.extract_strided_slice %broadcast_in_dim3A_1086 {offsets = [0, 72], sizes = [1, 6], strides = [1, 1]} : vector<1x168xf32> to vector<1x6xf32>
    %add3A_1134 = arith.addf %add3A_1130, %slice3A_1133 : vector<1x6xf32>
    %slice3A_1135 = vector.extract_strided_slice %broadcast_in_dim3A_1086 {offsets = [0, 156], sizes = [1, 6], strides = [1, 1]} : vector<1x168xf32> to vector<1x6xf32>
    %add3A_1136 = arith.addf %add3A_1132, %slice3A_1135 : vector<1x6xf32>
    %slice3A_1137 = vector.extract_strided_slice %broadcast_in_dim3A_1086 {offsets = [0, 78], sizes = [1, 6], strides = [1, 1]} : vector<1x168xf32> to vector<1x6xf32>
    %add3A_1138 = arith.addf %add3A_1134, %slice3A_1137 : vector<1x6xf32>
    %slice3A_1139 = vector.extract_strided_slice %broadcast_in_dim3A_1086 {offsets = [0, 162], sizes = [1, 6], strides = [1, 1]} : vector<1x168xf32> to vector<1x6xf32>
    %add3A_1140 = arith.addf %add3A_1136, %slice3A_1139 : vector<1x6xf32>
    %convert_element_type3A_1141 = arith.extf %mul3A_1078 : vector<14x736xbf16> to vector<14x736xf32>
    %reduce_sum3A_1142 = vector.shape_cast %convert_element_type3A_1141 : vector<14x736xf32> to vector<1x14x736xf32>
    %reduce_sum3A_1143 = arith.constant dense<0.000000e+00> : vector<1xf32>
    %reduce_sum3A_1144 = vector.multi_reduction <add>, %reduce_sum3A_1142, %reduce_sum3A_1143 [1, 2] : vector<1x14x736xf32> to vector<1xf32>
    %reduce_sum3A_1145 = vector.shape_cast %reduce_sum3A_1144 : vector<1xf32> to vector<1x1x1xf32>
    %reduce_sum3A_1146 = vector.extract %reduce_sum3A_1145[0, 0, 0] : f32 from vector<1x1x1xf32>
    %broadcast_in_dim3A_1147 = vector.broadcast %reduce_sum3A_1146 : f32 to vector<1x1xf32>
    %convert_element_type3A_1148 = arith.extf %mul3A_1079 : vector<14x736xbf16> to vector<14x736xf32>
    %reduce_sum3A_1149 = vector.shape_cast %convert_element_type3A_1148 : vector<14x736xf32> to vector<1x14x736xf32>
    %reduce_sum3A_1150 = arith.constant dense<0.000000e+00> : vector<1xf32>
    %reduce_sum3A_1151 = vector.multi_reduction <add>, %reduce_sum3A_1149, %reduce_sum3A_1150 [1, 2] : vector<1x14x736xf32> to vector<1xf32>
    %reduce_sum3A_1152 = vector.shape_cast %reduce_sum3A_1151 : vector<1xf32> to vector<1x1x1xf32>
    %reduce_sum3A_1153 = vector.extract %reduce_sum3A_1152[0, 0, 0] : f32 from vector<1x1x1xf32>
    %broadcast_in_dim3A_1154 = vector.broadcast %reduce_sum3A_1153 : f32 to vector<1x1xf32>
    %concatenate3A_1155 = tpu.concatenate %add3A_1138, %add3A_1140, %broadcast_in_dim3A_1147, %broadcast_in_dim3A_1154 in 1 : vector<1x6xf32>, vector<1x6xf32>, vector<1x1xf32>, vector<1x1xf32> -> vector<1x14xf32>
    %dot_general3A_1156 = arith.constant dense<0.000000e+00> : vector<1x3xf32>
    %dot_general3A_1157 = tpu.matmul %concatenate3A_1155, %get3A_34, %dot_general3A_1156 {dimension_numbers = #tpu.dot_dimension_numbers<[1], [0], [0], [1], [0, 0, 1, 1], [], []>, transpose_lhs_hint = false} : vector<1x14xf32>, vector<14x3xf32>, vector<1x3xf32> -> vector<1x3xf32>
    %squeeze3A_1158 = vector.shape_cast %dot_general3A_1157 : vector<1x3xf32> to vector<3xf32>
    %swap3A_1159 = arith.constant 0 : index
    %swap3A_1160 = arith.constant 9 : index
    %swap3A_1161 = arith.constant 0 : index
    %swap3A_1162 = vector.load %arg14[%swap3A_1159, %swap3A_1160, %swap3A_1161] : memref<1x16x3xf32, #tpu.memory_space<vmem>>, vector<1x1x3xf32>
    %swap3A_1163 = vector.shape_cast %swap3A_1162 : vector<1x1x3xf32> to vector<3xf32>
    %swap3A_1164 = vector.shape_cast %squeeze3A_1158 : vector<3xf32> to vector<1x1x3xf32>
    tpu.vector_store %arg14[%swap3A_1159, %swap3A_1160, %swap3A_1161], %swap3A_1164 {strides = array<i32>} : memref<1x16x3xf32, #tpu.memory_space<vmem>>, vector<1x1x3xf32>,
    %get3A_1165 = arith.constant 10 : index
    %get3A_1166 = arith.constant 0 : index
    %get3A_1167 = arith.constant 0 : index
    %get3A_1168 = vector.load %arg1[%get3A_1165, %get3A_1166, %get3A_1167] : memref<16x14x736xbf16, #tpu.memory_space<vmem>>, vector<1x14x736xbf16>
    %get3A_1169 = vector.shape_cast %get3A_1168 : vector<1x14x736xbf16> to vector<14x736xbf16>
    %mul3A_1170 = arith.mulf %get3A_1169, %convert_element_type3A_8 : vector<14x736xbf16>
    %mul3A_1171 = arith.mulf %get3A_1169, %convert_element_type3A_13 : vector<14x736xbf16>
    %concatenate3A_1172 = tpu.concatenate %mul3A_1170, %mul3A_1171 in 0 : vector<14x736xbf16>, vector<14x736xbf16> -> vector<28x736xbf16>
    %dot_general3A_1173 = arith.constant dense<0.000000e+00> : vector<28x168xf32>
    %dot_general3A_1174 = tpu.matmul %concatenate3A_1172, %convert_element_type3A_976, %dot_general3A_1173 {dimension_numbers = #tpu.dot_dimension_numbers<[1], [0], [0], [1], [0, 0, 1, 1], [], []>, transpose_lhs_hint = false} : vector<28x736xbf16>, vector<736x168xbf16>, vector<28x168xf32> -> vector<28x168xf32>
    %mul3A_1175 = arith.mulf %dot_general3A_1174, %get3A_31 : vector<28x168xf32>
    %reduce_sum3A_1176 = arith.constant dense<0.000000e+00> : vector<168xf32>
    %reduce_sum3A_1177 = vector.multi_reduction <add>, %mul3A_1175, %reduce_sum3A_1176 [0] : vector<28x168xf32> to vector<168xf32>
    %broadcast_in_dim3A_1178 = vector.shape_cast %reduce_sum3A_1177 : vector<168xf32> to vector<1x168xf32>
    %slice3A_1179 = vector.extract_strided_slice %broadcast_in_dim3A_1178 {offsets = [0, 0], sizes = [1, 6], strides = [1, 1]} : vector<1x168xf32> to vector<1x6xf32>
    %slice3A_1180 = vector.extract_strided_slice %broadcast_in_dim3A_1178 {offsets = [0, 84], sizes = [1, 6], strides = [1, 1]} : vector<1x168xf32> to vector<1x6xf32>
    %slice3A_1181 = vector.extract_strided_slice %broadcast_in_dim3A_1178 {offsets = [0, 6], sizes = [1, 6], strides = [1, 1]} : vector<1x168xf32> to vector<1x6xf32>
    %add3A_1182 = arith.addf %slice3A_1179, %slice3A_1181 : vector<1x6xf32>
    %slice3A_1183 = vector.extract_strided_slice %broadcast_in_dim3A_1178 {offsets = [0, 90], sizes = [1, 6], strides = [1, 1]} : vector<1x168xf32> to vector<1x6xf32>
    %add3A_1184 = arith.addf %slice3A_1180, %slice3A_1183 : vector<1x6xf32>
    %slice3A_1185 = vector.extract_strided_slice %broadcast_in_dim3A_1178 {offsets = [0, 12], sizes = [1, 6], strides = [1, 1]} : vector<1x168xf32> to vector<1x6xf32>
    %add3A_1186 = arith.addf %add3A_1182, %slice3A_1185 : vector<1x6xf32>
    %slice3A_1187 = vector.extract_strided_slice %broadcast_in_dim3A_1178 {offsets = [0, 96], sizes = [1, 6], strides = [1, 1]} : vector<1x168xf32> to vector<1x6xf32>
    %add3A_1188 = arith.addf %add3A_1184, %slice3A_1187 : vector<1x6xf32>
    %slice3A_1189 = vector.extract_strided_slice %broadcast_in_dim3A_1178 {offsets = [0, 18], sizes = [1, 6], strides = [1, 1]} : vector<1x168xf32> to vector<1x6xf32>
    %add3A_1190 = arith.addf %add3A_1186, %slice3A_1189 : vector<1x6xf32>
    %slice3A_1191 = vector.extract_strided_slice %broadcast_in_dim3A_1178 {offsets = [0, 102], sizes = [1, 6], strides = [1, 1]} : vector<1x168xf32> to vector<1x6xf32>
    %add3A_1192 = arith.addf %add3A_1188, %slice3A_1191 : vector<1x6xf32>
    %slice3A_1193 = vector.extract_strided_slice %broadcast_in_dim3A_1178 {offsets = [0, 24], sizes = [1, 6], strides = [1, 1]} : vector<1x168xf32> to vector<1x6xf32>
    %add3A_1194 = arith.addf %add3A_1190, %slice3A_1193 : vector<1x6xf32>
    %slice3A_1195 = vector.extract_strided_slice %broadcast_in_dim3A_1178 {offsets = [0, 108], sizes = [1, 6], strides = [1, 1]} : vector<1x168xf32> to vector<1x6xf32>
    %add3A_1196 = arith.addf %add3A_1192, %slice3A_1195 : vector<1x6xf32>
    %slice3A_1197 = vector.extract_strided_slice %broadcast_in_dim3A_1178 {offsets = [0, 30], sizes = [1, 6], strides = [1, 1]} : vector<1x168xf32> to vector<1x6xf32>
    %add3A_1198 = arith.addf %add3A_1194, %slice3A_1197 : vector<1x6xf32>
    %slice3A_1199 = vector.extract_strided_slice %broadcast_in_dim3A_1178 {offsets = [0, 114], sizes = [1, 6], strides = [1, 1]} : vector<1x168xf32> to vector<1x6xf32>
    %add3A_1200 = arith.addf %add3A_1196, %slice3A_1199 : vector<1x6xf32>
    %slice3A_1201 = vector.extract_strided_slice %broadcast_in_dim3A_1178 {offsets = [0, 36], sizes = [1, 6], strides = [1, 1]} : vector<1x168xf32> to vector<1x6xf32>
    %add3A_1202 = arith.addf %add3A_1198, %slice3A_1201 : vector<1x6xf32>
    %slice3A_1203 = vector.extract_strided_slice %broadcast_in_dim3A_1178 {offsets = [0, 120], sizes = [1, 6], strides = [1, 1]} : vector<1x168xf32> to vector<1x6xf32>
    %add3A_1204 = arith.addf %add3A_1200, %slice3A_1203 : vector<1x6xf32>
    %slice3A_1205 = vector.extract_strided_slice %broadcast_in_dim3A_1178 {offsets = [0, 42], sizes = [1, 6], strides = [1, 1]} : vector<1x168xf32> to vector<1x6xf32>
    %add3A_1206 = arith.addf %add3A_1202, %slice3A_1205 : vector<1x6xf32>
    %slice3A_1207 = vector.extract_strided_slice %broadcast_in_dim3A_1178 {offsets = [0, 126], sizes = [1, 6], strides = [1, 1]} : vector<1x168xf32> to vector<1x6xf32>
    %add3A_1208 = arith.addf %add3A_1204, %slice3A_1207 : vector<1x6xf32>
    %slice3A_1209 = vector.extract_strided_slice %broadcast_in_dim3A_1178 {offsets = [0, 48], sizes = [1, 6], strides = [1, 1]} : vector<1x168xf32> to vector<1x6xf32>
    %add3A_1210 = arith.addf %add3A_1206, %slice3A_1209 : vector<1x6xf32>
    %slice3A_1211 = vector.extract_strided_slice %broadcast_in_dim3A_1178 {offsets = [0, 132], sizes = [1, 6], strides = [1, 1]} : vector<1x168xf32> to vector<1x6xf32>
    %add3A_1212 = arith.addf %add3A_1208, %slice3A_1211 : vector<1x6xf32>
    %slice3A_1213 = vector.extract_strided_slice %broadcast_in_dim3A_1178 {offsets = [0, 54], sizes = [1, 6], strides = [1, 1]} : vector<1x168xf32> to vector<1x6xf32>
    %add3A_1214 = arith.addf %add3A_1210, %slice3A_1213 : vector<1x6xf32>
    %slice3A_1215 = vector.extract_strided_slice %broadcast_in_dim3A_1178 {offsets = [0, 138], sizes = [1, 6], strides = [1, 1]} : vector<1x168xf32> to vector<1x6xf32>
    %add3A_1216 = arith.addf %add3A_1212, %slice3A_1215 : vector<1x6xf32>
    %slice3A_1217 = vector.extract_strided_slice %broadcast_in_dim3A_1178 {offsets = [0, 60], sizes = [1, 6], strides = [1, 1]} : vector<1x168xf32> to vector<1x6xf32>
    %add3A_1218 = arith.addf %add3A_1214, %slice3A_1217 : vector<1x6xf32>
    %slice3A_1219 = vector.extract_strided_slice %broadcast_in_dim3A_1178 {offsets = [0, 144], sizes = [1, 6], strides = [1, 1]} : vector<1x168xf32> to vector<1x6xf32>
    %add3A_1220 = arith.addf %add3A_1216, %slice3A_1219 : vector<1x6xf32>
    %slice3A_1221 = vector.extract_strided_slice %broadcast_in_dim3A_1178 {offsets = [0, 66], sizes = [1, 6], strides = [1, 1]} : vector<1x168xf32> to vector<1x6xf32>
    %add3A_1222 = arith.addf %add3A_1218, %slice3A_1221 : vector<1x6xf32>
    %slice3A_1223 = vector.extract_strided_slice %broadcast_in_dim3A_1178 {offsets = [0, 150], sizes = [1, 6], strides = [1, 1]} : vector<1x168xf32> to vector<1x6xf32>
    %add3A_1224 = arith.addf %add3A_1220, %slice3A_1223 : vector<1x6xf32>
    %slice3A_1225 = vector.extract_strided_slice %broadcast_in_dim3A_1178 {offsets = [0, 72], sizes = [1, 6], strides = [1, 1]} : vector<1x168xf32> to vector<1x6xf32>
    %add3A_1226 = arith.addf %add3A_1222, %slice3A_1225 : vector<1x6xf32>
    %slice3A_1227 = vector.extract_strided_slice %broadcast_in_dim3A_1178 {offsets = [0, 156], sizes = [1, 6], strides = [1, 1]} : vector<1x168xf32> to vector<1x6xf32>
    %add3A_1228 = arith.addf %add3A_1224, %slice3A_1227 : vector<1x6xf32>
    %slice3A_1229 = vector.extract_strided_slice %broadcast_in_dim3A_1178 {offsets = [0, 78], sizes = [1, 6], strides = [1, 1]} : vector<1x168xf32> to vector<1x6xf32>
    %add3A_1230 = arith.addf %add3A_1226, %slice3A_1229 : vector<1x6xf32>
    %slice3A_1231 = vector.extract_strided_slice %broadcast_in_dim3A_1178 {offsets = [0, 162], sizes = [1, 6], strides = [1, 1]} : vector<1x168xf32> to vector<1x6xf32>
    %add3A_1232 = arith.addf %add3A_1228, %slice3A_1231 : vector<1x6xf32>
    %convert_element_type3A_1233 = arith.extf %mul3A_1170 : vector<14x736xbf16> to vector<14x736xf32>
    %reduce_sum3A_1234 = vector.shape_cast %convert_element_type3A_1233 : vector<14x736xf32> to vector<1x14x736xf32>
    %reduce_sum3A_1235 = arith.constant dense<0.000000e+00> : vector<1xf32>
    %reduce_sum3A_1236 = vector.multi_reduction <add>, %reduce_sum3A_1234, %reduce_sum3A_1235 [1, 2] : vector<1x14x736xf32> to vector<1xf32>
    %reduce_sum3A_1237 = vector.shape_cast %reduce_sum3A_1236 : vector<1xf32> to vector<1x1x1xf32>
    %reduce_sum3A_1238 = vector.extract %reduce_sum3A_1237[0, 0, 0] : f32 from vector<1x1x1xf32>
    %broadcast_in_dim3A_1239 = vector.broadcast %reduce_sum3A_1238 : f32 to vector<1x1xf32>
    %convert_element_type3A_1240 = arith.extf %mul3A_1171 : vector<14x736xbf16> to vector<14x736xf32>
    %reduce_sum3A_1241 = vector.shape_cast %convert_element_type3A_1240 : vector<14x736xf32> to vector<1x14x736xf32>
    %reduce_sum3A_1242 = arith.constant dense<0.000000e+00> : vector<1xf32>
    %reduce_sum3A_1243 = vector.multi_reduction <add>, %reduce_sum3A_1241, %reduce_sum3A_1242 [1, 2] : vector<1x14x736xf32> to vector<1xf32>
    %reduce_sum3A_1244 = vector.shape_cast %reduce_sum3A_1243 : vector<1xf32> to vector<1x1x1xf32>
    %reduce_sum3A_1245 = vector.extract %reduce_sum3A_1244[0, 0, 0] : f32 from vector<1x1x1xf32>
    %broadcast_in_dim3A_1246 = vector.broadcast %reduce_sum3A_1245 : f32 to vector<1x1xf32>
    %concatenate3A_1247 = tpu.concatenate %add3A_1230, %add3A_1232, %broadcast_in_dim3A_1239, %broadcast_in_dim3A_1246 in 1 : vector<1x6xf32>, vector<1x6xf32>, vector<1x1xf32>, vector<1x1xf32> -> vector<1x14xf32>
    %dot_general3A_1248 = arith.constant dense<0.000000e+00> : vector<1x3xf32>
    %dot_general3A_1249 = tpu.matmul %concatenate3A_1247, %get3A_34, %dot_general3A_1248 {dimension_numbers = #tpu.dot_dimension_numbers<[1], [0], [0], [1], [0, 0, 1, 1], [], []>, transpose_lhs_hint = false} : vector<1x14xf32>, vector<14x3xf32>, vector<1x3xf32> -> vector<1x3xf32>
    %squeeze3A_1250 = vector.shape_cast %dot_general3A_1249 : vector<1x3xf32> to vector<3xf32>
    %swap3A_1251 = arith.constant 0 : index
    %swap3A_1252 = arith.constant 10 : index
    %swap3A_1253 = arith.constant 0 : index
    %swap3A_1254 = vector.load %arg14[%swap3A_1251, %swap3A_1252, %swap3A_1253] : memref<1x16x3xf32, #tpu.memory_space<vmem>>, vector<1x1x3xf32>
    %swap3A_1255 = vector.shape_cast %swap3A_1254 : vector<1x1x3xf32> to vector<3xf32>
    %swap3A_1256 = vector.shape_cast %squeeze3A_1250 : vector<3xf32> to vector<1x1x3xf32>
    tpu.vector_store %arg14[%swap3A_1251, %swap3A_1252, %swap3A_1253], %swap3A_1256 {strides = array<i32>} : memref<1x16x3xf32, #tpu.memory_space<vmem>>, vector<1x1x3xf32>,
    %get3A_1257 = arith.constant 11 : index
    %get3A_1258 = arith.constant 0 : index
    %get3A_1259 = arith.constant 0 : index
    %get3A_1260 = vector.load %arg1[%get3A_1257, %get3A_1258, %get3A_1259] : memref<16x14x736xbf16, #tpu.memory_space<vmem>>, vector<1x14x736xbf16>
    %get3A_1261 = vector.shape_cast %get3A_1260 : vector<1x14x736xbf16> to vector<14x736xbf16>
    %mul3A_1262 = arith.mulf %get3A_1261, %convert_element_type3A_8 : vector<14x736xbf16>
    %mul3A_1263 = arith.mulf %get3A_1261, %convert_element_type3A_13 : vector<14x736xbf16>
    %concatenate3A_1264 = tpu.concatenate %mul3A_1262, %mul3A_1263 in 0 : vector<14x736xbf16>, vector<14x736xbf16> -> vector<28x736xbf16>
    %dot_general3A_1265 = arith.constant dense<0.000000e+00> : vector<28x168xf32>
    %dot_general3A_1266 = tpu.matmul %concatenate3A_1264, %convert_element_type3A_980, %dot_general3A_1265 {dimension_numbers = #tpu.dot_dimension_numbers<[1], [0], [0], [1], [0, 0, 1, 1], [], []>, transpose_lhs_hint = false} : vector<28x736xbf16>, vector<736x168xbf16>, vector<28x168xf32> -> vector<28x168xf32>
    %mul3A_1267 = arith.mulf %dot_general3A_1266, %get3A_31 : vector<28x168xf32>
    %reduce_sum3A_1268 = arith.constant dense<0.000000e+00> : vector<168xf32>
    %reduce_sum3A_1269 = vector.multi_reduction <add>, %mul3A_1267, %reduce_sum3A_1268 [0] : vector<28x168xf32> to vector<168xf32>
    %broadcast_in_dim3A_1270 = vector.shape_cast %reduce_sum3A_1269 : vector<168xf32> to vector<1x168xf32>
    %slice3A_1271 = vector.extract_strided_slice %broadcast_in_dim3A_1270 {offsets = [0, 0], sizes = [1, 6], strides = [1, 1]} : vector<1x168xf32> to vector<1x6xf32>
    %slice3A_1272 = vector.extract_strided_slice %broadcast_in_dim3A_1270 {offsets = [0, 84], sizes = [1, 6], strides = [1, 1]} : vector<1x168xf32> to vector<1x6xf32>
    %slice3A_1273 = vector.extract_strided_slice %broadcast_in_dim3A_1270 {offsets = [0, 6], sizes = [1, 6], strides = [1, 1]} : vector<1x168xf32> to vector<1x6xf32>
    %add3A_1274 = arith.addf %slice3A_1271, %slice3A_1273 : vector<1x6xf32>
    %slice3A_1275 = vector.extract_strided_slice %broadcast_in_dim3A_1270 {offsets = [0, 90], sizes = [1, 6], strides = [1, 1]} : vector<1x168xf32> to vector<1x6xf32>
    %add3A_1276 = arith.addf %slice3A_1272, %slice3A_1275 : vector<1x6xf32>
    %slice3A_1277 = vector.extract_strided_slice %broadcast_in_dim3A_1270 {offsets = [0, 12], sizes = [1, 6], strides = [1, 1]} : vector<1x168xf32> to vector<1x6xf32>
    %add3A_1278 = arith.addf %add3A_1274, %slice3A_1277 : vector<1x6xf32>
    %slice3A_1279 = vector.extract_strided_slice %broadcast_in_dim3A_1270 {offsets = [0, 96], sizes = [1, 6], strides = [1, 1]} : vector<1x168xf32> to vector<1x6xf32>
    %add3A_1280 = arith.addf %add3A_1276, %slice3A_1279 : vector<1x6xf32>
    %slice3A_1281 = vector.extract_strided_slice %broadcast_in_dim3A_1270 {offsets = [0, 18], sizes = [1, 6], strides = [1, 1]} : vector<1x168xf32> to vector<1x6xf32>
    %add3A_1282 = arith.addf %add3A_1278, %slice3A_1281 : vector<1x6xf32>
    %slice3A_1283 = vector.extract_strided_slice %broadcast_in_dim3A_1270 {offsets = [0, 102], sizes = [1, 6], strides = [1, 1]} : vector<1x168xf32> to vector<1x6xf32>
    %add3A_1284 = arith.addf %add3A_1280, %slice3A_1283 : vector<1x6xf32>
    %slice3A_1285 = vector.extract_strided_slice %broadcast_in_dim3A_1270 {offsets = [0, 24], sizes = [1, 6], strides = [1, 1]} : vector<1x168xf32> to vector<1x6xf32>
    %add3A_1286 = arith.addf %add3A_1282, %slice3A_1285 : vector<1x6xf32>
    %slice3A_1287 = vector.extract_strided_slice %broadcast_in_dim3A_1270 {offsets = [0, 108], sizes = [1, 6], strides = [1, 1]} : vector<1x168xf32> to vector<1x6xf32>
    %add3A_1288 = arith.addf %add3A_1284, %slice3A_1287 : vector<1x6xf32>
    %slice3A_1289 = vector.extract_strided_slice %broadcast_in_dim3A_1270 {offsets = [0, 30], sizes = [1, 6], strides = [1, 1]} : vector<1x168xf32> to vector<1x6xf32>
    %add3A_1290 = arith.addf %add3A_1286, %slice3A_1289 : vector<1x6xf32>
    %slice3A_1291 = vector.extract_strided_slice %broadcast_in_dim3A_1270 {offsets = [0, 114], sizes = [1, 6], strides = [1, 1]} : vector<1x168xf32> to vector<1x6xf32>
    %add3A_1292 = arith.addf %add3A_1288, %slice3A_1291 : vector<1x6xf32>
    %slice3A_1293 = vector.extract_strided_slice %broadcast_in_dim3A_1270 {offsets = [0, 36], sizes = [1, 6], strides = [1, 1]} : vector<1x168xf32> to vector<1x6xf32>
    %add3A_1294 = arith.addf %add3A_1290, %slice3A_1293 : vector<1x6xf32>
    %slice3A_1295 = vector.extract_strided_slice %broadcast_in_dim3A_1270 {offsets = [0, 120], sizes = [1, 6], strides = [1, 1]} : vector<1x168xf32> to vector<1x6xf32>
    %add3A_1296 = arith.addf %add3A_1292, %slice3A_1295 : vector<1x6xf32>
    %slice3A_1297 = vector.extract_strided_slice %broadcast_in_dim3A_1270 {offsets = [0, 42], sizes = [1, 6], strides = [1, 1]} : vector<1x168xf32> to vector<1x6xf32>
    %add3A_1298 = arith.addf %add3A_1294, %slice3A_1297 : vector<1x6xf32>
    %slice3A_1299 = vector.extract_strided_slice %broadcast_in_dim3A_1270 {offsets = [0, 126], sizes = [1, 6], strides = [1, 1]} : vector<1x168xf32> to vector<1x6xf32>
    %add3A_1300 = arith.addf %add3A_1296, %slice3A_1299 : vector<1x6xf32>
    %slice3A_1301 = vector.extract_strided_slice %broadcast_in_dim3A_1270 {offsets = [0, 48], sizes = [1, 6], strides = [1, 1]} : vector<1x168xf32> to vector<1x6xf32>
    %add3A_1302 = arith.addf %add3A_1298, %slice3A_1301 : vector<1x6xf32>
    %slice3A_1303 = vector.extract_strided_slice %broadcast_in_dim3A_1270 {offsets = [0, 132], sizes = [1, 6], strides = [1, 1]} : vector<1x168xf32> to vector<1x6xf32>
    %add3A_1304 = arith.addf %add3A_1300, %slice3A_1303 : vector<1x6xf32>
    %slice3A_1305 = vector.extract_strided_slice %broadcast_in_dim3A_1270 {offsets = [0, 54], sizes = [1, 6], strides = [1, 1]} : vector<1x168xf32> to vector<1x6xf32>
    %add3A_1306 = arith.addf %add3A_1302, %slice3A_1305 : vector<1x6xf32>
    %slice3A_1307 = vector.extract_strided_slice %broadcast_in_dim3A_1270 {offsets = [0, 138], sizes = [1, 6], strides = [1, 1]} : vector<1x168xf32> to vector<1x6xf32>
    %add3A_1308 = arith.addf %add3A_1304, %slice3A_1307 : vector<1x6xf32>
    %slice3A_1309 = vector.extract_strided_slice %broadcast_in_dim3A_1270 {offsets = [0, 60], sizes = [1, 6], strides = [1, 1]} : vector<1x168xf32> to vector<1x6xf32>
    %add3A_1310 = arith.addf %add3A_1306, %slice3A_1309 : vector<1x6xf32>
    %slice3A_1311 = vector.extract_strided_slice %broadcast_in_dim3A_1270 {offsets = [0, 144], sizes = [1, 6], strides = [1, 1]} : vector<1x168xf32> to vector<1x6xf32>
    %add3A_1312 = arith.addf %add3A_1308, %slice3A_1311 : vector<1x6xf32>
    %slice3A_1313 = vector.extract_strided_slice %broadcast_in_dim3A_1270 {offsets = [0, 66], sizes = [1, 6], strides = [1, 1]} : vector<1x168xf32> to vector<1x6xf32>
    %add3A_1314 = arith.addf %add3A_1310, %slice3A_1313 : vector<1x6xf32>
    %slice3A_1315 = vector.extract_strided_slice %broadcast_in_dim3A_1270 {offsets = [0, 150], sizes = [1, 6], strides = [1, 1]} : vector<1x168xf32> to vector<1x6xf32>
    %add3A_1316 = arith.addf %add3A_1312, %slice3A_1315 : vector<1x6xf32>
    %slice3A_1317 = vector.extract_strided_slice %broadcast_in_dim3A_1270 {offsets = [0, 72], sizes = [1, 6], strides = [1, 1]} : vector<1x168xf32> to vector<1x6xf32>
    %add3A_1318 = arith.addf %add3A_1314, %slice3A_1317 : vector<1x6xf32>
    %slice3A_1319 = vector.extract_strided_slice %broadcast_in_dim3A_1270 {offsets = [0, 156], sizes = [1, 6], strides = [1, 1]} : vector<1x168xf32> to vector<1x6xf32>
    %add3A_1320 = arith.addf %add3A_1316, %slice3A_1319 : vector<1x6xf32>
    %slice3A_1321 = vector.extract_strided_slice %broadcast_in_dim3A_1270 {offsets = [0, 78], sizes = [1, 6], strides = [1, 1]} : vector<1x168xf32> to vector<1x6xf32>
    %add3A_1322 = arith.addf %add3A_1318, %slice3A_1321 : vector<1x6xf32>
    %slice3A_1323 = vector.extract_strided_slice %broadcast_in_dim3A_1270 {offsets = [0, 162], sizes = [1, 6], strides = [1, 1]} : vector<1x168xf32> to vector<1x6xf32>
    %add3A_1324 = arith.addf %add3A_1320, %slice3A_1323 : vector<1x6xf32>
    %convert_element_type3A_1325 = arith.extf %mul3A_1262 : vector<14x736xbf16> to vector<14x736xf32>
    %reduce_sum3A_1326 = vector.shape_cast %convert_element_type3A_1325 : vector<14x736xf32> to vector<1x14x736xf32>
    %reduce_sum3A_1327 = arith.constant dense<0.000000e+00> : vector<1xf32>
    %reduce_sum3A_1328 = vector.multi_reduction <add>, %reduce_sum3A_1326, %reduce_sum3A_1327 [1, 2] : vector<1x14x736xf32> to vector<1xf32>
    %reduce_sum3A_1329 = vector.shape_cast %reduce_sum3A_1328 : vector<1xf32> to vector<1x1x1xf32>
    %reduce_sum3A_1330 = vector.extract %reduce_sum3A_1329[0, 0, 0] : f32 from vector<1x1x1xf32>
    %broadcast_in_dim3A_1331 = vector.broadcast %reduce_sum3A_1330 : f32 to vector<1x1xf32>
    %convert_element_type3A_1332 = arith.extf %mul3A_1263 : vector<14x736xbf16> to vector<14x736xf32>
    %reduce_sum3A_1333 = vector.shape_cast %convert_element_type3A_1332 : vector<14x736xf32> to vector<1x14x736xf32>
    %reduce_sum3A_1334 = arith.constant dense<0.000000e+00> : vector<1xf32>
    %reduce_sum3A_1335 = vector.multi_reduction <add>, %reduce_sum3A_1333, %reduce_sum3A_1334 [1, 2] : vector<1x14x736xf32> to vector<1xf32>
    %reduce_sum3A_1336 = vector.shape_cast %reduce_sum3A_1335 : vector<1xf32> to vector<1x1x1xf32>
    %reduce_sum3A_1337 = vector.extract %reduce_sum3A_1336[0, 0, 0] : f32 from vector<1x1x1xf32>
    %broadcast_in_dim3A_1338 = vector.broadcast %reduce_sum3A_1337 : f32 to vector<1x1xf32>
    %concatenate3A_1339 = tpu.concatenate %add3A_1322, %add3A_1324, %broadcast_in_dim3A_1331, %broadcast_in_dim3A_1338 in 1 : vector<1x6xf32>, vector<1x6xf32>, vector<1x1xf32>, vector<1x1xf32> -> vector<1x14xf32>
    %dot_general3A_1340 = arith.constant dense<0.000000e+00> : vector<1x3xf32>
    %dot_general3A_1341 = tpu.matmul %concatenate3A_1339, %get3A_34, %dot_general3A_1340 {dimension_numbers = #tpu.dot_dimension_numbers<[1], [0], [0], [1], [0, 0, 1, 1], [], []>, transpose_lhs_hint = false} : vector<1x14xf32>, vector<14x3xf32>, vector<1x3xf32> -> vector<1x3xf32>
    %squeeze3A_1342 = vector.shape_cast %dot_general3A_1341 : vector<1x3xf32> to vector<3xf32>
    %swap3A_1343 = arith.constant 0 : index
    %swap3A_1344 = arith.constant 11 : index
    %swap3A_1345 = arith.constant 0 : index
    %swap3A_1346 = vector.load %arg14[%swap3A_1343, %swap3A_1344, %swap3A_1345] : memref<1x16x3xf32, #tpu.memory_space<vmem>>, vector<1x1x3xf32>
    %swap3A_1347 = vector.shape_cast %swap3A_1346 : vector<1x1x3xf32> to vector<3xf32>
    %swap3A_1348 = vector.shape_cast %squeeze3A_1342 : vector<3xf32> to vector<1x1x3xf32>
    tpu.vector_store %arg14[%swap3A_1343, %swap3A_1344, %swap3A_1345], %swap3A_1348 {strides = array<i32>} : memref<1x16x3xf32, #tpu.memory_space<vmem>>, vector<1x1x3xf32>,
    %slice3A_1349 = vector.extract_strided_slice %concatenate3A {offsets = [12, 0], sizes = [1, 504], strides = [1, 1]} : vector<16x504xf32> to vector<1x504xf32>
    %add3A_1350 = vector.broadcast %slice3A_1349 : vector<1x504xf32> to vector<736x504xf32>
    %add3A_1351 = arith.addf %get3A_16, %add3A_1350 : vector<736x504xf32>
    %tanh3A_1352 = math.tanh %add3A_1351 : vector<736x504xf32>
    %convert_element_type3A_1353 = arith.truncf %tanh3A_1352 : vector<736x504xf32> to vector<736x504xbf16>
    %slice3A_1354 = vector.extract_strided_slice %concatenate3A {offsets = [13, 0], sizes = [1, 504], strides = [1, 1]} : vector<16x504xf32> to vector<1x504xf32>
    %add3A_1355 = vector.broadcast %slice3A_1354 : vector<1x504xf32> to vector<736x504xf32>
    %add3A_1356 = arith.addf %get3A_16, %add3A_1355 : vector<736x504xf32>
    %tanh3A_1357 = math.tanh %add3A_1356 : vector<736x504xf32>
    %convert_element_type3A_1358 = arith.truncf %tanh3A_1357 : vector<736x504xf32> to vector<736x504xbf16>
    %slice3A_1359 = vector.extract_strided_slice %concatenate3A {offsets = [14, 0], sizes = [1, 504], strides = [1, 1]} : vector<16x504xf32> to vector<1x504xf32>
    %add3A_1360 = vector.broadcast %slice3A_1359 : vector<1x504xf32> to vector<736x504xf32>
    %add3A_1361 = arith.addf %get3A_16, %add3A_1360 : vector<736x504xf32>
    %tanh3A_1362 = math.tanh %add3A_1361 : vector<736x504xf32>
    %convert_element_type3A_1363 = arith.truncf %tanh3A_1362 : vector<736x504xf32> to vector<736x504xbf16>
    %slice3A_1364 = vector.extract_strided_slice %concatenate3A {offsets = [15, 0], sizes = [1, 504], strides = [1, 1]} : vector<16x504xf32> to vector<1x504xf32>
    %add3A_1365 = vector.broadcast %slice3A_1364 : vector<1x504xf32> to vector<736x504xf32>
    %add3A_1366 = arith.addf %get3A_16, %add3A_1365 : vector<736x504xf32>
    %tanh3A_1367 = math.tanh %add3A_1366 : vector<736x504xf32>
    %convert_element_type3A_1368 = arith.truncf %tanh3A_1367 : vector<736x504xf32> to vector<736x504xbf16>
    %dot_general3A_1369 = arith.constant dense<0.000000e+00> : vector<736x252xf32>
    %dot_general3A_1370 = tpu.matmul %convert_element_type3A_1353, %get3A_19, %dot_general3A_1369 {dimension_numbers = #tpu.dot_dimension_numbers<[1], [0], [0], [1], [0, 0, 1, 1], [], []>, transpose_lhs_hint = false} : vector<736x504xbf16>, vector<504x252xbf16>, vector<736x252xf32> -> vector<736x252xf32>
    %dot_general3A_1371 = arith.constant dense<0.000000e+00> : vector<736x252xf32>
    %dot_general3A_1372 = tpu.matmul %convert_element_type3A_1358, %get3A_19, %dot_general3A_1371 {dimension_numbers = #tpu.dot_dimension_numbers<[1], [0], [0], [1], [0, 0, 1, 1], [], []>, transpose_lhs_hint = false} : vector<736x504xbf16>, vector<504x252xbf16>, vector<736x252xf32> -> vector<736x252xf32>
    %dot_general3A_1373 = arith.constant dense<0.000000e+00> : vector<736x252xf32>
    %dot_general3A_1374 = tpu.matmul %convert_element_type3A_1363, %get3A_19, %dot_general3A_1373 {dimension_numbers = #tpu.dot_dimension_numbers<[1], [0], [0], [1], [0, 0, 1, 1], [], []>, transpose_lhs_hint = false} : vector<736x504xbf16>, vector<504x252xbf16>, vector<736x252xf32> -> vector<736x252xf32>
    %dot_general3A_1375 = arith.constant dense<0.000000e+00> : vector<736x252xf32>
    %dot_general3A_1376 = tpu.matmul %convert_element_type3A_1368, %get3A_19, %dot_general3A_1375 {dimension_numbers = #tpu.dot_dimension_numbers<[1], [0], [0], [1], [0, 0, 1, 1], [], []>, transpose_lhs_hint = false} : vector<736x504xbf16>, vector<504x252xbf16>, vector<736x252xf32> -> vector<736x252xf32>
    %add3A_1377 = vector.broadcast %get3A_22 : vector<1x252xf32> to vector<736x252xf32>
    %add3A_1378 = arith.addf %dot_general3A_1370, %add3A_1377 : vector<736x252xf32>
    %tanh3A_1379 = math.tanh %add3A_1378 : vector<736x252xf32>
    %convert_element_type3A_1380 = arith.truncf %tanh3A_1379 : vector<736x252xf32> to vector<736x252xbf16>
    %add3A_1381 = vector.broadcast %get3A_22 : vector<1x252xf32> to vector<736x252xf32>
    %add3A_1382 = arith.addf %dot_general3A_1372, %add3A_1381 : vector<736x252xf32>
    %tanh3A_1383 = math.tanh %add3A_1382 : vector<736x252xf32>
    %convert_element_type3A_1384 = arith.truncf %tanh3A_1383 : vector<736x252xf32> to vector<736x252xbf16>
    %add3A_1385 = vector.broadcast %get3A_22 : vector<1x252xf32> to vector<736x252xf32>
    %add3A_1386 = arith.addf %dot_general3A_1374, %add3A_1385 : vector<736x252xf32>
    %tanh3A_1387 = math.tanh %add3A_1386 : vector<736x252xf32>
    %convert_element_type3A_1388 = arith.truncf %tanh3A_1387 : vector<736x252xf32> to vector<736x252xbf16>
    %add3A_1389 = vector.broadcast %get3A_22 : vector<1x252xf32> to vector<736x252xf32>
    %add3A_1390 = arith.addf %dot_general3A_1376, %add3A_1389 : vector<736x252xf32>
    %tanh3A_1391 = math.tanh %add3A_1390 : vector<736x252xf32>
    %convert_element_type3A_1392 = arith.truncf %tanh3A_1391 : vector<736x252xf32> to vector<736x252xbf16>
    %dot_general3A_1393 = arith.constant dense<0.000000e+00> : vector<736x168xf32>
    %dot_general3A_1394 = tpu.matmul %convert_element_type3A_1380, %get3A_25, %dot_general3A_1393 {dimension_numbers = #tpu.dot_dimension_numbers<[1], [0], [0], [1], [0, 0, 1, 1], [], []>, transpose_lhs_hint = false} : vector<736x252xbf16>, vector<252x168xbf16>, vector<736x168xf32> -> vector<736x168xf32>
    %dot_general3A_1395 = arith.constant dense<0.000000e+00> : vector<736x168xf32>
    %dot_general3A_1396 = tpu.matmul %convert_element_type3A_1384, %get3A_25, %dot_general3A_1395 {dimension_numbers = #tpu.dot_dimension_numbers<[1], [0], [0], [1], [0, 0, 1, 1], [], []>, transpose_lhs_hint = false} : vector<736x252xbf16>, vector<252x168xbf16>, vector<736x168xf32> -> vector<736x168xf32>
    %dot_general3A_1397 = arith.constant dense<0.000000e+00> : vector<736x168xf32>
    %dot_general3A_1398 = tpu.matmul %convert_element_type3A_1388, %get3A_25, %dot_general3A_1397 {dimension_numbers = #tpu.dot_dimension_numbers<[1], [0], [0], [1], [0, 0, 1, 1], [], []>, transpose_lhs_hint = false} : vector<736x252xbf16>, vector<252x168xbf16>, vector<736x168xf32> -> vector<736x168xf32>
    %dot_general3A_1399 = arith.constant dense<0.000000e+00> : vector<736x168xf32>
    %dot_general3A_1400 = tpu.matmul %convert_element_type3A_1392, %get3A_25, %dot_general3A_1399 {dimension_numbers = #tpu.dot_dimension_numbers<[1], [0], [0], [1], [0, 0, 1, 1], [], []>, transpose_lhs_hint = false} : vector<736x252xbf16>, vector<252x168xbf16>, vector<736x168xf32> -> vector<736x168xf32>
    %add3A_1401 = vector.broadcast %get3A_28 : vector<1x168xf32> to vector<736x168xf32>
    %add3A_1402 = arith.addf %dot_general3A_1394, %add3A_1401 : vector<736x168xf32>
    %tanh3A_1403 = math.tanh %add3A_1402 : vector<736x168xf32>
    %convert_element_type3A_1404 = arith.truncf %tanh3A_1403 : vector<736x168xf32> to vector<736x168xbf16>
    %add3A_1405 = vector.broadcast %get3A_28 : vector<1x168xf32> to vector<736x168xf32>
    %add3A_1406 = arith.addf %dot_general3A_1396, %add3A_1405 : vector<736x168xf32>
    %tanh3A_1407 = math.tanh %add3A_1406 : vector<736x168xf32>
    %convert_element_type3A_1408 = arith.truncf %tanh3A_1407 : vector<736x168xf32> to vector<736x168xbf16>
    %add3A_1409 = vector.broadcast %get3A_28 : vector<1x168xf32> to vector<736x168xf32>
    %add3A_1410 = arith.addf %dot_general3A_1398, %add3A_1409 : vector<736x168xf32>
    %tanh3A_1411 = math.tanh %add3A_1410 : vector<736x168xf32>
    %convert_element_type3A_1412 = arith.truncf %tanh3A_1411 : vector<736x168xf32> to vector<736x168xbf16>
    %add3A_1413 = vector.broadcast %get3A_28 : vector<1x168xf32> to vector<736x168xf32>
    %add3A_1414 = arith.addf %dot_general3A_1400, %add3A_1413 : vector<736x168xf32>
    %tanh3A_1415 = math.tanh %add3A_1414 : vector<736x168xf32>
    %convert_element_type3A_1416 = arith.truncf %tanh3A_1415 : vector<736x168xf32> to vector<736x168xbf16>
    %get3A_1417 = arith.constant 12 : index
    %get3A_1418 = arith.constant 0 : index
    %get3A_1419 = arith.constant 0 : index
    %get3A_1420 = vector.load %arg1[%get3A_1417, %get3A_1418, %get3A_1419] : memref<16x14x736xbf16, #tpu.memory_space<vmem>>, vector<1x14x736xbf16>
    %get3A_1421 = vector.shape_cast %get3A_1420 : vector<1x14x736xbf16> to vector<14x736xbf16>
    %mul3A_1422 = arith.mulf %get3A_1421, %convert_element_type3A_8 : vector<14x736xbf16>
    %mul3A_1423 = arith.mulf %get3A_1421, %convert_element_type3A_13 : vector<14x736xbf16>
    %concatenate3A_1424 = tpu.concatenate %mul3A_1422, %mul3A_1423 in 0 : vector<14x736xbf16>, vector<14x736xbf16> -> vector<28x736xbf16>
    %dot_general3A_1425 = arith.constant dense<0.000000e+00> : vector<28x168xf32>
    %dot_general3A_1426 = tpu.matmul %concatenate3A_1424, %convert_element_type3A_1404, %dot_general3A_1425 {dimension_numbers = #tpu.dot_dimension_numbers<[1], [0], [0], [1], [0, 0, 1, 1], [], []>, transpose_lhs_hint = false} : vector<28x736xbf16>, vector<736x168xbf16>, vector<28x168xf32> -> vector<28x168xf32>
    %mul3A_1427 = arith.mulf %dot_general3A_1426, %get3A_31 : vector<28x168xf32>
    %reduce_sum3A_1428 = arith.constant dense<0.000000e+00> : vector<168xf32>
    %reduce_sum3A_1429 = vector.multi_reduction <add>, %mul3A_1427, %reduce_sum3A_1428 [0] : vector<28x168xf32> to vector<168xf32>
    %broadcast_in_dim3A_1430 = vector.shape_cast %reduce_sum3A_1429 : vector<168xf32> to vector<1x168xf32>
    %slice3A_1431 = vector.extract_strided_slice %broadcast_in_dim3A_1430 {offsets = [0, 0], sizes = [1, 6], strides = [1, 1]} : vector<1x168xf32> to vector<1x6xf32>
    %slice3A_1432 = vector.extract_strided_slice %broadcast_in_dim3A_1430 {offsets = [0, 84], sizes = [1, 6], strides = [1, 1]} : vector<1x168xf32> to vector<1x6xf32>
    %slice3A_1433 = vector.extract_strided_slice %broadcast_in_dim3A_1430 {offsets = [0, 6], sizes = [1, 6], strides = [1, 1]} : vector<1x168xf32> to vector<1x6xf32>
    %add3A_1434 = arith.addf %slice3A_1431, %slice3A_1433 : vector<1x6xf32>
    %slice3A_1435 = vector.extract_strided_slice %broadcast_in_dim3A_1430 {offsets = [0, 90], sizes = [1, 6], strides = [1, 1]} : vector<1x168xf32> to vector<1x6xf32>
    %add3A_1436 = arith.addf %slice3A_1432, %slice3A_1435 : vector<1x6xf32>
    %slice3A_1437 = vector.extract_strided_slice %broadcast_in_dim3A_1430 {offsets = [0, 12], sizes = [1, 6], strides = [1, 1]} : vector<1x168xf32> to vector<1x6xf32>
    %add3A_1438 = arith.addf %add3A_1434, %slice3A_1437 : vector<1x6xf32>
    %slice3A_1439 = vector.extract_strided_slice %broadcast_in_dim3A_1430 {offsets = [0, 96], sizes = [1, 6], strides = [1, 1]} : vector<1x168xf32> to vector<1x6xf32>
    %add3A_1440 = arith.addf %add3A_1436, %slice3A_1439 : vector<1x6xf32>
    %slice3A_1441 = vector.extract_strided_slice %broadcast_in_dim3A_1430 {offsets = [0, 18], sizes = [1, 6], strides = [1, 1]} : vector<1x168xf32> to vector<1x6xf32>
    %add3A_1442 = arith.addf %add3A_1438, %slice3A_1441 : vector<1x6xf32>
    %slice3A_1443 = vector.extract_strided_slice %broadcast_in_dim3A_1430 {offsets = [0, 102], sizes = [1, 6], strides = [1, 1]} : vector<1x168xf32> to vector<1x6xf32>
    %add3A_1444 = arith.addf %add3A_1440, %slice3A_1443 : vector<1x6xf32>
    %slice3A_1445 = vector.extract_strided_slice %broadcast_in_dim3A_1430 {offsets = [0, 24], sizes = [1, 6], strides = [1, 1]} : vector<1x168xf32> to vector<1x6xf32>
    %add3A_1446 = arith.addf %add3A_1442, %slice3A_1445 : vector<1x6xf32>
    %slice3A_1447 = vector.extract_strided_slice %broadcast_in_dim3A_1430 {offsets = [0, 108], sizes = [1, 6], strides = [1, 1]} : vector<1x168xf32> to vector<1x6xf32>
    %add3A_1448 = arith.addf %add3A_1444, %slice3A_1447 : vector<1x6xf32>
    %slice3A_1449 = vector.extract_strided_slice %broadcast_in_dim3A_1430 {offsets = [0, 30], sizes = [1, 6], strides = [1, 1]} : vector<1x168xf32> to vector<1x6xf32>
    %add3A_1450 = arith.addf %add3A_1446, %slice3A_1449 : vector<1x6xf32>
    %slice3A_1451 = vector.extract_strided_slice %broadcast_in_dim3A_1430 {offsets = [0, 114], sizes = [1, 6], strides = [1, 1]} : vector<1x168xf32> to vector<1x6xf32>
    %add3A_1452 = arith.addf %add3A_1448, %slice3A_1451 : vector<1x6xf32>
    %slice3A_1453 = vector.extract_strided_slice %broadcast_in_dim3A_1430 {offsets = [0, 36], sizes = [1, 6], strides = [1, 1]} : vector<1x168xf32> to vector<1x6xf32>
    %add3A_1454 = arith.addf %add3A_1450, %slice3A_1453 : vector<1x6xf32>
    %slice3A_1455 = vector.extract_strided_slice %broadcast_in_dim3A_1430 {offsets = [0, 120], sizes = [1, 6], strides = [1, 1]} : vector<1x168xf32> to vector<1x6xf32>
    %add3A_1456 = arith.addf %add3A_1452, %slice3A_1455 : vector<1x6xf32>
    %slice3A_1457 = vector.extract_strided_slice %broadcast_in_dim3A_1430 {offsets = [0, 42], sizes = [1, 6], strides = [1, 1]} : vector<1x168xf32> to vector<1x6xf32>
    %add3A_1458 = arith.addf %add3A_1454, %slice3A_1457 : vector<1x6xf32>
    %slice3A_1459 = vector.extract_strided_slice %broadcast_in_dim3A_1430 {offsets = [0, 126], sizes = [1, 6], strides = [1, 1]} : vector<1x168xf32> to vector<1x6xf32>
    %add3A_1460 = arith.addf %add3A_1456, %slice3A_1459 : vector<1x6xf32>
    %slice3A_1461 = vector.extract_strided_slice %broadcast_in_dim3A_1430 {offsets = [0, 48], sizes = [1, 6], strides = [1, 1]} : vector<1x168xf32> to vector<1x6xf32>
    %add3A_1462 = arith.addf %add3A_1458, %slice3A_1461 : vector<1x6xf32>
    %slice3A_1463 = vector.extract_strided_slice %broadcast_in_dim3A_1430 {offsets = [0, 132], sizes = [1, 6], strides = [1, 1]} : vector<1x168xf32> to vector<1x6xf32>
    %add3A_1464 = arith.addf %add3A_1460, %slice3A_1463 : vector<1x6xf32>
    %slice3A_1465 = vector.extract_strided_slice %broadcast_in_dim3A_1430 {offsets = [0, 54], sizes = [1, 6], strides = [1, 1]} : vector<1x168xf32> to vector<1x6xf32>
    %add3A_1466 = arith.addf %add3A_1462, %slice3A_1465 : vector<1x6xf32>
    %slice3A_1467 = vector.extract_strided_slice %broadcast_in_dim3A_1430 {offsets = [0, 138], sizes = [1, 6], strides = [1, 1]} : vector<1x168xf32> to vector<1x6xf32>
    %add3A_1468 = arith.addf %add3A_1464, %slice3A_1467 : vector<1x6xf32>
    %slice3A_1469 = vector.extract_strided_slice %broadcast_in_dim3A_1430 {offsets = [0, 60], sizes = [1, 6], strides = [1, 1]} : vector<1x168xf32> to vector<1x6xf32>
    %add3A_1470 = arith.addf %add3A_1466, %slice3A_1469 : vector<1x6xf32>
    %slice3A_1471 = vector.extract_strided_slice %broadcast_in_dim3A_1430 {offsets = [0, 144], sizes = [1, 6], strides = [1, 1]} : vector<1x168xf32> to vector<1x6xf32>
    %add3A_1472 = arith.addf %add3A_1468, %slice3A_1471 : vector<1x6xf32>
    %slice3A_1473 = vector.extract_strided_slice %broadcast_in_dim3A_1430 {offsets = [0, 66], sizes = [1, 6], strides = [1, 1]} : vector<1x168xf32> to vector<1x6xf32>
    %add3A_1474 = arith.addf %add3A_1470, %slice3A_1473 : vector<1x6xf32>
    %slice3A_1475 = vector.extract_strided_slice %broadcast_in_dim3A_1430 {offsets = [0, 150], sizes = [1, 6], strides = [1, 1]} : vector<1x168xf32> to vector<1x6xf32>
    %add3A_1476 = arith.addf %add3A_1472, %slice3A_1475 : vector<1x6xf32>
    %slice3A_1477 = vector.extract_strided_slice %broadcast_in_dim3A_1430 {offsets = [0, 72], sizes = [1, 6], strides = [1, 1]} : vector<1x168xf32> to vector<1x6xf32>
    %add3A_1478 = arith.addf %add3A_1474, %slice3A_1477 : vector<1x6xf32>
    %slice3A_1479 = vector.extract_strided_slice %broadcast_in_dim3A_1430 {offsets = [0, 156], sizes = [1, 6], strides = [1, 1]} : vector<1x168xf32> to vector<1x6xf32>
    %add3A_1480 = arith.addf %add3A_1476, %slice3A_1479 : vector<1x6xf32>
    %slice3A_1481 = vector.extract_strided_slice %broadcast_in_dim3A_1430 {offsets = [0, 78], sizes = [1, 6], strides = [1, 1]} : vector<1x168xf32> to vector<1x6xf32>
    %add3A_1482 = arith.addf %add3A_1478, %slice3A_1481 : vector<1x6xf32>
    %slice3A_1483 = vector.extract_strided_slice %broadcast_in_dim3A_1430 {offsets = [0, 162], sizes = [1, 6], strides = [1, 1]} : vector<1x168xf32> to vector<1x6xf32>
    %add3A_1484 = arith.addf %add3A_1480, %slice3A_1483 : vector<1x6xf32>
    %convert_element_type3A_1485 = arith.extf %mul3A_1422 : vector<14x736xbf16> to vector<14x736xf32>
    %reduce_sum3A_1486 = vector.shape_cast %convert_element_type3A_1485 : vector<14x736xf32> to vector<1x14x736xf32>
    %reduce_sum3A_1487 = arith.constant dense<0.000000e+00> : vector<1xf32>
    %reduce_sum3A_1488 = vector.multi_reduction <add>, %reduce_sum3A_1486, %reduce_sum3A_1487 [1, 2] : vector<1x14x736xf32> to vector<1xf32>
    %reduce_sum3A_1489 = vector.shape_cast %reduce_sum3A_1488 : vector<1xf32> to vector<1x1x1xf32>
    %reduce_sum3A_1490 = vector.extract %reduce_sum3A_1489[0, 0, 0] : f32 from vector<1x1x1xf32>
    %broadcast_in_dim3A_1491 = vector.broadcast %reduce_sum3A_1490 : f32 to vector<1x1xf32>
    %convert_element_type3A_1492 = arith.extf %mul3A_1423 : vector<14x736xbf16> to vector<14x736xf32>
    %reduce_sum3A_1493 = vector.shape_cast %convert_element_type3A_1492 : vector<14x736xf32> to vector<1x14x736xf32>
    %reduce_sum3A_1494 = arith.constant dense<0.000000e+00> : vector<1xf32>
    %reduce_sum3A_1495 = vector.multi_reduction <add>, %reduce_sum3A_1493, %reduce_sum3A_1494 [1, 2] : vector<1x14x736xf32> to vector<1xf32>
    %reduce_sum3A_1496 = vector.shape_cast %reduce_sum3A_1495 : vector<1xf32> to vector<1x1x1xf32>
    %reduce_sum3A_1497 = vector.extract %reduce_sum3A_1496[0, 0, 0] : f32 from vector<1x1x1xf32>
    %broadcast_in_dim3A_1498 = vector.broadcast %reduce_sum3A_1497 : f32 to vector<1x1xf32>
    %concatenate3A_1499 = tpu.concatenate %add3A_1482, %add3A_1484, %broadcast_in_dim3A_1491, %broadcast_in_dim3A_1498 in 1 : vector<1x6xf32>, vector<1x6xf32>, vector<1x1xf32>, vector<1x1xf32> -> vector<1x14xf32>
    %dot_general3A_1500 = arith.constant dense<0.000000e+00> : vector<1x3xf32>
    %dot_general3A_1501 = tpu.matmul %concatenate3A_1499, %get3A_34, %dot_general3A_1500 {dimension_numbers = #tpu.dot_dimension_numbers<[1], [0], [0], [1], [0, 0, 1, 1], [], []>, transpose_lhs_hint = false} : vector<1x14xf32>, vector<14x3xf32>, vector<1x3xf32> -> vector<1x3xf32>
    %squeeze3A_1502 = vector.shape_cast %dot_general3A_1501 : vector<1x3xf32> to vector<3xf32>
    %swap3A_1503 = arith.constant 0 : index
    %swap3A_1504 = arith.constant 12 : index
    %swap3A_1505 = arith.constant 0 : index
    %swap3A_1506 = vector.load %arg14[%swap3A_1503, %swap3A_1504, %swap3A_1505] : memref<1x16x3xf32, #tpu.memory_space<vmem>>, vector<1x1x3xf32>
    %swap3A_1507 = vector.shape_cast %swap3A_1506 : vector<1x1x3xf32> to vector<3xf32>
    %swap3A_1508 = vector.shape_cast %squeeze3A_1502 : vector<3xf32> to vector<1x1x3xf32>
    tpu.vector_store %arg14[%swap3A_1503, %swap3A_1504, %swap3A_1505], %swap3A_1508 {strides = array<i32>} : memref<1x16x3xf32, #tpu.memory_space<vmem>>, vector<1x1x3xf32>,
    %get3A_1509 = arith.constant 13 : index
    %get3A_1510 = arith.constant 0 : index
    %get3A_1511 = arith.constant 0 : index
    %get3A_1512 = vector.load %arg1[%get3A_1509, %get3A_1510, %get3A_1511] : memref<16x14x736xbf16, #tpu.memory_space<vmem>>, vector<1x14x736xbf16>
    %get3A_1513 = vector.shape_cast %get3A_1512 : vector<1x14x736xbf16> to vector<14x736xbf16>
    %mul3A_1514 = arith.mulf %get3A_1513, %convert_element_type3A_8 : vector<14x736xbf16>
    %mul3A_1515 = arith.mulf %get3A_1513, %convert_element_type3A_13 : vector<14x736xbf16>
    %concatenate3A_1516 = tpu.concatenate %mul3A_1514, %mul3A_1515 in 0 : vector<14x736xbf16>, vector<14x736xbf16> -> vector<28x736xbf16>
    %dot_general3A_1517 = arith.constant dense<0.000000e+00> : vector<28x168xf32>
    %dot_general3A_1518 = tpu.matmul %concatenate3A_1516, %convert_element_type3A_1408, %dot_general3A_1517 {dimension_numbers = #tpu.dot_dimension_numbers<[1], [0], [0], [1], [0, 0, 1, 1], [], []>, transpose_lhs_hint = false} : vector<28x736xbf16>, vector<736x168xbf16>, vector<28x168xf32> -> vector<28x168xf32>
    %mul3A_1519 = arith.mulf %dot_general3A_1518, %get3A_31 : vector<28x168xf32>
    %reduce_sum3A_1520 = arith.constant dense<0.000000e+00> : vector<168xf32>
    %reduce_sum3A_1521 = vector.multi_reduction <add>, %mul3A_1519, %reduce_sum3A_1520 [0] : vector<28x168xf32> to vector<168xf32>
    %broadcast_in_dim3A_1522 = vector.shape_cast %reduce_sum3A_1521 : vector<168xf32> to vector<1x168xf32>
    %slice3A_1523 = vector.extract_strided_slice %broadcast_in_dim3A_1522 {offsets = [0, 0], sizes = [1, 6], strides = [1, 1]} : vector<1x168xf32> to vector<1x6xf32>
    %slice3A_1524 = vector.extract_strided_slice %broadcast_in_dim3A_1522 {offsets = [0, 84], sizes = [1, 6], strides = [1, 1]} : vector<1x168xf32> to vector<1x6xf32>
    %slice3A_1525 = vector.extract_strided_slice %broadcast_in_dim3A_1522 {offsets = [0, 6], sizes = [1, 6], strides = [1, 1]} : vector<1x168xf32> to vector<1x6xf32>
    %add3A_1526 = arith.addf %slice3A_1523, %slice3A_1525 : vector<1x6xf32>
    %slice3A_1527 = vector.extract_strided_slice %broadcast_in_dim3A_1522 {offsets = [0, 90], sizes = [1, 6], strides = [1, 1]} : vector<1x168xf32> to vector<1x6xf32>
    %add3A_1528 = arith.addf %slice3A_1524, %slice3A_1527 : vector<1x6xf32>
    %slice3A_1529 = vector.extract_strided_slice %broadcast_in_dim3A_1522 {offsets = [0, 12], sizes = [1, 6], strides = [1, 1]} : vector<1x168xf32> to vector<1x6xf32>
    %add3A_1530 = arith.addf %add3A_1526, %slice3A_1529 : vector<1x6xf32>
    %slice3A_1531 = vector.extract_strided_slice %broadcast_in_dim3A_1522 {offsets = [0, 96], sizes = [1, 6], strides = [1, 1]} : vector<1x168xf32> to vector<1x6xf32>
    %add3A_1532 = arith.addf %add3A_1528, %slice3A_1531 : vector<1x6xf32>
    %slice3A_1533 = vector.extract_strided_slice %broadcast_in_dim3A_1522 {offsets = [0, 18], sizes = [1, 6], strides = [1, 1]} : vector<1x168xf32> to vector<1x6xf32>
    %add3A_1534 = arith.addf %add3A_1530, %slice3A_1533 : vector<1x6xf32>
    %slice3A_1535 = vector.extract_strided_slice %broadcast_in_dim3A_1522 {offsets = [0, 102], sizes = [1, 6], strides = [1, 1]} : vector<1x168xf32> to vector<1x6xf32>
    %add3A_1536 = arith.addf %add3A_1532, %slice3A_1535 : vector<1x6xf32>
    %slice3A_1537 = vector.extract_strided_slice %broadcast_in_dim3A_1522 {offsets = [0, 24], sizes = [1, 6], strides = [1, 1]} : vector<1x168xf32> to vector<1x6xf32>
    %add3A_1538 = arith.addf %add3A_1534, %slice3A_1537 : vector<1x6xf32>
    %slice3A_1539 = vector.extract_strided_slice %broadcast_in_dim3A_1522 {offsets = [0, 108], sizes = [1, 6], strides = [1, 1]} : vector<1x168xf32> to vector<1x6xf32>
    %add3A_1540 = arith.addf %add3A_1536, %slice3A_1539 : vector<1x6xf32>
    %slice3A_1541 = vector.extract_strided_slice %broadcast_in_dim3A_1522 {offsets = [0, 30], sizes = [1, 6], strides = [1, 1]} : vector<1x168xf32> to vector<1x6xf32>
    %add3A_1542 = arith.addf %add3A_1538, %slice3A_1541 : vector<1x6xf32>
    %slice3A_1543 = vector.extract_strided_slice %broadcast_in_dim3A_1522 {offsets = [0, 114], sizes = [1, 6], strides = [1, 1]} : vector<1x168xf32> to vector<1x6xf32>
    %add3A_1544 = arith.addf %add3A_1540, %slice3A_1543 : vector<1x6xf32>
    %slice3A_1545 = vector.extract_strided_slice %broadcast_in_dim3A_1522 {offsets = [0, 36], sizes = [1, 6], strides = [1, 1]} : vector<1x168xf32> to vector<1x6xf32>
    %add3A_1546 = arith.addf %add3A_1542, %slice3A_1545 : vector<1x6xf32>
    %slice3A_1547 = vector.extract_strided_slice %broadcast_in_dim3A_1522 {offsets = [0, 120], sizes = [1, 6], strides = [1, 1]} : vector<1x168xf32> to vector<1x6xf32>
    %add3A_1548 = arith.addf %add3A_1544, %slice3A_1547 : vector<1x6xf32>
    %slice3A_1549 = vector.extract_strided_slice %broadcast_in_dim3A_1522 {offsets = [0, 42], sizes = [1, 6], strides = [1, 1]} : vector<1x168xf32> to vector<1x6xf32>
    %add3A_1550 = arith.addf %add3A_1546, %slice3A_1549 : vector<1x6xf32>
    %slice3A_1551 = vector.extract_strided_slice %broadcast_in_dim3A_1522 {offsets = [0, 126], sizes = [1, 6], strides = [1, 1]} : vector<1x168xf32> to vector<1x6xf32>
    %add3A_1552 = arith.addf %add3A_1548, %slice3A_1551 : vector<1x6xf32>
    %slice3A_1553 = vector.extract_strided_slice %broadcast_in_dim3A_1522 {offsets = [0, 48], sizes = [1, 6], strides = [1, 1]} : vector<1x168xf32> to vector<1x6xf32>
    %add3A_1554 = arith.addf %add3A_1550, %slice3A_1553 : vector<1x6xf32>
    %slice3A_1555 = vector.extract_strided_slice %broadcast_in_dim3A_1522 {offsets = [0, 132], sizes = [1, 6], strides = [1, 1]} : vector<1x168xf32> to vector<1x6xf32>
    %add3A_1556 = arith.addf %add3A_1552, %slice3A_1555 : vector<1x6xf32>
    %slice3A_1557 = vector.extract_strided_slice %broadcast_in_dim3A_1522 {offsets = [0, 54], sizes = [1, 6], strides = [1, 1]} : vector<1x168xf32> to vector<1x6xf32>
    %add3A_1558 = arith.addf %add3A_1554, %slice3A_1557 : vector<1x6xf32>
    %slice3A_1559 = vector.extract_strided_slice %broadcast_in_dim3A_1522 {offsets = [0, 138], sizes = [1, 6], strides = [1, 1]} : vector<1x168xf32> to vector<1x6xf32>
    %add3A_1560 = arith.addf %add3A_1556, %slice3A_1559 : vector<1x6xf32>
    %slice3A_1561 = vector.extract_strided_slice %broadcast_in_dim3A_1522 {offsets = [0, 60], sizes = [1, 6], strides = [1, 1]} : vector<1x168xf32> to vector<1x6xf32>
    %add3A_1562 = arith.addf %add3A_1558, %slice3A_1561 : vector<1x6xf32>
    %slice3A_1563 = vector.extract_strided_slice %broadcast_in_dim3A_1522 {offsets = [0, 144], sizes = [1, 6], strides = [1, 1]} : vector<1x168xf32> to vector<1x6xf32>
    %add3A_1564 = arith.addf %add3A_1560, %slice3A_1563 : vector<1x6xf32>
    %slice3A_1565 = vector.extract_strided_slice %broadcast_in_dim3A_1522 {offsets = [0, 66], sizes = [1, 6], strides = [1, 1]} : vector<1x168xf32> to vector<1x6xf32>
    %add3A_1566 = arith.addf %add3A_1562, %slice3A_1565 : vector<1x6xf32>
    %slice3A_1567 = vector.extract_strided_slice %broadcast_in_dim3A_1522 {offsets = [0, 150], sizes = [1, 6], strides = [1, 1]} : vector<1x168xf32> to vector<1x6xf32>
    %add3A_1568 = arith.addf %add3A_1564, %slice3A_1567 : vector<1x6xf32>
    %slice3A_1569 = vector.extract_strided_slice %broadcast_in_dim3A_1522 {offsets = [0, 72], sizes = [1, 6], strides = [1, 1]} : vector<1x168xf32> to vector<1x6xf32>
    %add3A_1570 = arith.addf %add3A_1566, %slice3A_1569 : vector<1x6xf32>
    %slice3A_1571 = vector.extract_strided_slice %broadcast_in_dim3A_1522 {offsets = [0, 156], sizes = [1, 6], strides = [1, 1]} : vector<1x168xf32> to vector<1x6xf32>
    %add3A_1572 = arith.addf %add3A_1568, %slice3A_1571 : vector<1x6xf32>
    %slice3A_1573 = vector.extract_strided_slice %broadcast_in_dim3A_1522 {offsets = [0, 78], sizes = [1, 6], strides = [1, 1]} : vector<1x168xf32> to vector<1x6xf32>
    %add3A_1574 = arith.addf %add3A_1570, %slice3A_1573 : vector<1x6xf32>
    %slice3A_1575 = vector.extract_strided_slice %broadcast_in_dim3A_1522 {offsets = [0, 162], sizes = [1, 6], strides = [1, 1]} : vector<1x168xf32> to vector<1x6xf32>
    %add3A_1576 = arith.addf %add3A_1572, %slice3A_1575 : vector<1x6xf32>
    %convert_element_type3A_1577 = arith.extf %mul3A_1514 : vector<14x736xbf16> to vector<14x736xf32>
    %reduce_sum3A_1578 = vector.shape_cast %convert_element_type3A_1577 : vector<14x736xf32> to vector<1x14x736xf32>
    %reduce_sum3A_1579 = arith.constant dense<0.000000e+00> : vector<1xf32>
    %reduce_sum3A_1580 = vector.multi_reduction <add>, %reduce_sum3A_1578, %reduce_sum3A_1579 [1, 2] : vector<1x14x736xf32> to vector<1xf32>
    %reduce_sum3A_1581 = vector.shape_cast %reduce_sum3A_1580 : vector<1xf32> to vector<1x1x1xf32>
    %reduce_sum3A_1582 = vector.extract %reduce_sum3A_1581[0, 0, 0] : f32 from vector<1x1x1xf32>
    %broadcast_in_dim3A_1583 = vector.broadcast %reduce_sum3A_1582 : f32 to vector<1x1xf32>
    %convert_element_type3A_1584 = arith.extf %mul3A_1515 : vector<14x736xbf16> to vector<14x736xf32>
    %reduce_sum3A_1585 = vector.shape_cast %convert_element_type3A_1584 : vector<14x736xf32> to vector<1x14x736xf32>
    %reduce_sum3A_1586 = arith.constant dense<0.000000e+00> : vector<1xf32>
    %reduce_sum3A_1587 = vector.multi_reduction <add>, %reduce_sum3A_1585, %reduce_sum3A_1586 [1, 2] : vector<1x14x736xf32> to vector<1xf32>
    %reduce_sum3A_1588 = vector.shape_cast %reduce_sum3A_1587 : vector<1xf32> to vector<1x1x1xf32>
    %reduce_sum3A_1589 = vector.extract %reduce_sum3A_1588[0, 0, 0] : f32 from vector<1x1x1xf32>
    %broadcast_in_dim3A_1590 = vector.broadcast %reduce_sum3A_1589 : f32 to vector<1x1xf32>
    %concatenate3A_1591 = tpu.concatenate %add3A_1574, %add3A_1576, %broadcast_in_dim3A_1583, %broadcast_in_dim3A_1590 in 1 : vector<1x6xf32>, vector<1x6xf32>, vector<1x1xf32>, vector<1x1xf32> -> vector<1x14xf32>
    %dot_general3A_1592 = arith.constant dense<0.000000e+00> : vector<1x3xf32>
    %dot_general3A_1593 = tpu.matmul %concatenate3A_1591, %get3A_34, %dot_general3A_1592 {dimension_numbers = #tpu.dot_dimension_numbers<[1], [0], [0], [1], [0, 0, 1, 1], [], []>, transpose_lhs_hint = false} : vector<1x14xf32>, vector<14x3xf32>, vector<1x3xf32> -> vector<1x3xf32>
    %squeeze3A_1594 = vector.shape_cast %dot_general3A_1593 : vector<1x3xf32> to vector<3xf32>
    %swap3A_1595 = arith.constant 0 : index
    %swap3A_1596 = arith.constant 13 : index
    %swap3A_1597 = arith.constant 0 : index
    %swap3A_1598 = vector.load %arg14[%swap3A_1595, %swap3A_1596, %swap3A_1597] : memref<1x16x3xf32, #tpu.memory_space<vmem>>, vector<1x1x3xf32>
    %swap3A_1599 = vector.shape_cast %swap3A_1598 : vector<1x1x3xf32> to vector<3xf32>
    %swap3A_1600 = vector.shape_cast %squeeze3A_1594 : vector<3xf32> to vector<1x1x3xf32>
    tpu.vector_store %arg14[%swap3A_1595, %swap3A_1596, %swap3A_1597], %swap3A_1600 {strides = array<i32>} : memref<1x16x3xf32, #tpu.memory_space<vmem>>, vector<1x1x3xf32>,
    %get3A_1601 = arith.constant 14 : index
    %get3A_1602 = arith.constant 0 : index
    %get3A_1603 = arith.constant 0 : index
    %get3A_1604 = vector.load %arg1[%get3A_1601, %get3A_1602, %get3A_1603] : memref<16x14x736xbf16, #tpu.memory_space<vmem>>, vector<1x14x736xbf16>
    %get3A_1605 = vector.shape_cast %get3A_1604 : vector<1x14x736xbf16> to vector<14x736xbf16>
    %mul3A_1606 = arith.mulf %get3A_1605, %convert_element_type3A_8 : vector<14x736xbf16>
    %mul3A_1607 = arith.mulf %get3A_1605, %convert_element_type3A_13 : vector<14x736xbf16>
    %concatenate3A_1608 = tpu.concatenate %mul3A_1606, %mul3A_1607 in 0 : vector<14x736xbf16>, vector<14x736xbf16> -> vector<28x736xbf16>
    %dot_general3A_1609 = arith.constant dense<0.000000e+00> : vector<28x168xf32>
    %dot_general3A_1610 = tpu.matmul %concatenate3A_1608, %convert_element_type3A_1412, %dot_general3A_1609 {dimension_numbers = #tpu.dot_dimension_numbers<[1], [0], [0], [1], [0, 0, 1, 1], [], []>, transpose_lhs_hint = false} : vector<28x736xbf16>, vector<736x168xbf16>, vector<28x168xf32> -> vector<28x168xf32>
    %mul3A_1611 = arith.mulf %dot_general3A_1610, %get3A_31 : vector<28x168xf32>
    %reduce_sum3A_1612 = arith.constant dense<0.000000e+00> : vector<168xf32>
    %reduce_sum3A_1613 = vector.multi_reduction <add>, %mul3A_1611, %reduce_sum3A_1612 [0] : vector<28x168xf32> to vector<168xf32>
    %broadcast_in_dim3A_1614 = vector.shape_cast %reduce_sum3A_1613 : vector<168xf32> to vector<1x168xf32>
    %slice3A_1615 = vector.extract_strided_slice %broadcast_in_dim3A_1614 {offsets = [0, 0], sizes = [1, 6], strides = [1, 1]} : vector<1x168xf32> to vector<1x6xf32>
    %slice3A_1616 = vector.extract_strided_slice %broadcast_in_dim3A_1614 {offsets = [0, 84], sizes = [1, 6], strides = [1, 1]} : vector<1x168xf32> to vector<1x6xf32>
    %slice3A_1617 = vector.extract_strided_slice %broadcast_in_dim3A_1614 {offsets = [0, 6], sizes = [1, 6], strides = [1, 1]} : vector<1x168xf32> to vector<1x6xf32>
    %add3A_1618 = arith.addf %slice3A_1615, %slice3A_1617 : vector<1x6xf32>
    %slice3A_1619 = vector.extract_strided_slice %broadcast_in_dim3A_1614 {offsets = [0, 90], sizes = [1, 6], strides = [1, 1]} : vector<1x168xf32> to vector<1x6xf32>
    %add3A_1620 = arith.addf %slice3A_1616, %slice3A_1619 : vector<1x6xf32>
    %slice3A_1621 = vector.extract_strided_slice %broadcast_in_dim3A_1614 {offsets = [0, 12], sizes = [1, 6], strides = [1, 1]} : vector<1x168xf32> to vector<1x6xf32>
    %add3A_1622 = arith.addf %add3A_1618, %slice3A_1621 : vector<1x6xf32>
    %slice3A_1623 = vector.extract_strided_slice %broadcast_in_dim3A_1614 {offsets = [0, 96], sizes = [1, 6], strides = [1, 1]} : vector<1x168xf32> to vector<1x6xf32>
    %add3A_1624 = arith.addf %add3A_1620, %slice3A_1623 : vector<1x6xf32>
    %slice3A_1625 = vector.extract_strided_slice %broadcast_in_dim3A_1614 {offsets = [0, 18], sizes = [1, 6], strides = [1, 1]} : vector<1x168xf32> to vector<1x6xf32>
    %add3A_1626 = arith.addf %add3A_1622, %slice3A_1625 : vector<1x6xf32>
    %slice3A_1627 = vector.extract_strided_slice %broadcast_in_dim3A_1614 {offsets = [0, 102], sizes = [1, 6], strides = [1, 1]} : vector<1x168xf32> to vector<1x6xf32>
    %add3A_1628 = arith.addf %add3A_1624, %slice3A_1627 : vector<1x6xf32>
    %slice3A_1629 = vector.extract_strided_slice %broadcast_in_dim3A_1614 {offsets = [0, 24], sizes = [1, 6], strides = [1, 1]} : vector<1x168xf32> to vector<1x6xf32>
    %add3A_1630 = arith.addf %add3A_1626, %slice3A_1629 : vector<1x6xf32>
    %slice3A_1631 = vector.extract_strided_slice %broadcast_in_dim3A_1614 {offsets = [0, 108], sizes = [1, 6], strides = [1, 1]} : vector<1x168xf32> to vector<1x6xf32>
    %add3A_1632 = arith.addf %add3A_1628, %slice3A_1631 : vector<1x6xf32>
    %slice3A_1633 = vector.extract_strided_slice %broadcast_in_dim3A_1614 {offsets = [0, 30], sizes = [1, 6], strides = [1, 1]} : vector<1x168xf32> to vector<1x6xf32>
    %add3A_1634 = arith.addf %add3A_1630, %slice3A_1633 : vector<1x6xf32>
    %slice3A_1635 = vector.extract_strided_slice %broadcast_in_dim3A_1614 {offsets = [0, 114], sizes = [1, 6], strides = [1, 1]} : vector<1x168xf32> to vector<1x6xf32>
    %add3A_1636 = arith.addf %add3A_1632, %slice3A_1635 : vector<1x6xf32>
    %slice3A_1637 = vector.extract_strided_slice %broadcast_in_dim3A_1614 {offsets = [0, 36], sizes = [1, 6], strides = [1, 1]} : vector<1x168xf32> to vector<1x6xf32>
    %add3A_1638 = arith.addf %add3A_1634, %slice3A_1637 : vector<1x6xf32>
    %slice3A_1639 = vector.extract_strided_slice %broadcast_in_dim3A_1614 {offsets = [0, 120], sizes = [1, 6], strides = [1, 1]} : vector<1x168xf32> to vector<1x6xf32>
    %add3A_1640 = arith.addf %add3A_1636, %slice3A_1639 : vector<1x6xf32>
    %slice3A_1641 = vector.extract_strided_slice %broadcast_in_dim3A_1614 {offsets = [0, 42], sizes = [1, 6], strides = [1, 1]} : vector<1x168xf32> to vector<1x6xf32>
    %add3A_1642 = arith.addf %add3A_1638, %slice3A_1641 : vector<1x6xf32>
    %slice3A_1643 = vector.extract_strided_slice %broadcast_in_dim3A_1614 {offsets = [0, 126], sizes = [1, 6], strides = [1, 1]} : vector<1x168xf32> to vector<1x6xf32>
    %add3A_1644 = arith.addf %add3A_1640, %slice3A_1643 : vector<1x6xf32>
    %slice3A_1645 = vector.extract_strided_slice %broadcast_in_dim3A_1614 {offsets = [0, 48], sizes = [1, 6], strides = [1, 1]} : vector<1x168xf32> to vector<1x6xf32>
    %add3A_1646 = arith.addf %add3A_1642, %slice3A_1645 : vector<1x6xf32>
    %slice3A_1647 = vector.extract_strided_slice %broadcast_in_dim3A_1614 {offsets = [0, 132], sizes = [1, 6], strides = [1, 1]} : vector<1x168xf32> to vector<1x6xf32>
    %add3A_1648 = arith.addf %add3A_1644, %slice3A_1647 : vector<1x6xf32>
    %slice3A_1649 = vector.extract_strided_slice %broadcast_in_dim3A_1614 {offsets = [0, 54], sizes = [1, 6], strides = [1, 1]} : vector<1x168xf32> to vector<1x6xf32>
    %add3A_1650 = arith.addf %add3A_1646, %slice3A_1649 : vector<1x6xf32>
    %slice3A_1651 = vector.extract_strided_slice %broadcast_in_dim3A_1614 {offsets = [0, 138], sizes = [1, 6], strides = [1, 1]} : vector<1x168xf32> to vector<1x6xf32>
    %add3A_1652 = arith.addf %add3A_1648, %slice3A_1651 : vector<1x6xf32>
    %slice3A_1653 = vector.extract_strided_slice %broadcast_in_dim3A_1614 {offsets = [0, 60], sizes = [1, 6], strides = [1, 1]} : vector<1x168xf32> to vector<1x6xf32>
    %add3A_1654 = arith.addf %add3A_1650, %slice3A_1653 : vector<1x6xf32>
    %slice3A_1655 = vector.extract_strided_slice %broadcast_in_dim3A_1614 {offsets = [0, 144], sizes = [1, 6], strides = [1, 1]} : vector<1x168xf32> to vector<1x6xf32>
    %add3A_1656 = arith.addf %add3A_1652, %slice3A_1655 : vector<1x6xf32>
    %slice3A_1657 = vector.extract_strided_slice %broadcast_in_dim3A_1614 {offsets = [0, 66], sizes = [1, 6], strides = [1, 1]} : vector<1x168xf32> to vector<1x6xf32>
    %add3A_1658 = arith.addf %add3A_1654, %slice3A_1657 : vector<1x6xf32>
    %slice3A_1659 = vector.extract_strided_slice %broadcast_in_dim3A_1614 {offsets = [0, 150], sizes = [1, 6], strides = [1, 1]} : vector<1x168xf32> to vector<1x6xf32>
    %add3A_1660 = arith.addf %add3A_1656, %slice3A_1659 : vector<1x6xf32>
    %slice3A_1661 = vector.extract_strided_slice %broadcast_in_dim3A_1614 {offsets = [0, 72], sizes = [1, 6], strides = [1, 1]} : vector<1x168xf32> to vector<1x6xf32>
    %add3A_1662 = arith.addf %add3A_1658, %slice3A_1661 : vector<1x6xf32>
    %slice3A_1663 = vector.extract_strided_slice %broadcast_in_dim3A_1614 {offsets = [0, 156], sizes = [1, 6], strides = [1, 1]} : vector<1x168xf32> to vector<1x6xf32>
    %add3A_1664 = arith.addf %add3A_1660, %slice3A_1663 : vector<1x6xf32>
    %slice3A_1665 = vector.extract_strided_slice %broadcast_in_dim3A_1614 {offsets = [0, 78], sizes = [1, 6], strides = [1, 1]} : vector<1x168xf32> to vector<1x6xf32>
    %add3A_1666 = arith.addf %add3A_1662, %slice3A_1665 : vector<1x6xf32>
    %slice3A_1667 = vector.extract_strided_slice %broadcast_in_dim3A_1614 {offsets = [0, 162], sizes = [1, 6], strides = [1, 1]} : vector<1x168xf32> to vector<1x6xf32>
    %add3A_1668 = arith.addf %add3A_1664, %slice3A_1667 : vector<1x6xf32>
    %convert_element_type3A_1669 = arith.extf %mul3A_1606 : vector<14x736xbf16> to vector<14x736xf32>
    %reduce_sum3A_1670 = vector.shape_cast %convert_element_type3A_1669 : vector<14x736xf32> to vector<1x14x736xf32>
    %reduce_sum3A_1671 = arith.constant dense<0.000000e+00> : vector<1xf32>
    %reduce_sum3A_1672 = vector.multi_reduction <add>, %reduce_sum3A_1670, %reduce_sum3A_1671 [1, 2] : vector<1x14x736xf32> to vector<1xf32>
    %reduce_sum3A_1673 = vector.shape_cast %reduce_sum3A_1672 : vector<1xf32> to vector<1x1x1xf32>
    %reduce_sum3A_1674 = vector.extract %reduce_sum3A_1673[0, 0, 0] : f32 from vector<1x1x1xf32>
    %broadcast_in_dim3A_1675 = vector.broadcast %reduce_sum3A_1674 : f32 to vector<1x1xf32>
    %convert_element_type3A_1676 = arith.extf %mul3A_1607 : vector<14x736xbf16> to vector<14x736xf32>
    %reduce_sum3A_1677 = vector.shape_cast %convert_element_type3A_1676 : vector<14x736xf32> to vector<1x14x736xf32>
    %reduce_sum3A_1678 = arith.constant dense<0.000000e+00> : vector<1xf32>
    %reduce_sum3A_1679 = vector.multi_reduction <add>, %reduce_sum3A_1677, %reduce_sum3A_1678 [1, 2] : vector<1x14x736xf32> to vector<1xf32>
    %reduce_sum3A_1680 = vector.shape_cast %reduce_sum3A_1679 : vector<1xf32> to vector<1x1x1xf32>
    %reduce_sum3A_1681 = vector.extract %reduce_sum3A_1680[0, 0, 0] : f32 from vector<1x1x1xf32>
    %broadcast_in_dim3A_1682 = vector.broadcast %reduce_sum3A_1681 : f32 to vector<1x1xf32>
    %concatenate3A_1683 = tpu.concatenate %add3A_1666, %add3A_1668, %broadcast_in_dim3A_1675, %broadcast_in_dim3A_1682 in 1 : vector<1x6xf32>, vector<1x6xf32>, vector<1x1xf32>, vector<1x1xf32> -> vector<1x14xf32>
    %dot_general3A_1684 = arith.constant dense<0.000000e+00> : vector<1x3xf32>
    %dot_general3A_1685 = tpu.matmul %concatenate3A_1683, %get3A_34, %dot_general3A_1684 {dimension_numbers = #tpu.dot_dimension_numbers<[1], [0], [0], [1], [0, 0, 1, 1], [], []>, transpose_lhs_hint = false} : vector<1x14xf32>, vector<14x3xf32>, vector<1x3xf32> -> vector<1x3xf32>
    %squeeze3A_1686 = vector.shape_cast %dot_general3A_1685 : vector<1x3xf32> to vector<3xf32>
    %swap3A_1687 = arith.constant 0 : index
    %swap3A_1688 = arith.constant 14 : index
    %swap3A_1689 = arith.constant 0 : index
    %swap3A_1690 = vector.load %arg14[%swap3A_1687, %swap3A_1688, %swap3A_1689] : memref<1x16x3xf32, #tpu.memory_space<vmem>>, vector<1x1x3xf32>
    %swap3A_1691 = vector.shape_cast %swap3A_1690 : vector<1x1x3xf32> to vector<3xf32>
    %swap3A_1692 = vector.shape_cast %squeeze3A_1686 : vector<3xf32> to vector<1x1x3xf32>
    tpu.vector_store %arg14[%swap3A_1687, %swap3A_1688, %swap3A_1689], %swap3A_1692 {strides = array<i32>} : memref<1x16x3xf32, #tpu.memory_space<vmem>>, vector<1x1x3xf32>,
    %get3A_1693 = arith.constant 15 : index
    %get3A_1694 = arith.constant 0 : index
    %get3A_1695 = arith.constant 0 : index
    %get3A_1696 = vector.load %arg1[%get3A_1693, %get3A_1694, %get3A_1695] : memref<16x14x736xbf16, #tpu.memory_space<vmem>>, vector<1x14x736xbf16>
    %get3A_1697 = vector.shape_cast %get3A_1696 : vector<1x14x736xbf16> to vector<14x736xbf16>
    %mul3A_1698 = arith.mulf %get3A_1697, %convert_element_type3A_8 : vector<14x736xbf16>
    %mul3A_1699 = arith.mulf %get3A_1697, %convert_element_type3A_13 : vector<14x736xbf16>
    %concatenate3A_1700 = tpu.concatenate %mul3A_1698, %mul3A_1699 in 0 : vector<14x736xbf16>, vector<14x736xbf16> -> vector<28x736xbf16>
    %dot_general3A_1701 = arith.constant dense<0.000000e+00> : vector<28x168xf32>
    %dot_general3A_1702 = tpu.matmul %concatenate3A_1700, %convert_element_type3A_1416, %dot_general3A_1701 {dimension_numbers = #tpu.dot_dimension_numbers<[1], [0], [0], [1], [0, 0, 1, 1], [], []>, transpose_lhs_hint = false} : vector<28x736xbf16>, vector<736x168xbf16>, vector<28x168xf32> -> vector<28x168xf32>
    %mul3A_1703 = arith.mulf %dot_general3A_1702, %get3A_31 : vector<28x168xf32>
    %reduce_sum3A_1704 = arith.constant dense<0.000000e+00> : vector<168xf32>
    %reduce_sum3A_1705 = vector.multi_reduction <add>, %mul3A_1703, %reduce_sum3A_1704 [0] : vector<28x168xf32> to vector<168xf32>
    %broadcast_in_dim3A_1706 = vector.shape_cast %reduce_sum3A_1705 : vector<168xf32> to vector<1x168xf32>
    %slice3A_1707 = vector.extract_strided_slice %broadcast_in_dim3A_1706 {offsets = [0, 0], sizes = [1, 6], strides = [1, 1]} : vector<1x168xf32> to vector<1x6xf32>
    %slice3A_1708 = vector.extract_strided_slice %broadcast_in_dim3A_1706 {offsets = [0, 84], sizes = [1, 6], strides = [1, 1]} : vector<1x168xf32> to vector<1x6xf32>
    %slice3A_1709 = vector.extract_strided_slice %broadcast_in_dim3A_1706 {offsets = [0, 6], sizes = [1, 6], strides = [1, 1]} : vector<1x168xf32> to vector<1x6xf32>
    %add3A_1710 = arith.addf %slice3A_1707, %slice3A_1709 : vector<1x6xf32>
    %slice3A_1711 = vector.extract_strided_slice %broadcast_in_dim3A_1706 {offsets = [0, 90], sizes = [1, 6], strides = [1, 1]} : vector<1x168xf32> to vector<1x6xf32>
    %add3A_1712 = arith.addf %slice3A_1708, %slice3A_1711 : vector<1x6xf32>
    %slice3A_1713 = vector.extract_strided_slice %broadcast_in_dim3A_1706 {offsets = [0, 12], sizes = [1, 6], strides = [1, 1]} : vector<1x168xf32> to vector<1x6xf32>
    %add3A_1714 = arith.addf %add3A_1710, %slice3A_1713 : vector<1x6xf32>
    %slice3A_1715 = vector.extract_strided_slice %broadcast_in_dim3A_1706 {offsets = [0, 96], sizes = [1, 6], strides = [1, 1]} : vector<1x168xf32> to vector<1x6xf32>
    %add3A_1716 = arith.addf %add3A_1712, %slice3A_1715 : vector<1x6xf32>
    %slice3A_1717 = vector.extract_strided_slice %broadcast_in_dim3A_1706 {offsets = [0, 18], sizes = [1, 6], strides = [1, 1]} : vector<1x168xf32> to vector<1x6xf32>
    %add3A_1718 = arith.addf %add3A_1714, %slice3A_1717 : vector<1x6xf32>
    %slice3A_1719 = vector.extract_strided_slice %broadcast_in_dim3A_1706 {offsets = [0, 102], sizes = [1, 6], strides = [1, 1]} : vector<1x168xf32> to vector<1x6xf32>
    %add3A_1720 = arith.addf %add3A_1716, %slice3A_1719 : vector<1x6xf32>
    %slice3A_1721 = vector.extract_strided_slice %broadcast_in_dim3A_1706 {offsets = [0, 24], sizes = [1, 6], strides = [1, 1]} : vector<1x168xf32> to vector<1x6xf32>
    %add3A_1722 = arith.addf %add3A_1718, %slice3A_1721 : vector<1x6xf32>
    %slice3A_1723 = vector.extract_strided_slice %broadcast_in_dim3A_1706 {offsets = [0, 108], sizes = [1, 6], strides = [1, 1]} : vector<1x168xf32> to vector<1x6xf32>
    %add3A_1724 = arith.addf %add3A_1720, %slice3A_1723 : vector<1x6xf32>
    %slice3A_1725 = vector.extract_strided_slice %broadcast_in_dim3A_1706 {offsets = [0, 30], sizes = [1, 6], strides = [1, 1]} : vector<1x168xf32> to vector<1x6xf32>
    %add3A_1726 = arith.addf %add3A_1722, %slice3A_1725 : vector<1x6xf32>
    %slice3A_1727 = vector.extract_strided_slice %broadcast_in_dim3A_1706 {offsets = [0, 114], sizes = [1, 6], strides = [1, 1]} : vector<1x168xf32> to vector<1x6xf32>
    %add3A_1728 = arith.addf %add3A_1724, %slice3A_1727 : vector<1x6xf32>
    %slice3A_1729 = vector.extract_strided_slice %broadcast_in_dim3A_1706 {offsets = [0, 36], sizes = [1, 6], strides = [1, 1]} : vector<1x168xf32> to vector<1x6xf32>
    %add3A_1730 = arith.addf %add3A_1726, %slice3A_1729 : vector<1x6xf32>
    %slice3A_1731 = vector.extract_strided_slice %broadcast_in_dim3A_1706 {offsets = [0, 120], sizes = [1, 6], strides = [1, 1]} : vector<1x168xf32> to vector<1x6xf32>
    %add3A_1732 = arith.addf %add3A_1728, %slice3A_1731 : vector<1x6xf32>
    %slice3A_1733 = vector.extract_strided_slice %broadcast_in_dim3A_1706 {offsets = [0, 42], sizes = [1, 6], strides = [1, 1]} : vector<1x168xf32> to vector<1x6xf32>
    %add3A_1734 = arith.addf %add3A_1730, %slice3A_1733 : vector<1x6xf32>
    %slice3A_1735 = vector.extract_strided_slice %broadcast_in_dim3A_1706 {offsets = [0, 126], sizes = [1, 6], strides = [1, 1]} : vector<1x168xf32> to vector<1x6xf32>
    %add3A_1736 = arith.addf %add3A_1732, %slice3A_1735 : vector<1x6xf32>
    %slice3A_1737 = vector.extract_strided_slice %broadcast_in_dim3A_1706 {offsets = [0, 48], sizes = [1, 6], strides = [1, 1]} : vector<1x168xf32> to vector<1x6xf32>
    %add3A_1738 = arith.addf %add3A_1734, %slice3A_1737 : vector<1x6xf32>
    %slice3A_1739 = vector.extract_strided_slice %broadcast_in_dim3A_1706 {offsets = [0, 132], sizes = [1, 6], strides = [1, 1]} : vector<1x168xf32> to vector<1x6xf32>
    %add3A_1740 = arith.addf %add3A_1736, %slice3A_1739 : vector<1x6xf32>
    %slice3A_1741 = vector.extract_strided_slice %broadcast_in_dim3A_1706 {offsets = [0, 54], sizes = [1, 6], strides = [1, 1]} : vector<1x168xf32> to vector<1x6xf32>
    %add3A_1742 = arith.addf %add3A_1738, %slice3A_1741 : vector<1x6xf32>
    %slice3A_1743 = vector.extract_strided_slice %broadcast_in_dim3A_1706 {offsets = [0, 138], sizes = [1, 6], strides = [1, 1]} : vector<1x168xf32> to vector<1x6xf32>
    %add3A_1744 = arith.addf %add3A_1740, %slice3A_1743 : vector<1x6xf32>
    %slice3A_1745 = vector.extract_strided_slice %broadcast_in_dim3A_1706 {offsets = [0, 60], sizes = [1, 6], strides = [1, 1]} : vector<1x168xf32> to vector<1x6xf32>
    %add3A_1746 = arith.addf %add3A_1742, %slice3A_1745 : vector<1x6xf32>
    %slice3A_1747 = vector.extract_strided_slice %broadcast_in_dim3A_1706 {offsets = [0, 144], sizes = [1, 6], strides = [1, 1]} : vector<1x168xf32> to vector<1x6xf32>
    %add3A_1748 = arith.addf %add3A_1744, %slice3A_1747 : vector<1x6xf32>
    %slice3A_1749 = vector.extract_strided_slice %broadcast_in_dim3A_1706 {offsets = [0, 66], sizes = [1, 6], strides = [1, 1]} : vector<1x168xf32> to vector<1x6xf32>
    %add3A_1750 = arith.addf %add3A_1746, %slice3A_1749 : vector<1x6xf32>
    %slice3A_1751 = vector.extract_strided_slice %broadcast_in_dim3A_1706 {offsets = [0, 150], sizes = [1, 6], strides = [1, 1]} : vector<1x168xf32> to vector<1x6xf32>
    %add3A_1752 = arith.addf %add3A_1748, %slice3A_1751 : vector<1x6xf32>
    %slice3A_1753 = vector.extract_strided_slice %broadcast_in_dim3A_1706 {offsets = [0, 72], sizes = [1, 6], strides = [1, 1]} : vector<1x168xf32> to vector<1x6xf32>
    %add3A_1754 = arith.addf %add3A_1750, %slice3A_1753 : vector<1x6xf32>
    %slice3A_1755 = vector.extract_strided_slice %broadcast_in_dim3A_1706 {offsets = [0, 156], sizes = [1, 6], strides = [1, 1]} : vector<1x168xf32> to vector<1x6xf32>
    %add3A_1756 = arith.addf %add3A_1752, %slice3A_1755 : vector<1x6xf32>
    %slice3A_1757 = vector.extract_strided_slice %broadcast_in_dim3A_1706 {offsets = [0, 78], sizes = [1, 6], strides = [1, 1]} : vector<1x168xf32> to vector<1x6xf32>
    %add3A_1758 = arith.addf %add3A_1754, %slice3A_1757 : vector<1x6xf32>
    %slice3A_1759 = vector.extract_strided_slice %broadcast_in_dim3A_1706 {offsets = [0, 162], sizes = [1, 6], strides = [1, 1]} : vector<1x168xf32> to vector<1x6xf32>
    %add3A_1760 = arith.addf %add3A_1756, %slice3A_1759 : vector<1x6xf32>
    %convert_element_type3A_1761 = arith.extf %mul3A_1698 : vector<14x736xbf16> to vector<14x736xf32>
    %reduce_sum3A_1762 = vector.shape_cast %convert_element_type3A_1761 : vector<14x736xf32> to vector<1x14x736xf32>
    %reduce_sum3A_1763 = arith.constant dense<0.000000e+00> : vector<1xf32>
    %reduce_sum3A_1764 = vector.multi_reduction <add>, %reduce_sum3A_1762, %reduce_sum3A_1763 [1, 2] : vector<1x14x736xf32> to vector<1xf32>
    %reduce_sum3A_1765 = vector.shape_cast %reduce_sum3A_1764 : vector<1xf32> to vector<1x1x1xf32>
    %reduce_sum3A_1766 = vector.extract %reduce_sum3A_1765[0, 0, 0] : f32 from vector<1x1x1xf32>
    %broadcast_in_dim3A_1767 = vector.broadcast %reduce_sum3A_1766 : f32 to vector<1x1xf32>
    %convert_element_type3A_1768 = arith.extf %mul3A_1699 : vector<14x736xbf16> to vector<14x736xf32>
    %reduce_sum3A_1769 = vector.shape_cast %convert_element_type3A_1768 : vector<14x736xf32> to vector<1x14x736xf32>
    %reduce_sum3A_1770 = arith.constant dense<0.000000e+00> : vector<1xf32>
    %reduce_sum3A_1771 = vector.multi_reduction <add>, %reduce_sum3A_1769, %reduce_sum3A_1770 [1, 2] : vector<1x14x736xf32> to vector<1xf32>
    %reduce_sum3A_1772 = vector.shape_cast %reduce_sum3A_1771 : vector<1xf32> to vector<1x1x1xf32>
    %reduce_sum3A_1773 = vector.extract %reduce_sum3A_1772[0, 0, 0] : f32 from vector<1x1x1xf32>
    %broadcast_in_dim3A_1774 = vector.broadcast %reduce_sum3A_1773 : f32 to vector<1x1xf32>
    %concatenate3A_1775 = tpu.concatenate %add3A_1758, %add3A_1760, %broadcast_in_dim3A_1767, %broadcast_in_dim3A_1774 in 1 : vector<1x6xf32>, vector<1x6xf32>, vector<1x1xf32>, vector<1x1xf32> -> vector<1x14xf32>
    %dot_general3A_1776 = arith.constant dense<0.000000e+00> : vector<1x3xf32>
    %dot_general3A_1777 = tpu.matmul %concatenate3A_1775, %get3A_34, %dot_general3A_1776 {dimension_numbers = #tpu.dot_dimension_numbers<[1], [0], [0], [1], [0, 0, 1, 1], [], []>, transpose_lhs_hint = false} : vector<1x14xf32>, vector<14x3xf32>, vector<1x3xf32> -> vector<1x3xf32>
    %squeeze3A_1778 = vector.shape_cast %dot_general3A_1777 : vector<1x3xf32> to vector<3xf32>
    %swap3A_1779 = arith.constant 0 : index
    %swap3A_1780 = arith.constant 15 : index
    %swap3A_1781 = arith.constant 0 : index
    %swap3A_1782 = vector.load %arg14[%swap3A_1779, %swap3A_1780, %swap3A_1781] : memref<1x16x3xf32, #tpu.memory_space<vmem>>, vector<1x1x3xf32>
    %swap3A_1783 = vector.shape_cast %swap3A_1782 : vector<1x1x3xf32> to vector<3xf32>
    %swap3A_1784 = vector.shape_cast %squeeze3A_1778 : vector<3xf32> to vector<1x1x3xf32>
    tpu.vector_store %arg14[%swap3A_1779, %swap3A_1780, %swap3A_1781], %swap3A_1784 {strides = array<i32>} : memref<1x16x3xf32, #tpu.memory_space<vmem>>, vector<1x1x3xf32>,
    return
  }
  func.func @transform_0(%arg0: i32) -> (i32, i32, i32) {
    %c0_i32 = arith.constant 0 : i32
    %c0_i32_0 = arith.constant 0 : i32
    %c0_i32_1 = arith.constant 0 : i32
    return %arg0, %c0_i32, %c0_i32_0 : i32, i32, i32
  }
  func.func @transform_1(%arg0: i32) -> (i32, i32, i32) {
    %c0_i32 = arith.constant 0 : i32
    %c0_i32_0 = arith.constant 0 : i32
    %c0_i32_1 = arith.constant 0 : i32
    return %arg0, %c0_i32, %c0_i32_0 : i32, i32, i32
  }
  func.func @transform_2(%arg0: i32) -> (i32, i32) {
    %c0_i32 = arith.constant 0 : i32
    %c0_i32_0 = arith.constant 0 : i32
    %c0_i32_1 = arith.constant 0 : i32
    return %c0_i32, %c0_i32_0 : i32, i32
  }
  func.func @transform_3(%arg0: i32) -> (i32, i32) {
    %c0_i32 = arith.constant 0 : i32
    %c0_i32_0 = arith.constant 0 : i32
    %c0_i32_1 = arith.constant 0 : i32
    return %c0_i32, %c0_i32_0 : i32, i32
  }
  func.func @transform_4(%arg0: i32) -> (i32, i32) {
    %c0_i32 = arith.constant 0 : i32
    %c0_i32_0 = arith.constant 0 : i32
    %c0_i32_1 = arith.constant 0 : i32
    return %c0_i32, %c0_i32_0 : i32, i32
  }
  func.func @transform_5(%arg0: i32) -> (i32, i32) {
    %c0_i32 = arith.constant 0 : i32
    %c0_i32_0 = arith.constant 0 : i32
    %c0_i32_1 = arith.constant 0 : i32
    return %c0_i32, %c0_i32_0 : i32, i32
  }
  func.func @transform_6(%arg0: i32) -> (i32, i32) {
    %c0_i32 = arith.constant 0 : i32
    %c0_i32_0 = arith.constant 0 : i32
    %c0_i32_1 = arith.constant 0 : i32
    return %c0_i32, %c0_i32_0 : i32, i32
  }
  func.func @transform_7(%arg0: i32) -> (i32, i32) {
    %c0_i32 = arith.constant 0 : i32
    %c0_i32_0 = arith.constant 0 : i32
    %c0_i32_1 = arith.constant 0 : i32
    return %c0_i32, %c0_i32_0 : i32, i32
  }
  func.func @transform_8(%arg0: i32) -> (i32, i32) {
    %c0_i32 = arith.constant 0 : i32
    %c0_i32_0 = arith.constant 0 : i32
    %c0_i32_1 = arith.constant 0 : i32
    return %c0_i32, %c0_i32_0 : i32, i32
  }
  func.func @transform_9(%arg0: i32) -> (i32, i32) {
    %c0_i32 = arith.constant 0 : i32
    %c0_i32_0 = arith.constant 0 : i32
    %c0_i32_1 = arith.constant 0 : i32
    return %c0_i32, %c0_i32_0 : i32, i32
  }
  func.func @transform_10(%arg0: i32) -> (i32, i32) {
    %c0_i32 = arith.constant 0 : i32
    %c0_i32_0 = arith.constant 0 : i32
    %c0_i32_1 = arith.constant 0 : i32
    return %c0_i32, %c0_i32_0 : i32, i32
  }
  func.func @transform_11(%arg0: i32) -> (i32, i32) {
    %c0_i32 = arith.constant 0 : i32
    %c0_i32_0 = arith.constant 0 : i32
    %c0_i32_1 = arith.constant 0 : i32
    return %c0_i32, %c0_i32_0 : i32, i32
  }
  func.func @transform_12(%arg0: i32) -> (i32, i32) {
    %c0_i32 = arith.constant 0 : i32
    %c0_i32_0 = arith.constant 0 : i32
    %c0_i32_1 = arith.constant 0 : i32
    return %c0_i32, %c0_i32_0 : i32, i32
  }
  func.func @transform_13(%arg0: i32) -> (i32, i32, i32) {
    %c0_i32 = arith.constant 0 : i32
    %c0_i32_0 = arith.constant 0 : i32
    %c0_i32_1 = arith.constant 0 : i32
    return %arg0, %c0_i32, %c0_i32_0 : i32, i32, i32
  }
}

</mosaic_0001>

<sc_bundles>
// kernel: kernel.4.cloned.1.call-start
scs
__scs_entry_jumppad:
0x0: {  	(pc) =	sbr.rel $0x88, $3  }
0x1: {  	(tag) =	ssettag $0x0;
	lr =	simm.s32 $0x1  }
0x2: {  	[smem:$0x3F8E] =	sst lr;
	_ =	strace $0xD0000000  }
0x3: {  	_ = 	snop  }
0x4: {  	_ = 	snop  }
0x5: {  	_ = 	snop  }
0x6: {  	_ = 	snop  }
0x7: {  	_ = 	snop  }
__scs_overlays_trampoline_lowered:
0x8: {  	[smem:$0x3F9D] =	sst s0  }
0x9: {  	[smem:$0x3F9E] =	sst s1  }
0xa: {  	[smem:$0x3F9F] =	sst s2  }
0xb: {  	[smem:$0x3FA0] =	sst s3  }
0xc: {  	[smem:$0x3FA1] =	sst s4  }
0xd: {  	[smem:$0x3FA2] =	sst s5  }
0xe: {  	[smem:$0x3FA3] =	sst s6  }
0xf: {  	[smem:$0x3FA4] =	sst s7  }
0x10: {  	[smem:$0x3FA5] =	sst s8  }
0x11: {  	[smem:$0x3FA6] =	sst s9;
	s0 =	simm.s32 @!p0 $0x0  }
0x12: {  	s1 =	sld [smem:$0x3F8C];
	s0 =	simm.s32 @p0 $0x1  }
0x13: {  	[smem:$0x3FA7] =	sst s0;
	s0 =	simm.s32 @!p1 $0x0  }
0x14: {  	s2 =	sld [smem:$0x3F8B];
	s0 =	simm.s32 @p1 $0x1  }
0x15: {  	[smem:$0x3FA8] =	sst s0;
	s0 =	simm.s32 @!p2 $0x0  }
0x16: {  	s3 =	sld [smem:$0x3FDB];
	s0 =	simm.s32 @p2 $0x1  }
0x17: {  	s4 =	simm.s32 $0x1BF5;
	[smem:$0x3FAA] =	sst s0  }
0x18: {  	s0 =	sld [smem:$0x3F8D];
	_ =	swait.ge [sflag:s4], $0x0  }
0x19: {  	s7 =	sld [smem:$0x3F8E]  }
0x1a: {  	s8 =	sadd.s32 $0xFFFFE003, lr  }
0x1b: {  	s9 =	sadd.s32 $0xFFFFFEF7, lr;
	s5 =	simm.s32 $0xFFFFFFFF;
	p2 =	slt.u32 s8, $0xFFFFF086  }
0x1c: {  	p1 =	slt.u32 s9, $0xF7A;
	s5 =	simm.s32 @!p2 $0x0  }
0x1d: {  	s5 =	simm.s32 @p1 $0x1;
	p0 =	seq.s32 s7, s2  }
0x1e: {  	s7 =	smul.u32 @!p0 $0xF7A, s2;
	p2 =	seq.s32 @!p0 s5, $0x0  }
0x1f: {  	s9 =	smul.u32 $0xF7A, s1;
	s8 =	simm.s32 @!p0 $0x1BF5;
	p2 =	por !p2, p0  }
0x20: {  	[sflag:s8] =	ssyncset.s32 @!p0 $0xFFFFF086;
	s6 =	sadd.s32 @!p0 s3, s7;
	s7 =	simm.s32 @!p0 $0x108  }
0x21: {  	s3 =	sadd.s32 s3, s9;
	s6 =	sadd.s32 @!p0 $0x88, s6;
	s7 =	simm.s32 @p2 $0x1082  }
0x22: {  	[simem:s7], [sflag:s8] =	dma.local @!p0 [hbm:s6], $0xF7A  }
0x23: {  	s9 =	sor.u32 $0xD0000000, s2;
	s6 =	simm.s32 $0x108;
	_ =	swait.ge @!p0 [sflag:s8], $0x0  }
0x24: {  	s3 =	sadd.s32 $0x88, s3;
	s6 =	simm.s32 @!p1 $0x1082;
	[sflag:s4] =	ssyncset.s32 $0xFFFFF086  }
0x25: {  	[simem:s6], [sflag:s4] =	dma.local [hbm:s3], $0xF7A  }
0x26: {  	[smem:$0x3F8E] =	sst s1;
	(tag) =	ssettag s2;
	_ =	strace s9  }
0x27: {  	s1 =	sld [smem:$0x3F9E]  }
0x28: {  	s2 =	sld [smem:$0x3F9F]  }
0x29: {  	s4 =	sld [smem:$0x3FA1]  }
0x2a: {  	p0 =	seq.s32 s5, $0x0;
	s5 =	sld [smem:$0x3FA2]  }
0x2b: {  	s6 =	sld [smem:$0x3FA3]  }
0x2c: {  	s7 =	sld [smem:$0x3FA4]  }
0x2d: {  	s3 =	simm.s32 $0x108;
	s8 =	sld [smem:$0x3FA5]  }
0x2e: {  	s3 =	simm.s32 @!p0 $0x1082;
	s9 =	sld [smem:$0x3FA6]  }
0x2f: {  	lr =	sadd.s32 s0, s3;
	s0 =	sld [smem:$0x3F9D]  }
0x30: {  	s3 =	sld [smem:$0x3FA0]  }
0x31: {  	[smem:$0x3FA9] =	sst s10  }
0x32: {  	s10 =	sld [smem:$0x3FA7];
	_ =	sdelay $0x3  }
0x33: {  	p0 =	seq.s32 s10, $0x1;
	s10 =	sld [smem:$0x3FA9];
	_ =	sdelay $0x3  }
0x34: {  	[smem:$0x3FA9] =	sst s10  }
0x35: {  	s10 =	sld [smem:$0x3FA8];
	_ =	sdelay $0x3  }
0x36: {  	p1 =	seq.s32 s10, $0x1;
	s10 =	sld [smem:$0x3FA9];
	_ =	sdelay $0x3  }
0x37: {  	[smem:$0x3FA9] =	sst s10  }
0x38: {  	s10 =	sld [smem:$0x3FAA]  }
0x39: {  	_ = 	snop;
	(pc) =	sbr.ind lr, $3  }
0x3a: {  	_ = 	snop  }
0x3b: {  	_ = 	snop  }
0x3c: {  	p2 =	seq.s32 s10, $0x1;
	s10 =	sld [smem:$0x3FA9]  }
0x3d: {  	_ =	shalt  }
0x3e: {  	_ =	shalt  }
0x3f: {  	_ =	shalt  }
0x40: {  	_ =	shalt  }
0x41: {  	_ =	shalt  }
0x42: {  	_ =	shalt  }
0x43: {  	_ =	shalt  }
0x44: {  	_ =	shalt  }
0x45: {  	_ =	shalt  }
0x46: {  	_ =	shalt  }
0x47: {  	_ =	shalt  }
0x48: {  	_ =	shalt  }
0x49: {  	_ =	shalt  }
0x4a: {  	_ =	shalt  }
0x4b: {  	_ =	shalt  }
0x4c: {  	_ =	shalt  }
0x4d: {  	_ =	shalt  }
0x4e: {  	_ =	shalt  }
0x4f: {  	_ =	shalt  }
0x50: {  	_ =	shalt  }
0x51: {  	_ =	shalt  }
0x52: {  	_ =	shalt  }
0x53: {  	_ =	shalt  }
0x54: {  	_ =	shalt  }
0x55: {  	_ =	shalt  }
0x56: {  	_ =	shalt  }
0x57: {  	_ =	shalt  }
0x58: {  	_ =	shalt  }
0x59: {  	_ =	shalt  }
0x5a: {  	_ =	shalt  }
0x5b: {  	_ =	shalt  }
0x5c: {  	_ =	shalt  }
0x5d: {  	_ =	shalt  }
0x5e: {  	_ =	shalt  }
0x5f: {  	_ =	shalt  }
0x60: {  	_ =	shalt  }
0x61: {  	_ =	shalt  }
0x62: {  	_ =	shalt  }
0x63: {  	_ =	shalt  }
0x64: {  	_ =	shalt  }
0x65: {  	_ =	shalt  }
0x66: {  	_ =	shalt  }
0x67: {  	_ =	shalt  }
0x68: {  	_ =	shalt  }
0x69: {  	_ =	shalt  }
0x6a: {  	_ =	shalt  }
0x6b: {  	_ =	shalt  }
0x6c: {  	_ =	shalt  }
0x6d: {  	_ =	shalt  }
0x6e: {  	_ =	shalt  }
0x6f: {  	_ =	shalt  }
0x70: {  	_ =	shalt  }
0x71: {  	_ =	shalt  }
0x72: {  	_ =	shalt  }
0x73: {  	_ =	shalt  }
0x74: {  	_ =	shalt  }
0x75: {  	_ =	shalt  }
0x76: {  	_ =	shalt  }
0x77: {  	_ =	shalt  }
0x78: {  	_ =	shalt  }
0x79: {  	_ =	shalt  }
0x7a: {  	_ =	shalt  }
0x7b: {  	_ =	shalt  }
0x7c: {  	_ =	shalt  }
0x7d: {  	_ =	shalt  }
0x7e: {  	_ =	shalt  }
0x7f: {  	_ =	shalt  }
0x80: {  	_ =	shalt  }
0x81: {  	_ =	shalt  }
0x82: {  	_ =	shalt  }
0x83: {  	_ =	shalt  }
0x84: {  	_ =	shalt  }
0x85: {  	_ =	shalt  }
0x86: {  	_ =	shalt  }
0x87: {  	_ =	shalt  }
.Lfunc_end0:
.L_simem_size_0:
called_computation_lowered:
.L_overlay_start_0:
0x88: {  	s2 =	sld [smem:$0x3FD9]  }
0x89: {  	s3 =	sld [smem:$0x3FFE];
	_ =	sdelay $0x1  }
0x8a: {  	s1 =	srdreg.scid  }
0x8b: {  	s0 =	sand.u32 $0x1, s1  }
0x8c: {  	s17 =	sshll.u32 s0, $0xA;
	s2 =	sadd.s32 s3, s2  }
0x8d: {  	s2 =	sadd.s32 s2, s17  }
0x8e: {  	[smem:$0x3FB5] =	sst s2  }
0x8f: {  	_ = 	snop  }
0x90: {  	s2 =	sld [smem:$0x3FC8];
	(tm) =	ssettm $0x1  }
0x91: {  	s18 =	sld [smem:$0x3FFB];
	_ =	sdelay $0x3  }
0x92: {  	_ =	strace s18  }
0x93: {  	s3 =	sld [smem:$0x3FFC];
	_ =	sdelay $0x3  }
0x94: {  	_ =	strace s3  }
0x95: {  	s3 =	sld [smem:$0x3FFD];
	_ =	sdelay $0x3  }
0x96: {  	_ =	strace s3  }
0x97: {  	_ =	strace $0x8FFFFFFF  }
0x98: {  	s19 =	sld [smem:$0x3FDB];
	_ =	sdelay $0x1  }
0x99: {  	s4 =	simm.s32 $_scs_section_size  }
0x9a: {  	s5 =	simm.s32 $_size__tile_overlayer_lowered;
	s6 =	simm.s32 $_tile_overlayer_lowered  }
0x9b: {  	s22 =	simm.s32 $0x1BFF;
	s21 =	sshll.u32 s6, $0x1;
	s3 =	sadd.s32 s4, s19  }
0x9c: {  	s7 =	simm.s32 $0x0;
	s20 =	sshll.u32 s5, $0x1;
	s5 =	sadd.s32 s21, s3  }
0x9d: {  	[timem:s7], [sflag:s22] =	dma.local [hbm:s5], s20  }
0x9e: {  	_ =	swait.ge [sflag:s22], s20  }
0x9f: {  	s4 =	ssub.s32 $0x0, s20;
	[sflag:s22] =	ssyncset.done $0x0  }
0xa0: {  	[sflag:s22] =	ssyncadd.s32 s4;
	_ =	sdelay $0x1  }
0xa1: {  	s23 =	simm.s32 $0x1B8B  }
0xa2: {  	_ =	swait.ge [sflag:s23], $0x1  }
0xa3: {  	[sflag:s23] =	ssyncset.done $0x0  }
0xa4: {  	s25 =	simm.s32 $0x1B8E;
	s24 =	sld [smem:$0x3FFE];
	[sflag:s23] =	ssyncadd.s32 $0xFFFFFFFF  }
0xa5: {  	s26 =	simm.s32 $execute0_lowered;
	[smem:$0x3FD2] =	sst s25  }
0xa6: {  	s5 =	sshll.u32 s26, $0x1;
	_ =	strace $0x80000046;
	[dreg:$0x1] =	wrdreg $0xFFFFFFFF  }
0xa7: {  	s28 =	simm.s32 $_size_execute0_lowered;
	s3 =	sadd.s32 s3, s5;
	[dreg:$0x0] =	wrdreg $0x0  }
0xa8: {  	s5 =	sshll.u32 s28, $0x1;
	[dreg:$0x2] =	wrdreg s3  }
0xa9: {  	[dreg:$0x3] =	wrdreg s5  }
0xaa: {  	[dreg:$0x4] =	wrdreg $0xC0  }
0xab: {  	_ =	task [dreg:s7], $0x5FFFF  }
0xac: {  	[dreg:$0x1] =	wrdreg $0xFFFFFFFF  }
0xad: {  	[dreg:$0x0] =	wrdreg $0x60  }
0xae: {  	[dreg:$0x2] =	wrdreg s24  }
0xaf: {  	[dreg:$0x3] =	wrdreg s2  }
0xb0: {  	[dreg:$0x4] =	wrdreg $0x9  }
0xb1: {  	_ =	task.clear_ibuf [dreg:s7], $0x5FFFF;
	_ =	strace $0x90000046  }
0xb2: {  	s29 =	simm.s32 $0x9;
	_ =	strace $0x80000048  }
0xb3: {  	_ =	swait.ge [sflag:s29], $0x1  }
0xb4: {  	[sflag:s29] =	ssyncadd.s32 $0xFFFFFFFF  }
0xb5: {  	_ =	strace $0x90000048  }
0xb6: {  	_ =	sfence  }
0xb7: {  	s30 =	sld [smem:$0x0];
	_ =	sdelay $0x2  }
0xb8: {  	s31 =	sshll.u32 s1, $0xD;
	s1 =	sshrl.u32 s1, $0x2  }
0xb9: {  	s3 =	sand.u32 $0x4000, s31;
	s1 =	sadd.s32 s1, s30  }
0xba: {  	s0 =	sor.u32 s3, s0;
	s1 =	sshll.u32 s1, $0x11  }
0xbb: {  	s0 =	sor.u32 s1, s0  }
0xbc: {  	s0 =	sadd.s32 $0x8F2B, s0  }
0xbd: {  	[sflag:s0] =	ssyncadd.remote.s32 $0x1  }
0xbe: {  	_ =	sfence.sel $0xFFFF  }
0xbf: {  	[dreg:$0x0] =	wrdreg $0xFFFFFFFF;
	(pc) =	sbr.abs _section_cstart, $3  }
0xc0: {  	[dreg:$0x1] =	wrdreg $0xFFFFFFFF  }
0xc1: {  	_ =	task.clear_ibuf [dreg:s7], $0x2FFFF;
	_ =	strace $0x9FFFFFFF  }
0xc2: {  	(tm) =	ssettm $0x7FFFFFFF  }
0xc3: {  	_ =	shalt  }
tec
execute0_lowered:
.L_overlay_start_1:
0x0: {  	(tag) =	ssettag $0x1  }
0x1: {  	s1 =	srdreg.scid;
	s9 =	rddreg [dreg:$0x0]  }
0x2: {  	s0 =	stileid.u32;
	s3 =	rddreg [dreg:$0x1]  }
0x3: {  	s2 =	simm.s32 $0x0;
	s7 =	simm.s32 $0x80;
	s6 =	sand.u32 $0x1, s1  }
0x4: {  	s4 =	sshll.u32 s0, $0x6;
	s1 =	rddreg [dreg:$0x2];
	s5 =	sshll.u32 s6, $0x5  }
0x5: {  	s8 =	simm.s32 $0x1;
	[smem:$0x7FF] =	sst s2;
	s10 =	sor.u32 s5, s4  }
0x6: {  	_ =	strace $0x80000047;
	s11 =	ssub.s32 $0x2, s6;
	s4 =	sshrl.u32 s10, $0x3  }
0x7: {  	s6 =	simm.s32 $0x20;
	s4 =	sadd.s32 s3, s4;
	s3 =	simm.s32 $0x2  }
0x8: {  	[tilespmem:s2], [sflag:$0x2] =	stream.linear.gather [hbm4b:s4+s2], $0x20, $0x38;
	[tilespmem:$0x1080] =	vst v63  }
0x9: {  	s5 =	sadd.s32 $0x3000, s9;
	s12 =	sshrl.u32 s11, $0x1;
	_ =	swait.ge [sflag:s3], $0x20  }
0xa: {  	s10 =	sshll.u32 s10, $0x4;
	s31 =	ssub.s32 s11, s12;
	[sflag:s3] =	ssyncset.done $0x0  }
0xb: {  	s9 =	sadd.s32 s10, s9;
	s10 =	smax.u32 s31, $0x1;
	[sflag:s3] =	ssyncadd.s32 $0xFFFFFFE0  }
0xc: {  	[tilespmem:s7], [sflag:$0x1] =	stream.indirect.gather [hbm4b:s5+s6], $0x80, s2, s6, $0xb8;
	[tilespmem:$0x1080] =	vst v63  }
0xd: {  	p0 =	sne.s32 s10, $0x1;
	_ =	swait.ge [sflag:s8], $0x1000  }
.Ltmp0:
0xe: {  	[sflag:s8] =	ssyncset.done $0x0;
	(pc) =	sbr.rel @!p0 .LBB2_2-.Ltmp0, $4  }
0xf: {  	s9 =	sadd.s32 $0x2B400, s9;
	[sflag:s8] =	ssyncadd.s32 $0xFFFFF000  }
0x10: {  	[hbm4b:s9+s2] =	stream.linear.scatter [tilespmem:s7], [sflag:$0x2], $0x1000, $0x38;
	[tilespmem:$0x1080] =	vst v63  }
0x11: {  	_ =	swait.ge [sflag:s3], $0x1000  }
0x12: {  	s10 =	sadd.s32 $0xFFFFFFFF, s10;
	[sflag:s3] =	ssyncset.done $0x0  }
.LBB2_1:
0x13: {  	p0 =	sne.s32 s10, $0x1;
	s10 =	sadd.s32 $0xFFFFFFFF, s10;
	[sflag:s3] =	ssyncadd.s32 $0xFFFFF000  }
0x14: {  	[tilespmem:s2], [sflag:$0x2] =	stream.linear.gather [hbm4b:s4+s2], $0x20, $0x38;
	[tilespmem:$0x1080] =	vst v63  }
0x15: {  	_ =	swait.ge [sflag:s3], $0x20  }
0x16: {  	[sflag:s3] =	ssyncset.done $0x0  }
0x17: {  	[sflag:s3] =	ssyncadd.s32 $0xFFFFFFE0  }
0x18: {  	[tilespmem:s7], [sflag:$0x1] =	stream.indirect.gather [hbm4b:s5+s6], $0x80, s2, s6, $0xb8;
	[tilespmem:$0x1080] =	vst v63  }
0x19: {  	_ =	swait.ge [sflag:s8], $0x1000  }
.Ltmp1:
0x1a: {  	[sflag:s8] =	ssyncset.done $0x0;
	(pc) =	sbr.rel @p0 .LBB2_1-.Ltmp1, $4  }
0x1b: {  	[sflag:s8] =	ssyncadd.s32 $0xFFFFF000  }
0x1c: {  	[hbm4b:s9+s2] =	stream.linear.scatter [tilespmem:s7], [sflag:$0x2], $0x1000, $0x38;
	[tilespmem:$0x1080] =	vst v63  }
0x1d: {  	_ =	swait.ge [sflag:s3], $0x1000  }
0x1e: {  	[sflag:s3] =	ssyncset.done $0x0  }
.LBB2_2:
0x1f: {  	[sflag:s3] =	ssyncadd.s32 $0xFFFFF000  }
0x20: {  	_ =	sfence.sel $0x180000  }
0x21: {  	[bflag:$0x0] =	sbarrier.arrive $0xFFFF  }
0x22: {  	p0 =	sne.s32 s0, $0x0;
	_ =	strace $0x90000047  }
0x23: {  	s0 =	sadd.s32 @!p0 $0x100000, s1;
	[bflag:$0x2] =	sbarrier.arrive $0xFFFF  }
0x24: {  	[sflag:s0] =	ssyncadd.tile.s32 @!p0 $0x1;
	_ =	shalt  }
.Lfunc_end2:
_tile_overlayer_lowered:
.L_overlay_start_2:
0x25: {  	(tag) =	ssettag $0x2  }
0x26: {  	s0 =	rddreg [dreg:$0x0];
	s2 =	stileid.u32  }
0x27: {  	s1 =	rddreg [dreg:$0x1];
	p0 =	sne.s32 s2, $0x0  }
0x28: {  	s3 =	rddreg [dreg:$0x2];
	[bflag:$0x3] =	sbarrier.arrive $0xFFFF;
	s2 =	simm.s32 @!p0 $0x1C02  }
0x29: {  	[timem:s3], [sflag:s2] =	dma.local @!p0 [hbm:s0], s1  }
0x2a: {  	s0 =	simm.s32 @!p0 $0x2  }
0x2b: {  	_ =	swait.ge @!p0 [sflag:s0], s1  }
0x2c: {  	s1 =	ssub.s32 @!p0 $0x0, s1;
	[sflag:s0] =	ssyncset.done @!p0 $0x0  }
0x2d: {  	[sflag:s0] =	ssyncadd.s32 @!p0 s1  }
0x2e: {  	[bflag:$0x3] =	sbarrier.arrive $0xFFFF  }
0x2f: {  	_ =	shalt  }

</sc_bundles>
